<compile_context>
chip_gen: v7x
topology: tpu7x:2x2x1
jax: 0.10.2.dev20260603
libtpu: 0.0.44.dev20260713+nightly
codegen_flags: <defaults>
</compile_context>

<pallas_src>
import functools

import jax
import jax.numpy as jnp
from jax import lax
from jax.experimental import pallas as pl
from jax.experimental.pallas import tpu as pltpu
from jax.experimental.pallas import tpu_sc as plsc

N = 10000
E = 320000
C = 128
K = 27
NT = 16
NC = 2
NP = 10112
RPT = NP // NT
NW = NC * NT
B = 128
STEPS = 80
CH = 40
EPAD = NW * STEPS * B
EPS = 1e-5



def _einsum_body(h_ref, w_ref, o_ref):
  o_ref[...] = jnp.dot(h_ref[...], w_ref[0], preferred_element_type=jnp.float32)


def _einsum_tc(h, W):
  return pl.pallas_call(
      _einsum_body,
      grid=(K,),
      in_specs=[pl.BlockSpec((NP, C), lambda k: (0, 0)),
                pl.BlockSpec((1, C, C), lambda k: (k, 0, 0))],
      out_specs=pl.BlockSpec((NP, C), lambda k: (k, 0)),
      out_shape=jax.ShapeDtypeStruct((K * NP, C), jnp.float32),
  )(h, W)


def _bn_from_partials(p_ref, g_ref, b_ref):
  h = p_ref[0] + p_ref[1]
  rows = lax.broadcasted_iota(jnp.int32, (NP, C), 0)
  hm = jnp.where(rows < N, h, 0.0)
  m = jnp.sum(hm, axis=0) / N
  v = jnp.sum(hm * hm, axis=0) / N - m * m
  a = g_ref[0] * lax.rsqrt(v + EPS)
  c = b_ref[0] - m * a
  return h, a, c


def _bn_relu_einsum_body(p_ref, g_ref, b_ref, w_ref, o_ref, h_scr):
  @pl.when(pl.program_id(0) == 0)
  def _():
    h, a, c = _bn_from_partials(p_ref, g_ref, b_ref)
    h_scr[...] = jnp.maximum(h * a + c, 0.0)
  o_ref[...] = jnp.dot(h_scr[...], w_ref[0], preferred_element_type=jnp.float32)


def _bn_relu_einsum_tc(partials, g, b, W):
  return pl.pallas_call(
      _bn_relu_einsum_body,
      grid=(K,),
      in_specs=[pl.BlockSpec((NC, NP, C), lambda k: (0, 0, 0)),
                pl.BlockSpec((1, C), lambda k: (0, 0)),
                pl.BlockSpec((1, C), lambda k: (0, 0)),
                pl.BlockSpec((1, C, C), lambda k: (k, 0, 0))],
      out_specs=pl.BlockSpec((NP, C), lambda k: (k, 0)),
      out_shape=jax.ShapeDtypeStruct((K * NP, C), jnp.float32),
      scratch_shapes=[pltpu.VMEM((NP, C), jnp.float32)],
  )(partials, g, b, W)


def _bn_residual_body(p_ref, g_ref, b_ref, x_ref, o_ref):
  h, a, c = _bn_from_partials(p_ref, g_ref, b_ref)
  o_ref[...] = jnp.maximum(h * a + c + x_ref[...], 0.0)


def _bn_residual_tc(partials, g, b, x):
  return pl.pallas_call(
      _bn_residual_body,
      out_shape=jax.ShapeDtypeStruct((NP, C), jnp.float32),
  )(partials, g, b, x)



def _sc_conv_body(y_hbm, gidx_hbm, dst_hbm, zeros_hbm, out_hbm,
                  gidx_v, dst_v, rows_v, acc, sem0, sem1):
  c = lax.axis_index("c")
  s = lax.axis_index("s")
  wid = s * NC + c
  pltpu.sync_copy(zeros_hbm, rows_v.at[0])
  for r in range(RPT // B):
    pltpu.sync_copy(rows_v.at[0], acc.at[pl.ds(s * RPT + r * B, B)])
  pltpu.sync_copy(rows_v.at[0].at[pl.ds(0, RPT % B)],
                  acc.at[pl.ds(s * RPT + (RPT // B) * B, RPT % B)])
  plsc.subcore_barrier()

  sems = (sem0, sem1)

  def step(i, bb):
    pltpu.make_async_copy(y_hbm.at[gidx_v.at[i]], rows_v.at[bb], sems[bb]).wait()
    pltpu.sync_copy(rows_v.at[bb], acc.at[dst_v.at[i]], add=True)

  def body(it, carry):
    for bb in range(2):
      i = it * 2 + bb
      step(i, bb)
      pltpu.async_copy(y_hbm.at[gidx_v.at[i + 2]], rows_v.at[bb], sems[bb])
    return carry

  for ch in range(STEPS // CH):
    pltpu.sync_copy(gidx_hbm.at[wid, pl.ds(ch * CH, CH)], gidx_v)
    pltpu.sync_copy(dst_hbm.at[wid, pl.ds(ch * CH, CH)], dst_v)
    pltpu.async_copy(y_hbm.at[gidx_v.at[0]], rows_v.at[0], sem0)
    pltpu.async_copy(y_hbm.at[gidx_v.at[1]], rows_v.at[1], sem1)
    lax.fori_loop(0, CH // 2 - 1, body, 0)
    for bb in range(2):
      step(CH - 2 + bb, bb)

  plsc.subcore_barrier()
  pltpu.sync_copy(acc.at[pl.ds(s * RPT, RPT)],
                  out_hbm.at[c, pl.ds(s * RPT, RPT)])


@functools.lru_cache(maxsize=1)
def _sc_conv_fn():
  return pl.kernel(
      _sc_conv_body,
      mesh=plsc.VectorSubcoreMesh(core_axis_name="c", subcore_axis_name="s"),
      out_type=jax.ShapeDtypeStruct((NC, NP, C), jnp.float32),
      scratch_types=[
          pltpu.VMEM((CH, B), jnp.int32),
          pltpu.VMEM((CH, B), jnp.int32),
          pltpu.VMEM((2, B, C), jnp.float32),
          pltpu.VMEM_SHARED((NP, C), jnp.float32),
          pltpu.SemaphoreType.DMA,
          pltpu.SemaphoreType.DMA,
      ],
  )


def _sc_conv(y, gidx_w, dst_w, zeros):
  return _sc_conv_fn()(y, gidx_w, dst_w, zeros)



def kernel(x, edge_index, kernel_offset, W1, g1, b1, W2, g2, b2):
  src = edge_index[0].astype(jnp.int32)
  dst = edge_index[1].astype(jnp.int32)
  koff = kernel_offset.astype(jnp.int32)

  gidx = koff * NP + src
  pad = EPAD - E
  pad_dst = N + jnp.arange(pad, dtype=jnp.int32) % (NP - N)
  pad_gidx = jnp.arange(pad, dtype=jnp.int32)
  gidx_w = jnp.concatenate([gidx, pad_gidx]).reshape(NW, STEPS, B)
  dst_w = jnp.concatenate([dst, pad_dst]).reshape(NW, STEPS, B)
  zeros = jnp.zeros((B, C), jnp.float32)
  x_p = jnp.pad(x, ((0, NP - N), (0, 0)))
  g1r, b1r = g1.reshape(1, C), b1.reshape(1, C)
  g2r, b2r = g2.reshape(1, C), b2.reshape(1, C)

  y1 = _einsum_tc(x_p, W1)
  p1 = _sc_conv(y1, gidx_w, dst_w, zeros)
  y2 = _bn_relu_einsum_tc(p1, g1r, b1r, W2)
  p2 = _sc_conv(y2, gidx_w, dst_w, zeros)
  out = _bn_residual_tc(p2, g2r, b2r, x_p)
  return out[:N]

# --- scband reference (transcript-rebuilt; emitter-appended) ---
"""Pipeline reference for scband-sparse-res-block-45844480917741 (READ-ONLY COPY).

The authoritative reference and input builder live on the scoring server;
editing this copy changes nothing except your own understanding.
"""

import jax, jax.numpy as jnp
import numpy as np

N = 10000
E = 320000
C_IN = 128
C_OUT = 128
K_VOL = 27  # kernel_size=3 in 3D -> 3**3 offsets


def setup_inputs(seed: int = 0) -> dict:
    key = jax.random.key(seed)
    ks = jax.random.split(key, 8)
    x = jax.random.normal(ks[0], (N, C_IN), dtype=jnp.float32)
    edge_index = jax.random.randint(ks[1], (2, E), 0, N)
    kernel_offset = jax.random.randint(ks[2], (E,), 0, K_VOL)
    # learned params: two sparse-conv weight banks (one [Cin,Cout] matrix per kernel offset)
    W1 = jax.random.normal(ks[3], (K_VOL, C_IN, C_OUT), dtype=jnp.float32) * 0.05
    W2 = jax.random.normal(ks[4], (K_VOL, C_OUT, C_OUT), dtype=jnp.float32) * 0.05
    g1 = jnp.ones((C_OUT,), dtype=jnp.float32)
    b1 = jnp.zeros((C_OUT,), dtype=jnp.float32)
    g2 = jnp.ones((C_OUT,), dtype=jnp.float32)
    b2 = jnp.zeros((C_OUT,), dtype=jnp.float32)
    return {"x": x, "edge_index": edge_index, "kernel_offset": kernel_offset,
            "W1": W1, "g1": g1, "b1": b1, "W2": W2, "g2": g2, "b2": b2}


def _sparse_conv(h, W, src, dst, koff, n_nodes):
    # msg_e = h[src_e] @ W[koff_e]; computed as per-offset dense matmul then gather,
    # which is mathematically identical and avoids materializing [E, Cin, Cout].
    Y = jnp.einsum('nc,kcd->knd', h, W)          # [K, N, Cout]
    msg = Y[koff, src]                            # gather  [E, Cout]
    out = jnp.zeros((n_nodes, W.shape[-1]), dtype=h.dtype).at[dst].add(msg)  # scatter-add
    return out


def _bn(h, gamma, beta, eps=1e-5):
    m = jnp.mean(h, axis=0)
    v = jnp.var(h, axis=0)
    return gamma * (h - m) / jnp.sqrt(v + eps) + beta


def reference(x, edge_index, kernel_offset, W1, g1, b1, W2, g2, b2):
    src = edge_index[0]
    dst = edge_index[1]
    n = x.shape[0]
    # main branch: SparseConv -> BN -> ReLU -> SparseConv -> BN
    h = _sparse_conv(x, W1, src, dst, kernel_offset, n)
    h = _bn(h, g1, b1)
    h = jax.nn.relu(h)
    h = _sparse_conv(h, W2, src, dst, kernel_offset, n)
    h = _bn(h, g2, b2)
    # shortcut: Identity (in_channels == out_channels and stride == 1)
    out = jax.nn.relu(h + x)
    return out

if __name__ == "__main__":
    import jax
    _d = setup_inputs()
    print(jax.jit(kernel)(*tuple(_d.values())))

</pallas_src>

<mosaic_0001>
#map = affine_map<(d0, d1) -> (0, 0)>
#map1 = affine_map<(d0, d1) -> (0, 0, 0)>
module attributes {stable_mosaic.version = 14 : i64} {
  func.func @_sc_conv_body(%arg0: i32, %arg1: i32, %arg2: memref<273024x128xf32, #tpu.memory_space<hbm>>, %arg3: memref<32x80x128xi32, #tpu.memory_space<hbm>>, %arg4: memref<32x80x128xi32, #tpu.memory_space<hbm>>, %arg5: memref<128x128xf32, #tpu.memory_space<hbm>>, %arg6: memref<2x10112x128xf32, #tpu.memory_space<hbm>>, %arg7: memref<40x128xi32, #tpu.memory_space<vmem>>, %arg8: memref<40x128xi32, #tpu.memory_space<vmem>>, %arg9: memref<2x128x128xf32, #tpu.memory_space<vmem>>, %arg10: memref<10112x128xf32, #tpu.memory_space<vmem_shared>>, %arg11: memref<!tpu.dma_semaphore, #tpu.memory_space<semaphore_mem>>, %arg12: memref<!tpu.dma_semaphore, #tpu.memory_space<semaphore_mem>>) attributes {dimension_semantics = [#tpu.dimension_semantics<core_parallel>, #tpu.dimension_semantics<subcore_parallel>], iteration_bounds = array<i64: 2, 16>, scalar_prefetch = 0 : i64, scratch_operands = 6 : i64, tpu.core_type = #tpu.core_type<sc_vector_subcore>, window_params = [{transform_indices = #map}, {transform_indices = #map1}, {transform_indices = #map1}, {transform_indices = #map}, {transform_indices = #map1}]} {
    %mul3A = arith.constant 2 : i32
    %mul3A_0 = arith.muli %arg1, %mul3A : i32
    %add3A = arith.addi %mul3A_0, %arg0 : i32
    %run_scoped3A = arith.constant 0 : i32
    "tpu.region"() ({
      %run_scoped3A_144 = tpu.sem_alloc : memref<!tpu.dma_semaphore, #tpu.memory_space<semaphore_mem>>
      %dma_start3A_145 = arith.constant 0 : i32
      %dma_start3A_146 = arith.constant 0 : i32
      %dma_start3A_147 = tpu.memref_slice %arg9[%run_scoped3A, %dma_start3A_145, %dma_start3A_146] : memref<2x128x128xf32, #tpu.memory_space<vmem>> -> memref<1x128x128xf32, #tpu.memory_space<vmem>>
      %dma_start3A_148 = tpu.memref_squeeze %dma_start3A_147 : memref<1x128x128xf32, #tpu.memory_space<vmem>> -> memref<128x128xf32, #tpu.memory_space<vmem>>
      %dma_start3A_149 = arith.constant 0 : i32
      %dma_start3A_150 = arith.constant 0 : i32
      %dma_start3A_151 = tpu.memref_slice %arg9[%run_scoped3A, %dma_start3A_149, %dma_start3A_150] : memref<2x128x128xf32, #tpu.memory_space<vmem>> -> memref<1x128x128xf32, #tpu.memory_space<vmem>>
      %dma_start3A_152 = tpu.memref_squeeze %dma_start3A_151 : memref<1x128x128xf32, #tpu.memory_space<vmem>> -> memref<128x128xf32, #tpu.memory_space<vmem>>
      tpu.enqueue_dma source(%arg5 : memref<128x128xf32, #tpu.memory_space<hbm>>) target(%dma_start3A_152 : memref<128x128xf32, #tpu.memory_space<vmem>>) target_semaphore(%run_scoped3A_144 : memref<!tpu.dma_semaphore, #tpu.memory_space<semaphore_mem>>)
      %dma_wait3A_153 = arith.constant 0 : i32
      %dma_wait3A_154 = arith.constant 0 : i32
      %dma_wait3A_155 = tpu.memref_slice %arg9[%run_scoped3A, %dma_wait3A_153, %dma_wait3A_154] : memref<2x128x128xf32, #tpu.memory_space<vmem>> -> memref<1x128x128xf32, #tpu.memory_space<vmem>>
      %dma_wait3A_156 = tpu.memref_squeeze %dma_wait3A_155 : memref<1x128x128xf32, #tpu.memory_space<vmem>> -> memref<128x128xf32, #tpu.memory_space<vmem>>
      %dma_wait3A_157 = arith.constant 0 : i32
      %dma_wait3A_158 = arith.constant 0 : i32
      %dma_wait3A_159 = tpu.memref_slice %arg9[%run_scoped3A, %dma_wait3A_157, %dma_wait3A_158] : memref<2x128x128xf32, #tpu.memory_space<vmem>> -> memref<1x128x128xf32, #tpu.memory_space<vmem>>
      %dma_wait3A_160 = tpu.memref_squeeze %dma_wait3A_159 : memref<1x128x128xf32, #tpu.memory_space<vmem>> -> memref<128x128xf32, #tpu.memory_space<vmem>>
      tpu.wait_dma2 semaphore(%run_scoped3A_144 : memref<!tpu.dma_semaphore, #tpu.memory_space<semaphore_mem>>) src(%arg5 : memref<128x128xf32, #tpu.memory_space<hbm>>) dst(%dma_wait3A_160 : memref<128x128xf32, #tpu.memory_space<vmem>>)
      tpu.yield
    }) : () -> ()
    %mul3A_1 = arith.constant 632 : i32
    %mul3A_2 = arith.muli %arg1, %mul3A_1 : i32
    %add3A_3 = arith.constant 0 : i32
    %add3A_4 = arith.addi %mul3A_2, %add3A_3 : i32
    %run_scoped3A_5 = arith.constant 0 : i32
    "tpu.region"() ({
      %run_scoped3A_144 = tpu.sem_alloc : memref<!tpu.dma_semaphore, #tpu.memory_space<semaphore_mem>>
      %dma_start3A_145 = arith.constant 0 : i32
      %dma_start3A_146 = arith.constant 0 : i32
      %dma_start3A_147 = tpu.memref_slice %arg9[%run_scoped3A_5, %dma_start3A_145, %dma_start3A_146] : memref<2x128x128xf32, #tpu.memory_space<vmem>> -> memref<1x128x128xf32, #tpu.memory_space<vmem>>
      %dma_start3A_148 = tpu.memref_squeeze %dma_start3A_147 : memref<1x128x128xf32, #tpu.memory_space<vmem>> -> memref<128x128xf32, #tpu.memory_space<vmem>>
      %dma_start3A_149 = arith.constant 0 : i32
      %dma_start3A_150 = tpu.memref_slice %arg10[%add3A_4, %dma_start3A_149] : memref<10112x128xf32, #tpu.memory_space<vmem_shared>> -> memref<128x128xf32, #tpu.memory_space<vmem_shared>>
      %dma_start3A_151 = arith.constant 0 : i32
      %dma_start3A_152 = tpu.memref_slice %arg10[%add3A_4, %dma_start3A_151] : memref<10112x128xf32, #tpu.memory_space<vmem_shared>> -> memref<128x128xf32, #tpu.memory_space<vmem_shared>>
      %dma_start3A_153 = arith.constant 0 : i32
      %dma_start3A_154 = arith.constant 0 : i32
      %dma_start3A_155 = tpu.memref_slice %arg9[%run_scoped3A_5, %dma_start3A_153, %dma_start3A_154] : memref<2x128x128xf32, #tpu.memory_space<vmem>> -> memref<1x128x128xf32, #tpu.memory_space<vmem>>
      %dma_start3A_156 = tpu.memref_squeeze %dma_start3A_155 : memref<1x128x128xf32, #tpu.memory_space<vmem>> -> memref<128x128xf32, #tpu.memory_space<vmem>>
      tpu.enqueue_dma source(%dma_start3A_156 : memref<128x128xf32, #tpu.memory_space<vmem>>) target(%dma_start3A_152 : memref<128x128xf32, #tpu.memory_space<vmem_shared>>) target_semaphore(%run_scoped3A_144 : memref<!tpu.dma_semaphore, #tpu.memory_space<semaphore_mem>>)
      %dma_wait3A_157 = arith.constant 0 : i32
      %dma_wait3A_158 = arith.constant 0 : i32
      %dma_wait3A_159 = tpu.memref_slice %arg9[%run_scoped3A_5, %dma_wait3A_157, %dma_wait3A_158] : memref<2x128x128xf32, #tpu.memory_space<vmem>> -> memref<1x128x128xf32, #tpu.memory_space<vmem>>
      %dma_wait3A_160 = tpu.memref_squeeze %dma_wait3A_159 : memref<1x128x128xf32, #tpu.memory_space<vmem>> -> memref<128x128xf32, #tpu.memory_space<vmem>>
      %dma_wait3A_161 = arith.constant 0 : i32
      %dma_wait3A_162 = tpu.memref_slice %arg10[%add3A_4, %dma_wait3A_161] : memref<10112x128xf32, #tpu.memory_space<vmem_shared>> -> memref<128x128xf32, #tpu.memory_space<vmem_shared>>
      %dma_wait3A_163 = arith.constant 0 : i32
      %dma_wait3A_164 = tpu.memref_slice %arg10[%add3A_4, %dma_wait3A_163] : memref<10112x128xf32, #tpu.memory_space<vmem_shared>> -> memref<128x128xf32, #tpu.memory_space<vmem_shared>>
      %dma_wait3A_165 = arith.constant 0 : i32
      %dma_wait3A_166 = arith.constant 0 : i32
      %dma_wait3A_167 = tpu.memref_slice %arg9[%run_scoped3A_5, %dma_wait3A_165, %dma_wait3A_166] : memref<2x128x128xf32, #tpu.memory_space<vmem>> -> memref<1x128x128xf32, #tpu.memory_space<vmem>>
      %dma_wait3A_168 = tpu.memref_squeeze %dma_wait3A_167 : memref<1x128x128xf32, #tpu.memory_space<vmem>> -> memref<128x128xf32, #tpu.memory_space<vmem>>
      tpu.wait_dma2 semaphore(%run_scoped3A_144 : memref<!tpu.dma_semaphore, #tpu.memory_space<semaphore_mem>>) src(%dma_wait3A_168 : memref<128x128xf32, #tpu.memory_space<vmem>>) dst(%dma_wait3A_164 : memref<128x128xf32, #tpu.memory_space<vmem_shared>>)
      tpu.yield
    }) : () -> ()
    %mul3A_6 = arith.constant 632 : i32
    %mul3A_7 = arith.muli %arg1, %mul3A_6 : i32
    %add3A_8 = arith.constant 128 : i32
    %add3A_9 = arith.addi %mul3A_7, %add3A_8 : i32
    %run_scoped3A_10 = arith.constant 0 : i32
    "tpu.region"() ({
      %run_scoped3A_144 = tpu.sem_alloc : memref<!tpu.dma_semaphore, #tpu.memory_space<semaphore_mem>>
      %dma_start3A_145 = arith.constant 0 : i32
      %dma_start3A_146 = arith.constant 0 : i32
      %dma_start3A_147 = tpu.memref_slice %arg9[%run_scoped3A_10, %dma_start3A_145, %dma_start3A_146] : memref<2x128x128xf32, #tpu.memory_space<vmem>> -> memref<1x128x128xf32, #tpu.memory_space<vmem>>
      %dma_start3A_148 = tpu.memref_squeeze %dma_start3A_147 : memref<1x128x128xf32, #tpu.memory_space<vmem>> -> memref<128x128xf32, #tpu.memory_space<vmem>>
      %dma_start3A_149 = arith.constant 0 : i32
      %dma_start3A_150 = tpu.memref_slice %arg10[%add3A_9, %dma_start3A_149] : memref<10112x128xf32, #tpu.memory_space<vmem_shared>> -> memref<128x128xf32, #tpu.memory_space<vmem_shared>>
      %dma_start3A_151 = arith.constant 0 : i32
      %dma_start3A_152 = tpu.memref_slice %arg10[%add3A_9, %dma_start3A_151] : memref<10112x128xf32, #tpu.memory_space<vmem_shared>> -> memref<128x128xf32, #tpu.memory_space<vmem_shared>>
      %dma_start3A_153 = arith.constant 0 : i32
      %dma_start3A_154 = arith.constant 0 : i32
      %dma_start3A_155 = tpu.memref_slice %arg9[%run_scoped3A_10, %dma_start3A_153, %dma_start3A_154] : memref<2x128x128xf32, #tpu.memory_space<vmem>> -> memref<1x128x128xf32, #tpu.memory_space<vmem>>
      %dma_start3A_156 = tpu.memref_squeeze %dma_start3A_155 : memref<1x128x128xf32, #tpu.memory_space<vmem>> -> memref<128x128xf32, #tpu.memory_space<vmem>>
      tpu.enqueue_dma source(%dma_start3A_156 : memref<128x128xf32, #tpu.memory_space<vmem>>) target(%dma_start3A_152 : memref<128x128xf32, #tpu.memory_space<vmem_shared>>) target_semaphore(%run_scoped3A_144 : memref<!tpu.dma_semaphore, #tpu.memory_space<semaphore_mem>>)
      %dma_wait3A_157 = arith.constant 0 : i32
      %dma_wait3A_158 = arith.constant 0 : i32
      %dma_wait3A_159 = tpu.memref_slice %arg9[%run_scoped3A_10, %dma_wait3A_157, %dma_wait3A_158] : memref<2x128x128xf32, #tpu.memory_space<vmem>> -> memref<1x128x128xf32, #tpu.memory_space<vmem>>
      %dma_wait3A_160 = tpu.memref_squeeze %dma_wait3A_159 : memref<1x128x128xf32, #tpu.memory_space<vmem>> -> memref<128x128xf32, #tpu.memory_space<vmem>>
      %dma_wait3A_161 = arith.constant 0 : i32
      %dma_wait3A_162 = tpu.memref_slice %arg10[%add3A_9, %dma_wait3A_161] : memref<10112x128xf32, #tpu.memory_space<vmem_shared>> -> memref<128x128xf32, #tpu.memory_space<vmem_shared>>
      %dma_wait3A_163 = arith.constant 0 : i32
      %dma_wait3A_164 = tpu.memref_slice %arg10[%add3A_9, %dma_wait3A_163] : memref<10112x128xf32, #tpu.memory_space<vmem_shared>> -> memref<128x128xf32, #tpu.memory_space<vmem_shared>>
      %dma_wait3A_165 = arith.constant 0 : i32
      %dma_wait3A_166 = arith.constant 0 : i32
      %dma_wait3A_167 = tpu.memref_slice %arg9[%run_scoped3A_10, %dma_wait3A_165, %dma_wait3A_166] : memref<2x128x128xf32, #tpu.memory_space<vmem>> -> memref<1x128x128xf32, #tpu.memory_space<vmem>>
      %dma_wait3A_168 = tpu.memref_squeeze %dma_wait3A_167 : memref<1x128x128xf32, #tpu.memory_space<vmem>> -> memref<128x128xf32, #tpu.memory_space<vmem>>
      tpu.wait_dma2 semaphore(%run_scoped3A_144 : memref<!tpu.dma_semaphore, #tpu.memory_space<semaphore_mem>>) src(%dma_wait3A_168 : memref<128x128xf32, #tpu.memory_space<vmem>>) dst(%dma_wait3A_164 : memref<128x128xf32, #tpu.memory_space<vmem_shared>>)
      tpu.yield
    }) : () -> ()
    %mul3A_11 = arith.constant 632 : i32
    %mul3A_12 = arith.muli %arg1, %mul3A_11 : i32
    %add3A_13 = arith.constant 256 : i32
    %add3A_14 = arith.addi %mul3A_12, %add3A_13 : i32
    %run_scoped3A_15 = arith.constant 0 : i32
    "tpu.region"() ({
      %run_scoped3A_144 = tpu.sem_alloc : memref<!tpu.dma_semaphore, #tpu.memory_space<semaphore_mem>>
      %dma_start3A_145 = arith.constant 0 : i32
      %dma_start3A_146 = arith.constant 0 : i32
      %dma_start3A_147 = tpu.memref_slice %arg9[%run_scoped3A_15, %dma_start3A_145, %dma_start3A_146] : memref<2x128x128xf32, #tpu.memory_space<vmem>> -> memref<1x128x128xf32, #tpu.memory_space<vmem>>
      %dma_start3A_148 = tpu.memref_squeeze %dma_start3A_147 : memref<1x128x128xf32, #tpu.memory_space<vmem>> -> memref<128x128xf32, #tpu.memory_space<vmem>>
      %dma_start3A_149 = arith.constant 0 : i32
      %dma_start3A_150 = tpu.memref_slice %arg10[%add3A_14, %dma_start3A_149] : memref<10112x128xf32, #tpu.memory_space<vmem_shared>> -> memref<128x128xf32, #tpu.memory_space<vmem_shared>>
      %dma_start3A_151 = arith.constant 0 : i32
      %dma_start3A_152 = tpu.memref_slice %arg10[%add3A_14, %dma_start3A_151] : memref<10112x128xf32, #tpu.memory_space<vmem_shared>> -> memref<128x128xf32, #tpu.memory_space<vmem_shared>>
      %dma_start3A_153 = arith.constant 0 : i32
      %dma_start3A_154 = arith.constant 0 : i32
      %dma_start3A_155 = tpu.memref_slice %arg9[%run_scoped3A_15, %dma_start3A_153, %dma_start3A_154] : memref<2x128x128xf32, #tpu.memory_space<vmem>> -> memref<1x128x128xf32, #tpu.memory_space<vmem>>
      %dma_start3A_156 = tpu.memref_squeeze %dma_start3A_155 : memref<1x128x128xf32, #tpu.memory_space<vmem>> -> memref<128x128xf32, #tpu.memory_space<vmem>>
      tpu.enqueue_dma source(%dma_start3A_156 : memref<128x128xf32, #tpu.memory_space<vmem>>) target(%dma_start3A_152 : memref<128x128xf32, #tpu.memory_space<vmem_shared>>) target_semaphore(%run_scoped3A_144 : memref<!tpu.dma_semaphore, #tpu.memory_space<semaphore_mem>>)
      %dma_wait3A_157 = arith.constant 0 : i32
      %dma_wait3A_158 = arith.constant 0 : i32
      %dma_wait3A_159 = tpu.memref_slice %arg9[%run_scoped3A_15, %dma_wait3A_157, %dma_wait3A_158] : memref<2x128x128xf32, #tpu.memory_space<vmem>> -> memref<1x128x128xf32, #tpu.memory_space<vmem>>
      %dma_wait3A_160 = tpu.memref_squeeze %dma_wait3A_159 : memref<1x128x128xf32, #tpu.memory_space<vmem>> -> memref<128x128xf32, #tpu.memory_space<vmem>>
      %dma_wait3A_161 = arith.constant 0 : i32
      %dma_wait3A_162 = tpu.memref_slice %arg10[%add3A_14, %dma_wait3A_161] : memref<10112x128xf32, #tpu.memory_space<vmem_shared>> -> memref<128x128xf32, #tpu.memory_space<vmem_shared>>
      %dma_wait3A_163 = arith.constant 0 : i32
      %dma_wait3A_164 = tpu.memref_slice %arg10[%add3A_14, %dma_wait3A_163] : memref<10112x128xf32, #tpu.memory_space<vmem_shared>> -> memref<128x128xf32, #tpu.memory_space<vmem_shared>>
      %dma_wait3A_165 = arith.constant 0 : i32
      %dma_wait3A_166 = arith.constant 0 : i32
      %dma_wait3A_167 = tpu.memref_slice %arg9[%run_scoped3A_15, %dma_wait3A_165, %dma_wait3A_166] : memref<2x128x128xf32, #tpu.memory_space<vmem>> -> memref<1x128x128xf32, #tpu.memory_space<vmem>>
      %dma_wait3A_168 = tpu.memref_squeeze %dma_wait3A_167 : memref<1x128x128xf32, #tpu.memory_space<vmem>> -> memref<128x128xf32, #tpu.memory_space<vmem>>
      tpu.wait_dma2 semaphore(%run_scoped3A_144 : memref<!tpu.dma_semaphore, #tpu.memory_space<semaphore_mem>>) src(%dma_wait3A_168 : memref<128x128xf32, #tpu.memory_space<vmem>>) dst(%dma_wait3A_164 : memref<128x128xf32, #tpu.memory_space<vmem_shared>>)
      tpu.yield
    }) : () -> ()
    %mul3A_16 = arith.constant 632 : i32
    %mul3A_17 = arith.muli %arg1, %mul3A_16 : i32
    %add3A_18 = arith.constant 384 : i32
    %add3A_19 = arith.addi %mul3A_17, %add3A_18 : i32
    %run_scoped3A_20 = arith.constant 0 : i32
    "tpu.region"() ({
      %run_scoped3A_144 = tpu.sem_alloc : memref<!tpu.dma_semaphore, #tpu.memory_space<semaphore_mem>>
      %dma_start3A_145 = arith.constant 0 : i32
      %dma_start3A_146 = arith.constant 0 : i32
      %dma_start3A_147 = tpu.memref_slice %arg9[%run_scoped3A_20, %dma_start3A_145, %dma_start3A_146] : memref<2x128x128xf32, #tpu.memory_space<vmem>> -> memref<1x128x128xf32, #tpu.memory_space<vmem>>
      %dma_start3A_148 = tpu.memref_squeeze %dma_start3A_147 : memref<1x128x128xf32, #tpu.memory_space<vmem>> -> memref<128x128xf32, #tpu.memory_space<vmem>>
      %dma_start3A_149 = arith.constant 0 : i32
      %dma_start3A_150 = tpu.memref_slice %arg10[%add3A_19, %dma_start3A_149] : memref<10112x128xf32, #tpu.memory_space<vmem_shared>> -> memref<128x128xf32, #tpu.memory_space<vmem_shared>>
      %dma_start3A_151 = arith.constant 0 : i32
      %dma_start3A_152 = tpu.memref_slice %arg10[%add3A_19, %dma_start3A_151] : memref<10112x128xf32, #tpu.memory_space<vmem_shared>> -> memref<128x128xf32, #tpu.memory_space<vmem_shared>>
      %dma_start3A_153 = arith.constant 0 : i32
      %dma_start3A_154 = arith.constant 0 : i32
      %dma_start3A_155 = tpu.memref_slice %arg9[%run_scoped3A_20, %dma_start3A_153, %dma_start3A_154] : memref<2x128x128xf32, #tpu.memory_space<vmem>> -> memref<1x128x128xf32, #tpu.memory_space<vmem>>
      %dma_start3A_156 = tpu.memref_squeeze %dma_start3A_155 : memref<1x128x128xf32, #tpu.memory_space<vmem>> -> memref<128x128xf32, #tpu.memory_space<vmem>>
      tpu.enqueue_dma source(%dma_start3A_156 : memref<128x128xf32, #tpu.memory_space<vmem>>) target(%dma_start3A_152 : memref<128x128xf32, #tpu.memory_space<vmem_shared>>) target_semaphore(%run_scoped3A_144 : memref<!tpu.dma_semaphore, #tpu.memory_space<semaphore_mem>>)
      %dma_wait3A_157 = arith.constant 0 : i32
      %dma_wait3A_158 = arith.constant 0 : i32
      %dma_wait3A_159 = tpu.memref_slice %arg9[%run_scoped3A_20, %dma_wait3A_157, %dma_wait3A_158] : memref<2x128x128xf32, #tpu.memory_space<vmem>> -> memref<1x128x128xf32, #tpu.memory_space<vmem>>
      %dma_wait3A_160 = tpu.memref_squeeze %dma_wait3A_159 : memref<1x128x128xf32, #tpu.memory_space<vmem>> -> memref<128x128xf32, #tpu.memory_space<vmem>>
      %dma_wait3A_161 = arith.constant 0 : i32
      %dma_wait3A_162 = tpu.memref_slice %arg10[%add3A_19, %dma_wait3A_161] : memref<10112x128xf32, #tpu.memory_space<vmem_shared>> -> memref<128x128xf32, #tpu.memory_space<vmem_shared>>
      %dma_wait3A_163 = arith.constant 0 : i32
      %dma_wait3A_164 = tpu.memref_slice %arg10[%add3A_19, %dma_wait3A_163] : memref<10112x128xf32, #tpu.memory_space<vmem_shared>> -> memref<128x128xf32, #tpu.memory_space<vmem_shared>>
      %dma_wait3A_165 = arith.constant 0 : i32
      %dma_wait3A_166 = arith.constant 0 : i32
      %dma_wait3A_167 = tpu.memref_slice %arg9[%run_scoped3A_20, %dma_wait3A_165, %dma_wait3A_166] : memref<2x128x128xf32, #tpu.memory_space<vmem>> -> memref<1x128x128xf32, #tpu.memory_space<vmem>>
      %dma_wait3A_168 = tpu.memref_squeeze %dma_wait3A_167 : memref<1x128x128xf32, #tpu.memory_space<vmem>> -> memref<128x128xf32, #tpu.memory_space<vmem>>
      tpu.wait_dma2 semaphore(%run_scoped3A_144 : memref<!tpu.dma_semaphore, #tpu.memory_space<semaphore_mem>>) src(%dma_wait3A_168 : memref<128x128xf32, #tpu.memory_space<vmem>>) dst(%dma_wait3A_164 : memref<128x128xf32, #tpu.memory_space<vmem_shared>>)
      tpu.yield
    }) : () -> ()
    %mul3A_21 = arith.constant 632 : i32
    %mul3A_22 = arith.muli %arg1, %mul3A_21 : i32
    %add3A_23 = arith.constant 512 : i32
    %add3A_24 = arith.addi %mul3A_22, %add3A_23 : i32
    %run_scoped3A_25 = arith.constant 0 : i32
    "tpu.region"() ({
      %run_scoped3A_144 = tpu.sem_alloc : memref<!tpu.dma_semaphore, #tpu.memory_space<semaphore_mem>>
      %dma_start3A_145 = arith.constant 0 : i32
      %dma_start3A_146 = arith.constant 0 : i32
      %dma_start3A_147 = tpu.memref_slice %arg9[%run_scoped3A_25, %dma_start3A_145, %dma_start3A_146] : memref<2x128x128xf32, #tpu.memory_space<vmem>> -> memref<1x128x128xf32, #tpu.memory_space<vmem>>
      %dma_start3A_148 = tpu.memref_squeeze %dma_start3A_147 : memref<1x128x128xf32, #tpu.memory_space<vmem>> -> memref<128x128xf32, #tpu.memory_space<vmem>>
      %dma_start3A_149 = arith.constant 0 : i32
      %dma_start3A_150 = arith.constant 0 : i32
      %dma_start3A_151 = tpu.memref_slice %dma_start3A_148[%dma_start3A_149, %dma_start3A_150] : memref<128x128xf32, #tpu.memory_space<vmem>> -> memref<120x128xf32, #tpu.memory_space<vmem>>
      %dma_start3A_152 = arith.constant 0 : i32
      %dma_start3A_153 = tpu.memref_slice %arg10[%add3A_24, %dma_start3A_152] : memref<10112x128xf32, #tpu.memory_space<vmem_shared>> -> memref<120x128xf32, #tpu.memory_space<vmem_shared>>
      %dma_start3A_154 = arith.constant 0 : i32
      %dma_start3A_155 = tpu.memref_slice %arg10[%add3A_24, %dma_start3A_154] : memref<10112x128xf32, #tpu.memory_space<vmem_shared>> -> memref<120x128xf32, #tpu.memory_space<vmem_shared>>
      %dma_start3A_156 = arith.constant 0 : i32
      %dma_start3A_157 = arith.constant 0 : i32
      %dma_start3A_158 = tpu.memref_slice %arg9[%run_scoped3A_25, %dma_start3A_156, %dma_start3A_157] : memref<2x128x128xf32, #tpu.memory_space<vmem>> -> memref<1x128x128xf32, #tpu.memory_space<vmem>>
      %dma_start3A_159 = tpu.memref_squeeze %dma_start3A_158 : memref<1x128x128xf32, #tpu.memory_space<vmem>> -> memref<128x128xf32, #tpu.memory_space<vmem>>
      %dma_start3A_160 = arith.constant 0 : i32
      %dma_start3A_161 = arith.constant 0 : i32
      %dma_start3A_162 = tpu.memref_slice %dma_start3A_159[%dma_start3A_160, %dma_start3A_161] : memref<128x128xf32, #tpu.memory_space<vmem>> -> memref<120x128xf32, #tpu.memory_space<vmem>>
      tpu.enqueue_dma source(%dma_start3A_162 : memref<120x128xf32, #tpu.memory_space<vmem>>) target(%dma_start3A_155 : memref<120x128xf32, #tpu.memory_space<vmem_shared>>) target_semaphore(%run_scoped3A_144 : memref<!tpu.dma_semaphore, #tpu.memory_space<semaphore_mem>>)
      %dma_wait3A_163 = arith.constant 0 : i32
      %dma_wait3A_164 = arith.constant 0 : i32
      %dma_wait3A_165 = tpu.memref_slice %arg9[%run_scoped3A_25, %dma_wait3A_163, %dma_wait3A_164] : memref<2x128x128xf32, #tpu.memory_space<vmem>> -> memref<1x128x128xf32, #tpu.memory_space<vmem>>
      %dma_wait3A_166 = tpu.memref_squeeze %dma_wait3A_165 : memref<1x128x128xf32, #tpu.memory_space<vmem>> -> memref<128x128xf32, #tpu.memory_space<vmem>>
      %dma_wait3A_167 = arith.constant 0 : i32
      %dma_wait3A_168 = arith.constant 0 : i32
      %dma_wait3A_169 = tpu.memref_slice %dma_wait3A_166[%dma_wait3A_167, %dma_wait3A_168] : memref<128x128xf32, #tpu.memory_space<vmem>> -> memref<120x128xf32, #tpu.memory_space<vmem>>
      %dma_wait3A_170 = arith.constant 0 : i32
      %dma_wait3A_171 = tpu.memref_slice %arg10[%add3A_24, %dma_wait3A_170] : memref<10112x128xf32, #tpu.memory_space<vmem_shared>> -> memref<120x128xf32, #tpu.memory_space<vmem_shared>>
      %dma_wait3A_172 = arith.constant 0 : i32
      %dma_wait3A_173 = tpu.memref_slice %arg10[%add3A_24, %dma_wait3A_172] : memref<10112x128xf32, #tpu.memory_space<vmem_shared>> -> memref<120x128xf32, #tpu.memory_space<vmem_shared>>
      %dma_wait3A_174 = arith.constant 0 : i32
      %dma_wait3A_175 = arith.constant 0 : i32
      %dma_wait3A_176 = tpu.memref_slice %arg9[%run_scoped3A_25, %dma_wait3A_174, %dma_wait3A_175] : memref<2x128x128xf32, #tpu.memory_space<vmem>> -> memref<1x128x128xf32, #tpu.memory_space<vmem>>
      %dma_wait3A_177 = tpu.memref_squeeze %dma_wait3A_176 : memref<1x128x128xf32, #tpu.memory_space<vmem>> -> memref<128x128xf32, #tpu.memory_space<vmem>>
      %dma_wait3A_178 = arith.constant 0 : i32
      %dma_wait3A_179 = arith.constant 0 : i32
      %dma_wait3A_180 = tpu.memref_slice %dma_wait3A_177[%dma_wait3A_178, %dma_wait3A_179] : memref<128x128xf32, #tpu.memory_space<vmem>> -> memref<120x128xf32, #tpu.memory_space<vmem>>
      tpu.wait_dma2 semaphore(%run_scoped3A_144 : memref<!tpu.dma_semaphore, #tpu.memory_space<semaphore_mem>>) src(%dma_wait3A_180 : memref<120x128xf32, #tpu.memory_space<vmem>>) dst(%dma_wait3A_173 : memref<120x128xf32, #tpu.memory_space<vmem_shared>>)
      tpu.yield
    }) : () -> ()
    %barrier3A = arith.constant 0 : index
    tpu.barrier barrier_id(%barrier3A)
    "tpu.region"() ({
      %run_scoped3A_144 = tpu.sem_alloc : memref<!tpu.dma_semaphore, #tpu.memory_space<semaphore_mem>>
      %dma_start3A_145 = arith.constant 0 : i32
      %dma_start3A_146 = arith.constant 0 : i32
      %dma_start3A_147 = tpu.memref_slice %arg3[%add3A, %dma_start3A_145, %dma_start3A_146] : memref<32x80x128xi32, #tpu.memory_space<hbm>> -> memref<1x40x128xi32, #tpu.memory_space<hbm>>
      %dma_start3A_148 = tpu.memref_squeeze %dma_start3A_147 : memref<1x40x128xi32, #tpu.memory_space<hbm>> -> memref<40x128xi32, #tpu.memory_space<hbm>>
      %dma_start3A_149 = arith.constant 0 : i32
      %dma_start3A_150 = arith.constant 0 : i32
      %dma_start3A_151 = tpu.memref_slice %arg3[%add3A, %dma_start3A_149, %dma_start3A_150] : memref<32x80x128xi32, #tpu.memory_space<hbm>> -> memref<1x40x128xi32, #tpu.memory_space<hbm>>
      %dma_start3A_152 = tpu.memref_squeeze %dma_start3A_151 : memref<1x40x128xi32, #tpu.memory_space<hbm>> -> memref<40x128xi32, #tpu.memory_space<hbm>>
      tpu.enqueue_dma source(%dma_start3A_152 : memref<40x128xi32, #tpu.memory_space<hbm>>) target(%arg7 : memref<40x128xi32, #tpu.memory_space<vmem>>) target_semaphore(%run_scoped3A_144 : memref<!tpu.dma_semaphore, #tpu.memory_space<semaphore_mem>>)
      %dma_wait3A_153 = arith.constant 0 : i32
      %dma_wait3A_154 = arith.constant 0 : i32
      %dma_wait3A_155 = tpu.memref_slice %arg3[%add3A, %dma_wait3A_153, %dma_wait3A_154] : memref<32x80x128xi32, #tpu.memory_space<hbm>> -> memref<1x40x128xi32, #tpu.memory_space<hbm>>
      %dma_wait3A_156 = tpu.memref_squeeze %dma_wait3A_155 : memref<1x40x128xi32, #tpu.memory_space<hbm>> -> memref<40x128xi32, #tpu.memory_space<hbm>>
      %dma_wait3A_157 = arith.constant 0 : i32
      %dma_wait3A_158 = arith.constant 0 : i32
      %dma_wait3A_159 = tpu.memref_slice %arg3[%add3A, %dma_wait3A_157, %dma_wait3A_158] : memref<32x80x128xi32, #tpu.memory_space<hbm>> -> memref<1x40x128xi32, #tpu.memory_space<hbm>>
      %dma_wait3A_160 = tpu.memref_squeeze %dma_wait3A_159 : memref<1x40x128xi32, #tpu.memory_space<hbm>> -> memref<40x128xi32, #tpu.memory_space<hbm>>
      tpu.wait_dma2 semaphore(%run_scoped3A_144 : memref<!tpu.dma_semaphore, #tpu.memory_space<semaphore_mem>>) src(%dma_wait3A_160 : memref<40x128xi32, #tpu.memory_space<hbm>>) dst(%arg7 : memref<40x128xi32, #tpu.memory_space<vmem>>)
      tpu.yield
    }) : () -> ()
    "tpu.region"() ({
      %run_scoped3A_144 = tpu.sem_alloc : memref<!tpu.dma_semaphore, #tpu.memory_space<semaphore_mem>>
      %dma_start3A_145 = arith.constant 0 : i32
      %dma_start3A_146 = arith.constant 0 : i32
      %dma_start3A_147 = tpu.memref_slice %arg4[%add3A, %dma_start3A_145, %dma_start3A_146] : memref<32x80x128xi32, #tpu.memory_space<hbm>> -> memref<1x40x128xi32, #tpu.memory_space<hbm>>
      %dma_start3A_148 = tpu.memref_squeeze %dma_start3A_147 : memref<1x40x128xi32, #tpu.memory_space<hbm>> -> memref<40x128xi32, #tpu.memory_space<hbm>>
      %dma_start3A_149 = arith.constant 0 : i32
      %dma_start3A_150 = arith.constant 0 : i32
      %dma_start3A_151 = tpu.memref_slice %arg4[%add3A, %dma_start3A_149, %dma_start3A_150] : memref<32x80x128xi32, #tpu.memory_space<hbm>> -> memref<1x40x128xi32, #tpu.memory_space<hbm>>
      %dma_start3A_152 = tpu.memref_squeeze %dma_start3A_151 : memref<1x40x128xi32, #tpu.memory_space<hbm>> -> memref<40x128xi32, #tpu.memory_space<hbm>>
      tpu.enqueue_dma source(%dma_start3A_152 : memref<40x128xi32, #tpu.memory_space<hbm>>) target(%arg8 : memref<40x128xi32, #tpu.memory_space<vmem>>) target_semaphore(%run_scoped3A_144 : memref<!tpu.dma_semaphore, #tpu.memory_space<semaphore_mem>>)
      %dma_wait3A_153 = arith.constant 0 : i32
      %dma_wait3A_154 = arith.constant 0 : i32
      %dma_wait3A_155 = tpu.memref_slice %arg4[%add3A, %dma_wait3A_153, %dma_wait3A_154] : memref<32x80x128xi32, #tpu.memory_space<hbm>> -> memref<1x40x128xi32, #tpu.memory_space<hbm>>
      %dma_wait3A_156 = tpu.memref_squeeze %dma_wait3A_155 : memref<1x40x128xi32, #tpu.memory_space<hbm>> -> memref<40x128xi32, #tpu.memory_space<hbm>>
      %dma_wait3A_157 = arith.constant 0 : i32
      %dma_wait3A_158 = arith.constant 0 : i32
      %dma_wait3A_159 = tpu.memref_slice %arg4[%add3A, %dma_wait3A_157, %dma_wait3A_158] : memref<32x80x128xi32, #tpu.memory_space<hbm>> -> memref<1x40x128xi32, #tpu.memory_space<hbm>>
      %dma_wait3A_160 = tpu.memref_squeeze %dma_wait3A_159 : memref<1x40x128xi32, #tpu.memory_space<hbm>> -> memref<40x128xi32, #tpu.memory_space<hbm>>
      tpu.wait_dma2 semaphore(%run_scoped3A_144 : memref<!tpu.dma_semaphore, #tpu.memory_space<semaphore_mem>>) src(%dma_wait3A_160 : memref<40x128xi32, #tpu.memory_space<hbm>>) dst(%arg8 : memref<40x128xi32, #tpu.memory_space<vmem>>)
      tpu.yield
    }) : () -> ()
    %dma_start3A = arith.constant 0 : i32
    %dma_start3A_26 = arith.constant 0 : i32
    %dma_start3A_27 = arith.constant 0 : i32
    %dma_start3A_28 = arith.constant 0 : i32
    %dma_start3A_29 = tpu.memref_slice %arg9[%dma_start3A_26, %dma_start3A_27, %dma_start3A_28] : memref<2x128x128xf32, #tpu.memory_space<vmem>> -> memref<1x128x128xf32, #tpu.memory_space<vmem>>
    %dma_start3A_30 = tpu.memref_squeeze %dma_start3A_29 : memref<1x128x128xf32, #tpu.memory_space<vmem>> -> memref<128x128xf32, #tpu.memory_space<vmem>>
    %dma_start3A_31 = arith.constant 0 : i32
    %dma_start3A_32 = tpu.memref_slice %arg7[%dma_start3A, %dma_start3A_31] : memref<40x128xi32, #tpu.memory_space<vmem>> -> memref<1x128xi32, #tpu.memory_space<vmem>>
    %dma_start3A_33 = tpu.memref_squeeze %dma_start3A_32 : memref<1x128xi32, #tpu.memory_space<vmem>> -> memref<128xi32, #tpu.memory_space<vmem>>
    %dma_start3A_34 = arith.constant 0 : i32
    %dma_start3A_35 = arith.constant 0 : i32
    %dma_start3A_36 = tpu.memref_slice %arg2[%dma_start3A_34, %dma_start3A_35] : memref<273024x128xf32, #tpu.memory_space<hbm>> -> memref<273024x128xf32, #tpu.memory_space<hbm>>
    tpu.enqueue_indirect_dma source(%dma_start3A_36 : memref<273024x128xf32, #tpu.memory_space<hbm>>) target(%dma_start3A_30 : memref<128x128xf32, #tpu.memory_space<vmem>>) offsets(%dma_start3A_33 : memref<128xi32, #tpu.memory_space<vmem>>) semaphore(%arg11 : memref<!tpu.dma_semaphore, #tpu.memory_space<semaphore_mem>>)
    %dma_start3A_37 = arith.constant 1 : i32
    %dma_start3A_38 = arith.constant 1 : i32
    %dma_start3A_39 = arith.constant 0 : i32
    %dma_start3A_40 = arith.constant 0 : i32
    %dma_start3A_41 = tpu.memref_slice %arg9[%dma_start3A_38, %dma_start3A_39, %dma_start3A_40] : memref<2x128x128xf32, #tpu.memory_space<vmem>> -> memref<1x128x128xf32, #tpu.memory_space<vmem>>
    %dma_start3A_42 = tpu.memref_squeeze %dma_start3A_41 : memref<1x128x128xf32, #tpu.memory_space<vmem>> -> memref<128x128xf32, #tpu.memory_space<vmem>>
    %dma_start3A_43 = arith.constant 0 : i32
    %dma_start3A_44 = tpu.memref_slice %arg7[%dma_start3A_37, %dma_start3A_43] : memref<40x128xi32, #tpu.memory_space<vmem>> -> memref<1x128xi32, #tpu.memory_space<vmem>>
    %dma_start3A_45 = tpu.memref_squeeze %dma_start3A_44 : memref<1x128xi32, #tpu.memory_space<vmem>> -> memref<128xi32, #tpu.memory_space<vmem>>
    %dma_start3A_46 = arith.constant 0 : i32
    %dma_start3A_47 = arith.constant 0 : i32
    %dma_start3A_48 = tpu.memref_slice %arg2[%dma_start3A_46, %dma_start3A_47] : memref<273024x128xf32, #tpu.memory_space<hbm>> -> memref<273024x128xf32, #tpu.memory_space<hbm>>
    tpu.enqueue_indirect_dma source(%dma_start3A_48 : memref<273024x128xf32, #tpu.memory_space<hbm>>) target(%dma_start3A_42 : memref<128x128xf32, #tpu.memory_space<vmem>>) offsets(%dma_start3A_45 : memref<128xi32, #tpu.memory_space<vmem>>) semaphore(%arg12 : memref<!tpu.dma_semaphore, #tpu.memory_space<semaphore_mem>>)
    %scan3A = arith.constant 0 : i32
    %scan3A_49 = arith.constant 0 : i32
    %scan3A_50 = arith.constant 19 : i32
    %scan3A_51 = arith.addi %scan3A_49, %scan3A_50 : i32
    %scan3A_52 = arith.constant 1 : i32
    scf.for %scan3A_144 = %scan3A_49 to %scan3A_51 step %scan3A_52  : i32 {
      %mul3A_145 = arith.constant 2 : i32
      %mul3A_146 = arith.muli %scan3A_144, %mul3A_145 : i32
      %add3A_147 = arith.constant 0 : i32
      %add3A_148 = arith.addi %mul3A_146, %add3A_147 : i32
      %dma_wait3A_149 = arith.constant 0 : i32
      %dma_wait3A_150 = arith.constant 0 : i32
      %dma_wait3A_151 = arith.constant 0 : i32
      %dma_wait3A_152 = tpu.memref_slice %arg9[%dma_wait3A_149, %dma_wait3A_150, %dma_wait3A_151] : memref<2x128x128xf32, #tpu.memory_space<vmem>> -> memref<1x128x128xf32, #tpu.memory_space<vmem>>
      %dma_wait3A_153 = tpu.memref_squeeze %dma_wait3A_152 : memref<1x128x128xf32, #tpu.memory_space<vmem>> -> memref<128x128xf32, #tpu.memory_space<vmem>>
      %dma_wait3A_154 = arith.constant 0 : i32
      %dma_wait3A_155 = tpu.memref_slice %arg7[%add3A_148, %dma_wait3A_154] : memref<40x128xi32, #tpu.memory_space<vmem>> -> memref<1x128xi32, #tpu.memory_space<vmem>>
      %dma_wait3A_156 = tpu.memref_squeeze %dma_wait3A_155 : memref<1x128xi32, #tpu.memory_space<vmem>> -> memref<128xi32, #tpu.memory_space<vmem>>
      %dma_wait3A_157 = arith.constant 0 : i32
      %dma_wait3A_158 = arith.constant 0 : i32
      %dma_wait3A_159 = tpu.memref_slice %arg2[%dma_wait3A_157, %dma_wait3A_158] : memref<273024x128xf32, #tpu.memory_space<hbm>> -> memref<273024x128xf32, #tpu.memory_space<hbm>>
      tpu.wait_indirect_dma semaphore(%arg11 : memref<!tpu.dma_semaphore, #tpu.memory_space<semaphore_mem>>) src(%dma_wait3A_159 : memref<273024x128xf32, #tpu.memory_space<hbm>>) dst(%dma_wait3A_153 : memref<128x128xf32, #tpu.memory_space<vmem>>)
      %run_scoped3A_160 = arith.constant 0 : i32
      "tpu.region"() ({
        %run_scoped3A_203 = tpu.sem_alloc : memref<!tpu.dma_semaphore, #tpu.memory_space<semaphore_mem>>
        %dma_start3A_204 = arith.constant 0 : i32
        %dma_start3A_205 = arith.constant 0 : i32
        %dma_start3A_206 = tpu.memref_slice %arg9[%run_scoped3A_160, %dma_start3A_204, %dma_start3A_205] : memref<2x128x128xf32, #tpu.memory_space<vmem>> -> memref<1x128x128xf32, #tpu.memory_space<vmem>>
        %dma_start3A_207 = tpu.memref_squeeze %dma_start3A_206 : memref<1x128x128xf32, #tpu.memory_space<vmem>> -> memref<128x128xf32, #tpu.memory_space<vmem>>
        %dma_start3A_208 = arith.constant 0 : i32
        %dma_start3A_209 = tpu.memref_slice %arg8[%add3A_148, %dma_start3A_208] : memref<40x128xi32, #tpu.memory_space<vmem>> -> memref<1x128xi32, #tpu.memory_space<vmem>>
        %dma_start3A_210 = tpu.memref_squeeze %dma_start3A_209 : memref<1x128xi32, #tpu.memory_space<vmem>> -> memref<128xi32, #tpu.memory_space<vmem>>
        %dma_start3A_211 = arith.constant 0 : i32
        %dma_start3A_212 = arith.constant 0 : i32
        %dma_start3A_213 = tpu.memref_slice %arg10[%dma_start3A_211, %dma_start3A_212] : memref<10112x128xf32, #tpu.memory_space<vmem_shared>> -> memref<10112x128xf32, #tpu.memory_space<vmem_shared>>
        tpu.enqueue_indirect_dma source(%dma_start3A_207 : memref<128x128xf32, #tpu.memory_space<vmem>>) target(%dma_start3A_213 : memref<10112x128xf32, #tpu.memory_space<vmem_shared>>) offsets(%dma_start3A_210 : memref<128xi32, #tpu.memory_space<vmem>>) semaphore(%run_scoped3A_203 : memref<!tpu.dma_semaphore, #tpu.memory_space<semaphore_mem>>) {add = true}
        %dma_wait3A_214 = arith.constant 0 : i32
        %dma_wait3A_215 = arith.constant 0 : i32
        %dma_wait3A_216 = tpu.memref_slice %arg9[%run_scoped3A_160, %dma_wait3A_214, %dma_wait3A_215] : memref<2x128x128xf32, #tpu.memory_space<vmem>> -> memref<1x128x128xf32, #tpu.memory_space<vmem>>
        %dma_wait3A_217 = tpu.memref_squeeze %dma_wait3A_216 : memref<1x128x128xf32, #tpu.memory_space<vmem>> -> memref<128x128xf32, #tpu.memory_space<vmem>>
        %dma_wait3A_218 = arith.constant 0 : i32
        %dma_wait3A_219 = tpu.memref_slice %arg8[%add3A_148, %dma_wait3A_218] : memref<40x128xi32, #tpu.memory_space<vmem>> -> memref<1x128xi32, #tpu.memory_space<vmem>>
        %dma_wait3A_220 = tpu.memref_squeeze %dma_wait3A_219 : memref<1x128xi32, #tpu.memory_space<vmem>> -> memref<128xi32, #tpu.memory_space<vmem>>
        %dma_wait3A_221 = arith.constant 0 : i32
        %dma_wait3A_222 = arith.constant 0 : i32
        %dma_wait3A_223 = tpu.memref_slice %arg10[%dma_wait3A_221, %dma_wait3A_222] : memref<10112x128xf32, #tpu.memory_space<vmem_shared>> -> memref<10112x128xf32, #tpu.memory_space<vmem_shared>>
        tpu.wait_indirect_dma semaphore(%run_scoped3A_203 : memref<!tpu.dma_semaphore, #tpu.memory_space<semaphore_mem>>) src(%dma_wait3A_217 : memref<128x128xf32, #tpu.memory_space<vmem>>) dst(%dma_wait3A_223 : memref<10112x128xf32, #tpu.memory_space<vmem_shared>>)
        tpu.yield
      }) : () -> ()
      %add3A_161 = arith.constant 2 : i32
      %add3A_162 = arith.addi %add3A_148, %add3A_161 : i32
      %dma_start3A_163 = arith.constant 0 : i32
      %dma_start3A_164 = arith.constant 0 : i32
      %dma_start3A_165 = arith.constant 0 : i32
      %dma_start3A_166 = tpu.memref_slice %arg9[%dma_start3A_163, %dma_start3A_164, %dma_start3A_165] : memref<2x128x128xf32, #tpu.memory_space<vmem>> -> memref<1x128x128xf32, #tpu.memory_space<vmem>>
      %dma_start3A_167 = tpu.memref_squeeze %dma_start3A_166 : memref<1x128x128xf32, #tpu.memory_space<vmem>> -> memref<128x128xf32, #tpu.memory_space<vmem>>
      %dma_start3A_168 = arith.constant 0 : i32
      %dma_start3A_169 = tpu.memref_slice %arg7[%add3A_162, %dma_start3A_168] : memref<40x128xi32, #tpu.memory_space<vmem>> -> memref<1x128xi32, #tpu.memory_space<vmem>>
      %dma_start3A_170 = tpu.memref_squeeze %dma_start3A_169 : memref<1x128xi32, #tpu.memory_space<vmem>> -> memref<128xi32, #tpu.memory_space<vmem>>
      %dma_start3A_171 = arith.constant 0 : i32
      %dma_start3A_172 = arith.constant 0 : i32
      %dma_start3A_173 = tpu.memref_slice %arg2[%dma_start3A_171, %dma_start3A_172] : memref<273024x128xf32, #tpu.memory_space<hbm>> -> memref<273024x128xf32, #tpu.memory_space<hbm>>
      tpu.enqueue_indirect_dma source(%dma_start3A_173 : memref<273024x128xf32, #tpu.memory_space<hbm>>) target(%dma_start3A_167 : memref<128x128xf32, #tpu.memory_space<vmem>>) offsets(%dma_start3A_170 : memref<128xi32, #tpu.memory_space<vmem>>) semaphore(%arg11 : memref<!tpu.dma_semaphore, #tpu.memory_space<semaphore_mem>>)
      %mul3A_174 = arith.constant 2 : i32
      %mul3A_175 = arith.muli %scan3A_144, %mul3A_174 : i32
      %add3A_176 = arith.constant 1 : i32
      %add3A_177 = arith.addi %mul3A_175, %add3A_176 : i32
      %dma_wait3A_178 = arith.constant 1 : i32
      %dma_wait3A_179 = arith.constant 0 : i32
      %dma_wait3A_180 = arith.constant 0 : i32
      %dma_wait3A_181 = tpu.memref_slice %arg9[%dma_wait3A_178, %dma_wait3A_179, %dma_wait3A_180] : memref<2x128x128xf32, #tpu.memory_space<vmem>> -> memref<1x128x128xf32, #tpu.memory_space<vmem>>
      %dma_wait3A_182 = tpu.memref_squeeze %dma_wait3A_181 : memref<1x128x128xf32, #tpu.memory_space<vmem>> -> memref<128x128xf32, #tpu.memory_space<vmem>>
      %dma_wait3A_183 = arith.constant 0 : i32
      %dma_wait3A_184 = tpu.memref_slice %arg7[%add3A_177, %dma_wait3A_183] : memref<40x128xi32, #tpu.memory_space<vmem>> -> memref<1x128xi32, #tpu.memory_space<vmem>>
      %dma_wait3A_185 = tpu.memref_squeeze %dma_wait3A_184 : memref<1x128xi32, #tpu.memory_space<vmem>> -> memref<128xi32, #tpu.memory_space<vmem>>
      %dma_wait3A_186 = arith.constant 0 : i32
      %dma_wait3A_187 = arith.constant 0 : i32
      %dma_wait3A_188 = tpu.memref_slice %arg2[%dma_wait3A_186, %dma_wait3A_187] : memref<273024x128xf32, #tpu.memory_space<hbm>> -> memref<273024x128xf32, #tpu.memory_space<hbm>>
      tpu.wait_indirect_dma semaphore(%arg12 : memref<!tpu.dma_semaphore, #tpu.memory_space<semaphore_mem>>) src(%dma_wait3A_188 : memref<273024x128xf32, #tpu.memory_space<hbm>>) dst(%dma_wait3A_182 : memref<128x128xf32, #tpu.memory_space<vmem>>)
      %run_scoped3A_189 = arith.constant 1 : i32
      "tpu.region"() ({
        %run_scoped3A_203 = tpu.sem_alloc : memref<!tpu.dma_semaphore, #tpu.memory_space<semaphore_mem>>
        %dma_start3A_204 = arith.constant 0 : i32
        %dma_start3A_205 = arith.constant 0 : i32
        %dma_start3A_206 = tpu.memref_slice %arg9[%run_scoped3A_189, %dma_start3A_204, %dma_start3A_205] : memref<2x128x128xf32, #tpu.memory_space<vmem>> -> memref<1x128x128xf32, #tpu.memory_space<vmem>>
        %dma_start3A_207 = tpu.memref_squeeze %dma_start3A_206 : memref<1x128x128xf32, #tpu.memory_space<vmem>> -> memref<128x128xf32, #tpu.memory_space<vmem>>
        %dma_start3A_208 = arith.constant 0 : i32
        %dma_start3A_209 = tpu.memref_slice %arg8[%add3A_177, %dma_start3A_208] : memref<40x128xi32, #tpu.memory_space<vmem>> -> memref<1x128xi32, #tpu.memory_space<vmem>>
        %dma_start3A_210 = tpu.memref_squeeze %dma_start3A_209 : memref<1x128xi32, #tpu.memory_space<vmem>> -> memref<128xi32, #tpu.memory_space<vmem>>
        %dma_start3A_211 = arith.constant 0 : i32
        %dma_start3A_212 = arith.constant 0 : i32
        %dma_start3A_213 = tpu.memref_slice %arg10[%dma_start3A_211, %dma_start3A_212] : memref<10112x128xf32, #tpu.memory_space<vmem_shared>> -> memref<10112x128xf32, #tpu.memory_space<vmem_shared>>
        tpu.enqueue_indirect_dma source(%dma_start3A_207 : memref<128x128xf32, #tpu.memory_space<vmem>>) target(%dma_start3A_213 : memref<10112x128xf32, #tpu.memory_space<vmem_shared>>) offsets(%dma_start3A_210 : memref<128xi32, #tpu.memory_space<vmem>>) semaphore(%run_scoped3A_203 : memref<!tpu.dma_semaphore, #tpu.memory_space<semaphore_mem>>) {add = true}
        %dma_wait3A_214 = arith.constant 0 : i32
        %dma_wait3A_215 = arith.constant 0 : i32
        %dma_wait3A_216 = tpu.memref_slice %arg9[%run_scoped3A_189, %dma_wait3A_214, %dma_wait3A_215] : memref<2x128x128xf32, #tpu.memory_space<vmem>> -> memref<1x128x128xf32, #tpu.memory_space<vmem>>
        %dma_wait3A_217 = tpu.memref_squeeze %dma_wait3A_216 : memref<1x128x128xf32, #tpu.memory_space<vmem>> -> memref<128x128xf32, #tpu.memory_space<vmem>>
        %dma_wait3A_218 = arith.constant 0 : i32
        %dma_wait3A_219 = tpu.memref_slice %arg8[%add3A_177, %dma_wait3A_218] : memref<40x128xi32, #tpu.memory_space<vmem>> -> memref<1x128xi32, #tpu.memory_space<vmem>>
        %dma_wait3A_220 = tpu.memref_squeeze %dma_wait3A_219 : memref<1x128xi32, #tpu.memory_space<vmem>> -> memref<128xi32, #tpu.memory_space<vmem>>
        %dma_wait3A_221 = arith.constant 0 : i32
        %dma_wait3A_222 = arith.constant 0 : i32
        %dma_wait3A_223 = tpu.memref_slice %arg10[%dma_wait3A_221, %dma_wait3A_222] : memref<10112x128xf32, #tpu.memory_space<vmem_shared>> -> memref<10112x128xf32, #tpu.memory_space<vmem_shared>>
        tpu.wait_indirect_dma semaphore(%run_scoped3A_203 : memref<!tpu.dma_semaphore, #tpu.memory_space<semaphore_mem>>) src(%dma_wait3A_217 : memref<128x128xf32, #tpu.memory_space<vmem>>) dst(%dma_wait3A_223 : memref<10112x128xf32, #tpu.memory_space<vmem_shared>>)
        tpu.yield
      }) : () -> ()
      %add3A_190 = arith.constant 2 : i32
      %add3A_191 = arith.addi %add3A_177, %add3A_190 : i32
      %dma_start3A_192 = arith.constant 1 : i32
      %dma_start3A_193 = arith.constant 0 : i32
      %dma_start3A_194 = arith.constant 0 : i32
      %dma_start3A_195 = tpu.memref_slice %arg9[%dma_start3A_192, %dma_start3A_193, %dma_start3A_194] : memref<2x128x128xf32, #tpu.memory_space<vmem>> -> memref<1x128x128xf32, #tpu.memory_space<vmem>>
      %dma_start3A_196 = tpu.memref_squeeze %dma_start3A_195 : memref<1x128x128xf32, #tpu.memory_space<vmem>> -> memref<128x128xf32, #tpu.memory_space<vmem>>
      %dma_start3A_197 = arith.constant 0 : i32
      %dma_start3A_198 = tpu.memref_slice %arg7[%add3A_191, %dma_start3A_197] : memref<40x128xi32, #tpu.memory_space<vmem>> -> memref<1x128xi32, #tpu.memory_space<vmem>>
      %dma_start3A_199 = tpu.memref_squeeze %dma_start3A_198 : memref<1x128xi32, #tpu.memory_space<vmem>> -> memref<128xi32, #tpu.memory_space<vmem>>
      %dma_start3A_200 = arith.constant 0 : i32
      %dma_start3A_201 = arith.constant 0 : i32
      %dma_start3A_202 = tpu.memref_slice %arg2[%dma_start3A_200, %dma_start3A_201] : memref<273024x128xf32, #tpu.memory_space<hbm>> -> memref<273024x128xf32, #tpu.memory_space<hbm>>
      tpu.enqueue_indirect_dma source(%dma_start3A_202 : memref<273024x128xf32, #tpu.memory_space<hbm>>) target(%dma_start3A_196 : memref<128x128xf32, #tpu.memory_space<vmem>>) offsets(%dma_start3A_199 : memref<128xi32, #tpu.memory_space<vmem>>) semaphore(%arg12 : memref<!tpu.dma_semaphore, #tpu.memory_space<semaphore_mem>>)
    }
    %scan3A_53 = arith.constant 19 : i32
    %dma_wait3A = arith.constant 38 : i32
    %dma_wait3A_54 = arith.constant 0 : i32
    %dma_wait3A_55 = arith.constant 0 : i32
    %dma_wait3A_56 = arith.constant 0 : i32
    %dma_wait3A_57 = tpu.memref_slice %arg9[%dma_wait3A_54, %dma_wait3A_55, %dma_wait3A_56] : memref<2x128x128xf32, #tpu.memory_space<vmem>> -> memref<1x128x128xf32, #tpu.memory_space<vmem>>
    %dma_wait3A_58 = tpu.memref_squeeze %dma_wait3A_57 : memref<1x128x128xf32, #tpu.memory_space<vmem>> -> memref<128x128xf32, #tpu.memory_space<vmem>>
    %dma_wait3A_59 = arith.constant 0 : i32
    %dma_wait3A_60 = tpu.memref_slice %arg7[%dma_wait3A, %dma_wait3A_59] : memref<40x128xi32, #tpu.memory_space<vmem>> -> memref<1x128xi32, #tpu.memory_space<vmem>>
    %dma_wait3A_61 = tpu.memref_squeeze %dma_wait3A_60 : memref<1x128xi32, #tpu.memory_space<vmem>> -> memref<128xi32, #tpu.memory_space<vmem>>
    %dma_wait3A_62 = arith.constant 0 : i32
    %dma_wait3A_63 = arith.constant 0 : i32
    %dma_wait3A_64 = tpu.memref_slice %arg2[%dma_wait3A_62, %dma_wait3A_63] : memref<273024x128xf32, #tpu.memory_space<hbm>> -> memref<273024x128xf32, #tpu.memory_space<hbm>>
    tpu.wait_indirect_dma semaphore(%arg11 : memref<!tpu.dma_semaphore, #tpu.memory_space<semaphore_mem>>) src(%dma_wait3A_64 : memref<273024x128xf32, #tpu.memory_space<hbm>>) dst(%dma_wait3A_58 : memref<128x128xf32, #tpu.memory_space<vmem>>)
    %run_scoped3A_65 = arith.constant 0 : i32
    %run_scoped3A_66 = arith.constant 38 : i32
    "tpu.region"() ({
      %run_scoped3A_144 = tpu.sem_alloc : memref<!tpu.dma_semaphore, #tpu.memory_space<semaphore_mem>>
      %dma_start3A_145 = arith.constant 0 : i32
      %dma_start3A_146 = arith.constant 0 : i32
      %dma_start3A_147 = tpu.memref_slice %arg9[%run_scoped3A_65, %dma_start3A_145, %dma_start3A_146] : memref<2x128x128xf32, #tpu.memory_space<vmem>> -> memref<1x128x128xf32, #tpu.memory_space<vmem>>
      %dma_start3A_148 = tpu.memref_squeeze %dma_start3A_147 : memref<1x128x128xf32, #tpu.memory_space<vmem>> -> memref<128x128xf32, #tpu.memory_space<vmem>>
      %dma_start3A_149 = arith.constant 0 : i32
      %dma_start3A_150 = tpu.memref_slice %arg8[%run_scoped3A_66, %dma_start3A_149] : memref<40x128xi32, #tpu.memory_space<vmem>> -> memref<1x128xi32, #tpu.memory_space<vmem>>
      %dma_start3A_151 = tpu.memref_squeeze %dma_start3A_150 : memref<1x128xi32, #tpu.memory_space<vmem>> -> memref<128xi32, #tpu.memory_space<vmem>>
      %dma_start3A_152 = arith.constant 0 : i32
      %dma_start3A_153 = arith.constant 0 : i32
      %dma_start3A_154 = tpu.memref_slice %arg10[%dma_start3A_152, %dma_start3A_153] : memref<10112x128xf32, #tpu.memory_space<vmem_shared>> -> memref<10112x128xf32, #tpu.memory_space<vmem_shared>>
      tpu.enqueue_indirect_dma source(%dma_start3A_148 : memref<128x128xf32, #tpu.memory_space<vmem>>) target(%dma_start3A_154 : memref<10112x128xf32, #tpu.memory_space<vmem_shared>>) offsets(%dma_start3A_151 : memref<128xi32, #tpu.memory_space<vmem>>) semaphore(%run_scoped3A_144 : memref<!tpu.dma_semaphore, #tpu.memory_space<semaphore_mem>>) {add = true}
      %dma_wait3A_155 = arith.constant 0 : i32
      %dma_wait3A_156 = arith.constant 0 : i32
      %dma_wait3A_157 = tpu.memref_slice %arg9[%run_scoped3A_65, %dma_wait3A_155, %dma_wait3A_156] : memref<2x128x128xf32, #tpu.memory_space<vmem>> -> memref<1x128x128xf32, #tpu.memory_space<vmem>>
      %dma_wait3A_158 = tpu.memref_squeeze %dma_wait3A_157 : memref<1x128x128xf32, #tpu.memory_space<vmem>> -> memref<128x128xf32, #tpu.memory_space<vmem>>
      %dma_wait3A_159 = arith.constant 0 : i32
      %dma_wait3A_160 = tpu.memref_slice %arg8[%run_scoped3A_66, %dma_wait3A_159] : memref<40x128xi32, #tpu.memory_space<vmem>> -> memref<1x128xi32, #tpu.memory_space<vmem>>
      %dma_wait3A_161 = tpu.memref_squeeze %dma_wait3A_160 : memref<1x128xi32, #tpu.memory_space<vmem>> -> memref<128xi32, #tpu.memory_space<vmem>>
      %dma_wait3A_162 = arith.constant 0 : i32
      %dma_wait3A_163 = arith.constant 0 : i32
      %dma_wait3A_164 = tpu.memref_slice %arg10[%dma_wait3A_162, %dma_wait3A_163] : memref<10112x128xf32, #tpu.memory_space<vmem_shared>> -> memref<10112x128xf32, #tpu.memory_space<vmem_shared>>
      tpu.wait_indirect_dma semaphore(%run_scoped3A_144 : memref<!tpu.dma_semaphore, #tpu.memory_space<semaphore_mem>>) src(%dma_wait3A_158 : memref<128x128xf32, #tpu.memory_space<vmem>>) dst(%dma_wait3A_164 : memref<10112x128xf32, #tpu.memory_space<vmem_shared>>)
      tpu.yield
    }) : () -> ()
    %dma_wait3A_67 = arith.constant 39 : i32
    %dma_wait3A_68 = arith.constant 1 : i32
    %dma_wait3A_69 = arith.constant 0 : i32
    %dma_wait3A_70 = arith.constant 0 : i32
    %dma_wait3A_71 = tpu.memref_slice %arg9[%dma_wait3A_68, %dma_wait3A_69, %dma_wait3A_70] : memref<2x128x128xf32, #tpu.memory_space<vmem>> -> memref<1x128x128xf32, #tpu.memory_space<vmem>>
    %dma_wait3A_72 = tpu.memref_squeeze %dma_wait3A_71 : memref<1x128x128xf32, #tpu.memory_space<vmem>> -> memref<128x128xf32, #tpu.memory_space<vmem>>
    %dma_wait3A_73 = arith.constant 0 : i32
    %dma_wait3A_74 = tpu.memref_slice %arg7[%dma_wait3A_67, %dma_wait3A_73] : memref<40x128xi32, #tpu.memory_space<vmem>> -> memref<1x128xi32, #tpu.memory_space<vmem>>
    %dma_wait3A_75 = tpu.memref_squeeze %dma_wait3A_74 : memref<1x128xi32, #tpu.memory_space<vmem>> -> memref<128xi32, #tpu.memory_space<vmem>>
    %dma_wait3A_76 = arith.constant 0 : i32
    %dma_wait3A_77 = arith.constant 0 : i32
    %dma_wait3A_78 = tpu.memref_slice %arg2[%dma_wait3A_76, %dma_wait3A_77] : memref<273024x128xf32, #tpu.memory_space<hbm>> -> memref<273024x128xf32, #tpu.memory_space<hbm>>
    tpu.wait_indirect_dma semaphore(%arg12 : memref<!tpu.dma_semaphore, #tpu.memory_space<semaphore_mem>>) src(%dma_wait3A_78 : memref<273024x128xf32, #tpu.memory_space<hbm>>) dst(%dma_wait3A_72 : memref<128x128xf32, #tpu.memory_space<vmem>>)
    %run_scoped3A_79 = arith.constant 1 : i32
    %run_scoped3A_80 = arith.constant 39 : i32
    "tpu.region"() ({
      %run_scoped3A_144 = tpu.sem_alloc : memref<!tpu.dma_semaphore, #tpu.memory_space<semaphore_mem>>
      %dma_start3A_145 = arith.constant 0 : i32
      %dma_start3A_146 = arith.constant 0 : i32
      %dma_start3A_147 = tpu.memref_slice %arg9[%run_scoped3A_79, %dma_start3A_145, %dma_start3A_146] : memref<2x128x128xf32, #tpu.memory_space<vmem>> -> memref<1x128x128xf32, #tpu.memory_space<vmem>>
      %dma_start3A_148 = tpu.memref_squeeze %dma_start3A_147 : memref<1x128x128xf32, #tpu.memory_space<vmem>> -> memref<128x128xf32, #tpu.memory_space<vmem>>
      %dma_start3A_149 = arith.constant 0 : i32
      %dma_start3A_150 = tpu.memref_slice %arg8[%run_scoped3A_80, %dma_start3A_149] : memref<40x128xi32, #tpu.memory_space<vmem>> -> memref<1x128xi32, #tpu.memory_space<vmem>>
      %dma_start3A_151 = tpu.memref_squeeze %dma_start3A_150 : memref<1x128xi32, #tpu.memory_space<vmem>> -> memref<128xi32, #tpu.memory_space<vmem>>
      %dma_start3A_152 = arith.constant 0 : i32
      %dma_start3A_153 = arith.constant 0 : i32
      %dma_start3A_154 = tpu.memref_slice %arg10[%dma_start3A_152, %dma_start3A_153] : memref<10112x128xf32, #tpu.memory_space<vmem_shared>> -> memref<10112x128xf32, #tpu.memory_space<vmem_shared>>
      tpu.enqueue_indirect_dma source(%dma_start3A_148 : memref<128x128xf32, #tpu.memory_space<vmem>>) target(%dma_start3A_154 : memref<10112x128xf32, #tpu.memory_space<vmem_shared>>) offsets(%dma_start3A_151 : memref<128xi32, #tpu.memory_space<vmem>>) semaphore(%run_scoped3A_144 : memref<!tpu.dma_semaphore, #tpu.memory_space<semaphore_mem>>) {add = true}
      %dma_wait3A_155 = arith.constant 0 : i32
      %dma_wait3A_156 = arith.constant 0 : i32
      %dma_wait3A_157 = tpu.memref_slice %arg9[%run_scoped3A_79, %dma_wait3A_155, %dma_wait3A_156] : memref<2x128x128xf32, #tpu.memory_space<vmem>> -> memref<1x128x128xf32, #tpu.memory_space<vmem>>
      %dma_wait3A_158 = tpu.memref_squeeze %dma_wait3A_157 : memref<1x128x128xf32, #tpu.memory_space<vmem>> -> memref<128x128xf32, #tpu.memory_space<vmem>>
      %dma_wait3A_159 = arith.constant 0 : i32
      %dma_wait3A_160 = tpu.memref_slice %arg8[%run_scoped3A_80, %dma_wait3A_159] : memref<40x128xi32, #tpu.memory_space<vmem>> -> memref<1x128xi32, #tpu.memory_space<vmem>>
      %dma_wait3A_161 = tpu.memref_squeeze %dma_wait3A_160 : memref<1x128xi32, #tpu.memory_space<vmem>> -> memref<128xi32, #tpu.memory_space<vmem>>
      %dma_wait3A_162 = arith.constant 0 : i32
      %dma_wait3A_163 = arith.constant 0 : i32
      %dma_wait3A_164 = tpu.memref_slice %arg10[%dma_wait3A_162, %dma_wait3A_163] : memref<10112x128xf32, #tpu.memory_space<vmem_shared>> -> memref<10112x128xf32, #tpu.memory_space<vmem_shared>>
      tpu.wait_indirect_dma semaphore(%run_scoped3A_144 : memref<!tpu.dma_semaphore, #tpu.memory_space<semaphore_mem>>) src(%dma_wait3A_158 : memref<128x128xf32, #tpu.memory_space<vmem>>) dst(%dma_wait3A_164 : memref<10112x128xf32, #tpu.memory_space<vmem_shared>>)
      tpu.yield
    }) : () -> ()
    "tpu.region"() ({
      %run_scoped3A_144 = tpu.sem_alloc : memref<!tpu.dma_semaphore, #tpu.memory_space<semaphore_mem>>
      %dma_start3A_145 = arith.constant 40 : i32
      %dma_start3A_146 = arith.constant 0 : i32
      %dma_start3A_147 = tpu.memref_slice %arg3[%add3A, %dma_start3A_145, %dma_start3A_146] : memref<32x80x128xi32, #tpu.memory_space<hbm>> -> memref<1x40x128xi32, #tpu.memory_space<hbm>>
      %dma_start3A_148 = tpu.memref_squeeze %dma_start3A_147 : memref<1x40x128xi32, #tpu.memory_space<hbm>> -> memref<40x128xi32, #tpu.memory_space<hbm>>
      %dma_start3A_149 = arith.constant 40 : i32
      %dma_start3A_150 = arith.constant 0 : i32
      %dma_start3A_151 = tpu.memref_slice %arg3[%add3A, %dma_start3A_149, %dma_start3A_150] : memref<32x80x128xi32, #tpu.memory_space<hbm>> -> memref<1x40x128xi32, #tpu.memory_space<hbm>>
      %dma_start3A_152 = tpu.memref_squeeze %dma_start3A_151 : memref<1x40x128xi32, #tpu.memory_space<hbm>> -> memref<40x128xi32, #tpu.memory_space<hbm>>
      tpu.enqueue_dma source(%dma_start3A_152 : memref<40x128xi32, #tpu.memory_space<hbm>>) target(%arg7 : memref<40x128xi32, #tpu.memory_space<vmem>>) target_semaphore(%run_scoped3A_144 : memref<!tpu.dma_semaphore, #tpu.memory_space<semaphore_mem>>)
      %dma_wait3A_153 = arith.constant 40 : i32
      %dma_wait3A_154 = arith.constant 0 : i32
      %dma_wait3A_155 = tpu.memref_slice %arg3[%add3A, %dma_wait3A_153, %dma_wait3A_154] : memref<32x80x128xi32, #tpu.memory_space<hbm>> -> memref<1x40x128xi32, #tpu.memory_space<hbm>>
      %dma_wait3A_156 = tpu.memref_squeeze %dma_wait3A_155 : memref<1x40x128xi32, #tpu.memory_space<hbm>> -> memref<40x128xi32, #tpu.memory_space<hbm>>
      %dma_wait3A_157 = arith.constant 40 : i32
      %dma_wait3A_158 = arith.constant 0 : i32
      %dma_wait3A_159 = tpu.memref_slice %arg3[%add3A, %dma_wait3A_157, %dma_wait3A_158] : memref<32x80x128xi32, #tpu.memory_space<hbm>> -> memref<1x40x128xi32, #tpu.memory_space<hbm>>
      %dma_wait3A_160 = tpu.memref_squeeze %dma_wait3A_159 : memref<1x40x128xi32, #tpu.memory_space<hbm>> -> memref<40x128xi32, #tpu.memory_space<hbm>>
      tpu.wait_dma2 semaphore(%run_scoped3A_144 : memref<!tpu.dma_semaphore, #tpu.memory_space<semaphore_mem>>) src(%dma_wait3A_160 : memref<40x128xi32, #tpu.memory_space<hbm>>) dst(%arg7 : memref<40x128xi32, #tpu.memory_space<vmem>>)
      tpu.yield
    }) : () -> ()
    "tpu.region"() ({
      %run_scoped3A_144 = tpu.sem_alloc : memref<!tpu.dma_semaphore, #tpu.memory_space<semaphore_mem>>
      %dma_start3A_145 = arith.constant 40 : i32
      %dma_start3A_146 = arith.constant 0 : i32
      %dma_start3A_147 = tpu.memref_slice %arg4[%add3A, %dma_start3A_145, %dma_start3A_146] : memref<32x80x128xi32, #tpu.memory_space<hbm>> -> memref<1x40x128xi32, #tpu.memory_space<hbm>>
      %dma_start3A_148 = tpu.memref_squeeze %dma_start3A_147 : memref<1x40x128xi32, #tpu.memory_space<hbm>> -> memref<40x128xi32, #tpu.memory_space<hbm>>
      %dma_start3A_149 = arith.constant 40 : i32
      %dma_start3A_150 = arith.constant 0 : i32
      %dma_start3A_151 = tpu.memref_slice %arg4[%add3A, %dma_start3A_149, %dma_start3A_150] : memref<32x80x128xi32, #tpu.memory_space<hbm>> -> memref<1x40x128xi32, #tpu.memory_space<hbm>>
      %dma_start3A_152 = tpu.memref_squeeze %dma_start3A_151 : memref<1x40x128xi32, #tpu.memory_space<hbm>> -> memref<40x128xi32, #tpu.memory_space<hbm>>
      tpu.enqueue_dma source(%dma_start3A_152 : memref<40x128xi32, #tpu.memory_space<hbm>>) target(%arg8 : memref<40x128xi32, #tpu.memory_space<vmem>>) target_semaphore(%run_scoped3A_144 : memref<!tpu.dma_semaphore, #tpu.memory_space<semaphore_mem>>)
      %dma_wait3A_153 = arith.constant 40 : i32
      %dma_wait3A_154 = arith.constant 0 : i32
      %dma_wait3A_155 = tpu.memref_slice %arg4[%add3A, %dma_wait3A_153, %dma_wait3A_154] : memref<32x80x128xi32, #tpu.memory_space<hbm>> -> memref<1x40x128xi32, #tpu.memory_space<hbm>>
      %dma_wait3A_156 = tpu.memref_squeeze %dma_wait3A_155 : memref<1x40x128xi32, #tpu.memory_space<hbm>> -> memref<40x128xi32, #tpu.memory_space<hbm>>
      %dma_wait3A_157 = arith.constant 40 : i32
      %dma_wait3A_158 = arith.constant 0 : i32
      %dma_wait3A_159 = tpu.memref_slice %arg4[%add3A, %dma_wait3A_157, %dma_wait3A_158] : memref<32x80x128xi32, #tpu.memory_space<hbm>> -> memref<1x40x128xi32, #tpu.memory_space<hbm>>
      %dma_wait3A_160 = tpu.memref_squeeze %dma_wait3A_159 : memref<1x40x128xi32, #tpu.memory_space<hbm>> -> memref<40x128xi32, #tpu.memory_space<hbm>>
      tpu.wait_dma2 semaphore(%run_scoped3A_144 : memref<!tpu.dma_semaphore, #tpu.memory_space<semaphore_mem>>) src(%dma_wait3A_160 : memref<40x128xi32, #tpu.memory_space<hbm>>) dst(%arg8 : memref<40x128xi32, #tpu.memory_space<vmem>>)
      tpu.yield
    }) : () -> ()
    %dma_start3A_81 = arith.constant 0 : i32
    %dma_start3A_82 = arith.constant 0 : i32
    %dma_start3A_83 = arith.constant 0 : i32
    %dma_start3A_84 = arith.constant 0 : i32
    %dma_start3A_85 = tpu.memref_slice %arg9[%dma_start3A_82, %dma_start3A_83, %dma_start3A_84] : memref<2x128x128xf32, #tpu.memory_space<vmem>> -> memref<1x128x128xf32, #tpu.memory_space<vmem>>
    %dma_start3A_86 = tpu.memref_squeeze %dma_start3A_85 : memref<1x128x128xf32, #tpu.memory_space<vmem>> -> memref<128x128xf32, #tpu.memory_space<vmem>>
    %dma_start3A_87 = arith.constant 0 : i32
    %dma_start3A_88 = tpu.memref_slice %arg7[%dma_start3A_81, %dma_start3A_87] : memref<40x128xi32, #tpu.memory_space<vmem>> -> memref<1x128xi32, #tpu.memory_space<vmem>>
    %dma_start3A_89 = tpu.memref_squeeze %dma_start3A_88 : memref<1x128xi32, #tpu.memory_space<vmem>> -> memref<128xi32, #tpu.memory_space<vmem>>
    %dma_start3A_90 = arith.constant 0 : i32
    %dma_start3A_91 = arith.constant 0 : i32
    %dma_start3A_92 = tpu.memref_slice %arg2[%dma_start3A_90, %dma_start3A_91] : memref<273024x128xf32, #tpu.memory_space<hbm>> -> memref<273024x128xf32, #tpu.memory_space<hbm>>
    tpu.enqueue_indirect_dma source(%dma_start3A_92 : memref<273024x128xf32, #tpu.memory_space<hbm>>) target(%dma_start3A_86 : memref<128x128xf32, #tpu.memory_space<vmem>>) offsets(%dma_start3A_89 : memref<128xi32, #tpu.memory_space<vmem>>) semaphore(%arg11 : memref<!tpu.dma_semaphore, #tpu.memory_space<semaphore_mem>>)
    %dma_start3A_93 = arith.constant 1 : i32
    %dma_start3A_94 = arith.constant 1 : i32
    %dma_start3A_95 = arith.constant 0 : i32
    %dma_start3A_96 = arith.constant 0 : i32
    %dma_start3A_97 = tpu.memref_slice %arg9[%dma_start3A_94, %dma_start3A_95, %dma_start3A_96] : memref<2x128x128xf32, #tpu.memory_space<vmem>> -> memref<1x128x128xf32, #tpu.memory_space<vmem>>
    %dma_start3A_98 = tpu.memref_squeeze %dma_start3A_97 : memref<1x128x128xf32, #tpu.memory_space<vmem>> -> memref<128x128xf32, #tpu.memory_space<vmem>>
    %dma_start3A_99 = arith.constant 0 : i32
    %dma_start3A_100 = tpu.memref_slice %arg7[%dma_start3A_93, %dma_start3A_99] : memref<40x128xi32, #tpu.memory_space<vmem>> -> memref<1x128xi32, #tpu.memory_space<vmem>>
    %dma_start3A_101 = tpu.memref_squeeze %dma_start3A_100 : memref<1x128xi32, #tpu.memory_space<vmem>> -> memref<128xi32, #tpu.memory_space<vmem>>
    %dma_start3A_102 = arith.constant 0 : i32
    %dma_start3A_103 = arith.constant 0 : i32
    %dma_start3A_104 = tpu.memref_slice %arg2[%dma_start3A_102, %dma_start3A_103] : memref<273024x128xf32, #tpu.memory_space<hbm>> -> memref<273024x128xf32, #tpu.memory_space<hbm>>
    tpu.enqueue_indirect_dma source(%dma_start3A_104 : memref<273024x128xf32, #tpu.memory_space<hbm>>) target(%dma_start3A_98 : memref<128x128xf32, #tpu.memory_space<vmem>>) offsets(%dma_start3A_101 : memref<128xi32, #tpu.memory_space<vmem>>) semaphore(%arg12 : memref<!tpu.dma_semaphore, #tpu.memory_space<semaphore_mem>>)
    %scan3A_105 = arith.constant 0 : i32
    %scan3A_106 = arith.constant 0 : i32
    %scan3A_107 = arith.constant 19 : i32
    %scan3A_108 = arith.addi %scan3A_106, %scan3A_107 : i32
    %scan3A_109 = arith.constant 1 : i32
    scf.for %scan3A_144 = %scan3A_106 to %scan3A_108 step %scan3A_109  : i32 {
      %mul3A_145 = arith.constant 2 : i32
      %mul3A_146 = arith.muli %scan3A_144, %mul3A_145 : i32
      %add3A_147 = arith.constant 0 : i32
      %add3A_148 = arith.addi %mul3A_146, %add3A_147 : i32
      %dma_wait3A_149 = arith.constant 0 : i32
      %dma_wait3A_150 = arith.constant 0 : i32
      %dma_wait3A_151 = arith.constant 0 : i32
      %dma_wait3A_152 = tpu.memref_slice %arg9[%dma_wait3A_149, %dma_wait3A_150, %dma_wait3A_151] : memref<2x128x128xf32, #tpu.memory_space<vmem>> -> memref<1x128x128xf32, #tpu.memory_space<vmem>>
      %dma_wait3A_153 = tpu.memref_squeeze %dma_wait3A_152 : memref<1x128x128xf32, #tpu.memory_space<vmem>> -> memref<128x128xf32, #tpu.memory_space<vmem>>
      %dma_wait3A_154 = arith.constant 0 : i32
      %dma_wait3A_155 = tpu.memref_slice %arg7[%add3A_148, %dma_wait3A_154] : memref<40x128xi32, #tpu.memory_space<vmem>> -> memref<1x128xi32, #tpu.memory_space<vmem>>
      %dma_wait3A_156 = tpu.memref_squeeze %dma_wait3A_155 : memref<1x128xi32, #tpu.memory_space<vmem>> -> memref<128xi32, #tpu.memory_space<vmem>>
      %dma_wait3A_157 = arith.constant 0 : i32
      %dma_wait3A_158 = arith.constant 0 : i32
      %dma_wait3A_159 = tpu.memref_slice %arg2[%dma_wait3A_157, %dma_wait3A_158] : memref<273024x128xf32, #tpu.memory_space<hbm>> -> memref<273024x128xf32, #tpu.memory_space<hbm>>
      tpu.wait_indirect_dma semaphore(%arg11 : memref<!tpu.dma_semaphore, #tpu.memory_space<semaphore_mem>>) src(%dma_wait3A_159 : memref<273024x128xf32, #tpu.memory_space<hbm>>) dst(%dma_wait3A_153 : memref<128x128xf32, #tpu.memory_space<vmem>>)
      %run_scoped3A_160 = arith.constant 0 : i32
      "tpu.region"() ({
        %run_scoped3A_203 = tpu.sem_alloc : memref<!tpu.dma_semaphore, #tpu.memory_space<semaphore_mem>>
        %dma_start3A_204 = arith.constant 0 : i32
        %dma_start3A_205 = arith.constant 0 : i32
        %dma_start3A_206 = tpu.memref_slice %arg9[%run_scoped3A_160, %dma_start3A_204, %dma_start3A_205] : memref<2x128x128xf32, #tpu.memory_space<vmem>> -> memref<1x128x128xf32, #tpu.memory_space<vmem>>
        %dma_start3A_207 = tpu.memref_squeeze %dma_start3A_206 : memref<1x128x128xf32, #tpu.memory_space<vmem>> -> memref<128x128xf32, #tpu.memory_space<vmem>>
        %dma_start3A_208 = arith.constant 0 : i32
        %dma_start3A_209 = tpu.memref_slice %arg8[%add3A_148, %dma_start3A_208] : memref<40x128xi32, #tpu.memory_space<vmem>> -> memref<1x128xi32, #tpu.memory_space<vmem>>
        %dma_start3A_210 = tpu.memref_squeeze %dma_start3A_209 : memref<1x128xi32, #tpu.memory_space<vmem>> -> memref<128xi32, #tpu.memory_space<vmem>>
        %dma_start3A_211 = arith.constant 0 : i32
        %dma_start3A_212 = arith.constant 0 : i32
        %dma_start3A_213 = tpu.memref_slice %arg10[%dma_start3A_211, %dma_start3A_212] : memref<10112x128xf32, #tpu.memory_space<vmem_shared>> -> memref<10112x128xf32, #tpu.memory_space<vmem_shared>>
        tpu.enqueue_indirect_dma source(%dma_start3A_207 : memref<128x128xf32, #tpu.memory_space<vmem>>) target(%dma_start3A_213 : memref<10112x128xf32, #tpu.memory_space<vmem_shared>>) offsets(%dma_start3A_210 : memref<128xi32, #tpu.memory_space<vmem>>) semaphore(%run_scoped3A_203 : memref<!tpu.dma_semaphore, #tpu.memory_space<semaphore_mem>>) {add = true}
        %dma_wait3A_214 = arith.constant 0 : i32
        %dma_wait3A_215 = arith.constant 0 : i32
        %dma_wait3A_216 = tpu.memref_slice %arg9[%run_scoped3A_160, %dma_wait3A_214, %dma_wait3A_215] : memref<2x128x128xf32, #tpu.memory_space<vmem>> -> memref<1x128x128xf32, #tpu.memory_space<vmem>>
        %dma_wait3A_217 = tpu.memref_squeeze %dma_wait3A_216 : memref<1x128x128xf32, #tpu.memory_space<vmem>> -> memref<128x128xf32, #tpu.memory_space<vmem>>
        %dma_wait3A_218 = arith.constant 0 : i32
        %dma_wait3A_219 = tpu.memref_slice %arg8[%add3A_148, %dma_wait3A_218] : memref<40x128xi32, #tpu.memory_space<vmem>> -> memref<1x128xi32, #tpu.memory_space<vmem>>
        %dma_wait3A_220 = tpu.memref_squeeze %dma_wait3A_219 : memref<1x128xi32, #tpu.memory_space<vmem>> -> memref<128xi32, #tpu.memory_space<vmem>>
        %dma_wait3A_221 = arith.constant 0 : i32
        %dma_wait3A_222 = arith.constant 0 : i32
        %dma_wait3A_223 = tpu.memref_slice %arg10[%dma_wait3A_221, %dma_wait3A_222] : memref<10112x128xf32, #tpu.memory_space<vmem_shared>> -> memref<10112x128xf32, #tpu.memory_space<vmem_shared>>
        tpu.wait_indirect_dma semaphore(%run_scoped3A_203 : memref<!tpu.dma_semaphore, #tpu.memory_space<semaphore_mem>>) src(%dma_wait3A_217 : memref<128x128xf32, #tpu.memory_space<vmem>>) dst(%dma_wait3A_223 : memref<10112x128xf32, #tpu.memory_space<vmem_shared>>)
        tpu.yield
      }) : () -> ()
      %add3A_161 = arith.constant 2 : i32
      %add3A_162 = arith.addi %add3A_148, %add3A_161 : i32
      %dma_start3A_163 = arith.constant 0 : i32
      %dma_start3A_164 = arith.constant 0 : i32
      %dma_start3A_165 = arith.constant 0 : i32
      %dma_start3A_166 = tpu.memref_slice %arg9[%dma_start3A_163, %dma_start3A_164, %dma_start3A_165] : memref<2x128x128xf32, #tpu.memory_space<vmem>> -> memref<1x128x128xf32, #tpu.memory_space<vmem>>
      %dma_start3A_167 = tpu.memref_squeeze %dma_start3A_166 : memref<1x128x128xf32, #tpu.memory_space<vmem>> -> memref<128x128xf32, #tpu.memory_space<vmem>>
      %dma_start3A_168 = arith.constant 0 : i32
      %dma_start3A_169 = tpu.memref_slice %arg7[%add3A_162, %dma_start3A_168] : memref<40x128xi32, #tpu.memory_space<vmem>> -> memref<1x128xi32, #tpu.memory_space<vmem>>
      %dma_start3A_170 = tpu.memref_squeeze %dma_start3A_169 : memref<1x128xi32, #tpu.memory_space<vmem>> -> memref<128xi32, #tpu.memory_space<vmem>>
      %dma_start3A_171 = arith.constant 0 : i32
      %dma_start3A_172 = arith.constant 0 : i32
      %dma_start3A_173 = tpu.memref_slice %arg2[%dma_start3A_171, %dma_start3A_172] : memref<273024x128xf32, #tpu.memory_space<hbm>> -> memref<273024x128xf32, #tpu.memory_space<hbm>>
      tpu.enqueue_indirect_dma source(%dma_start3A_173 : memref<273024x128xf32, #tpu.memory_space<hbm>>) target(%dma_start3A_167 : memref<128x128xf32, #tpu.memory_space<vmem>>) offsets(%dma_start3A_170 : memref<128xi32, #tpu.memory_space<vmem>>) semaphore(%arg11 : memref<!tpu.dma_semaphore, #tpu.memory_space<semaphore_mem>>)
      %mul3A_174 = arith.constant 2 : i32
      %mul3A_175 = arith.muli %scan3A_144, %mul3A_174 : i32
      %add3A_176 = arith.constant 1 : i32
      %add3A_177 = arith.addi %mul3A_175, %add3A_176 : i32
      %dma_wait3A_178 = arith.constant 1 : i32
      %dma_wait3A_179 = arith.constant 0 : i32
      %dma_wait3A_180 = arith.constant 0 : i32
      %dma_wait3A_181 = tpu.memref_slice %arg9[%dma_wait3A_178, %dma_wait3A_179, %dma_wait3A_180] : memref<2x128x128xf32, #tpu.memory_space<vmem>> -> memref<1x128x128xf32, #tpu.memory_space<vmem>>
      %dma_wait3A_182 = tpu.memref_squeeze %dma_wait3A_181 : memref<1x128x128xf32, #tpu.memory_space<vmem>> -> memref<128x128xf32, #tpu.memory_space<vmem>>
      %dma_wait3A_183 = arith.constant 0 : i32
      %dma_wait3A_184 = tpu.memref_slice %arg7[%add3A_177, %dma_wait3A_183] : memref<40x128xi32, #tpu.memory_space<vmem>> -> memref<1x128xi32, #tpu.memory_space<vmem>>
      %dma_wait3A_185 = tpu.memref_squeeze %dma_wait3A_184 : memref<1x128xi32, #tpu.memory_space<vmem>> -> memref<128xi32, #tpu.memory_space<vmem>>
      %dma_wait3A_186 = arith.constant 0 : i32
      %dma_wait3A_187 = arith.constant 0 : i32
      %dma_wait3A_188 = tpu.memref_slice %arg2[%dma_wait3A_186, %dma_wait3A_187] : memref<273024x128xf32, #tpu.memory_space<hbm>> -> memref<273024x128xf32, #tpu.memory_space<hbm>>
      tpu.wait_indirect_dma semaphore(%arg12 : memref<!tpu.dma_semaphore, #tpu.memory_space<semaphore_mem>>) src(%dma_wait3A_188 : memref<273024x128xf32, #tpu.memory_space<hbm>>) dst(%dma_wait3A_182 : memref<128x128xf32, #tpu.memory_space<vmem>>)
      %run_scoped3A_189 = arith.constant 1 : i32
      "tpu.region"() ({
        %run_scoped3A_203 = tpu.sem_alloc : memref<!tpu.dma_semaphore, #tpu.memory_space<semaphore_mem>>
        %dma_start3A_204 = arith.constant 0 : i32
        %dma_start3A_205 = arith.constant 0 : i32
        %dma_start3A_206 = tpu.memref_slice %arg9[%run_scoped3A_189, %dma_start3A_204, %dma_start3A_205] : memref<2x128x128xf32, #tpu.memory_space<vmem>> -> memref<1x128x128xf32, #tpu.memory_space<vmem>>
        %dma_start3A_207 = tpu.memref_squeeze %dma_start3A_206 : memref<1x128x128xf32, #tpu.memory_space<vmem>> -> memref<128x128xf32, #tpu.memory_space<vmem>>
        %dma_start3A_208 = arith.constant 0 : i32
        %dma_start3A_209 = tpu.memref_slice %arg8[%add3A_177, %dma_start3A_208] : memref<40x128xi32, #tpu.memory_space<vmem>> -> memref<1x128xi32, #tpu.memory_space<vmem>>
        %dma_start3A_210 = tpu.memref_squeeze %dma_start3A_209 : memref<1x128xi32, #tpu.memory_space<vmem>> -> memref<128xi32, #tpu.memory_space<vmem>>
        %dma_start3A_211 = arith.constant 0 : i32
        %dma_start3A_212 = arith.constant 0 : i32
        %dma_start3A_213 = tpu.memref_slice %arg10[%dma_start3A_211, %dma_start3A_212] : memref<10112x128xf32, #tpu.memory_space<vmem_shared>> -> memref<10112x128xf32, #tpu.memory_space<vmem_shared>>
        tpu.enqueue_indirect_dma source(%dma_start3A_207 : memref<128x128xf32, #tpu.memory_space<vmem>>) target(%dma_start3A_213 : memref<10112x128xf32, #tpu.memory_space<vmem_shared>>) offsets(%dma_start3A_210 : memref<128xi32, #tpu.memory_space<vmem>>) semaphore(%run_scoped3A_203 : memref<!tpu.dma_semaphore, #tpu.memory_space<semaphore_mem>>) {add = true}
        %dma_wait3A_214 = arith.constant 0 : i32
        %dma_wait3A_215 = arith.constant 0 : i32
        %dma_wait3A_216 = tpu.memref_slice %arg9[%run_scoped3A_189, %dma_wait3A_214, %dma_wait3A_215] : memref<2x128x128xf32, #tpu.memory_space<vmem>> -> memref<1x128x128xf32, #tpu.memory_space<vmem>>
        %dma_wait3A_217 = tpu.memref_squeeze %dma_wait3A_216 : memref<1x128x128xf32, #tpu.memory_space<vmem>> -> memref<128x128xf32, #tpu.memory_space<vmem>>
        %dma_wait3A_218 = arith.constant 0 : i32
        %dma_wait3A_219 = tpu.memref_slice %arg8[%add3A_177, %dma_wait3A_218] : memref<40x128xi32, #tpu.memory_space<vmem>> -> memref<1x128xi32, #tpu.memory_space<vmem>>
        %dma_wait3A_220 = tpu.memref_squeeze %dma_wait3A_219 : memref<1x128xi32, #tpu.memory_space<vmem>> -> memref<128xi32, #tpu.memory_space<vmem>>
        %dma_wait3A_221 = arith.constant 0 : i32
        %dma_wait3A_222 = arith.constant 0 : i32
        %dma_wait3A_223 = tpu.memref_slice %arg10[%dma_wait3A_221, %dma_wait3A_222] : memref<10112x128xf32, #tpu.memory_space<vmem_shared>> -> memref<10112x128xf32, #tpu.memory_space<vmem_shared>>
        tpu.wait_indirect_dma semaphore(%run_scoped3A_203 : memref<!tpu.dma_semaphore, #tpu.memory_space<semaphore_mem>>) src(%dma_wait3A_217 : memref<128x128xf32, #tpu.memory_space<vmem>>) dst(%dma_wait3A_223 : memref<10112x128xf32, #tpu.memory_space<vmem_shared>>)
        tpu.yield
      }) : () -> ()
      %add3A_190 = arith.constant 2 : i32
      %add3A_191 = arith.addi %add3A_177, %add3A_190 : i32
      %dma_start3A_192 = arith.constant 1 : i32
      %dma_start3A_193 = arith.constant 0 : i32
      %dma_start3A_194 = arith.constant 0 : i32
      %dma_start3A_195 = tpu.memref_slice %arg9[%dma_start3A_192, %dma_start3A_193, %dma_start3A_194] : memref<2x128x128xf32, #tpu.memory_space<vmem>> -> memref<1x128x128xf32, #tpu.memory_space<vmem>>
      %dma_start3A_196 = tpu.memref_squeeze %dma_start3A_195 : memref<1x128x128xf32, #tpu.memory_space<vmem>> -> memref<128x128xf32, #tpu.memory_space<vmem>>
      %dma_start3A_197 = arith.constant 0 : i32
      %dma_start3A_198 = tpu.memref_slice %arg7[%add3A_191, %dma_start3A_197] : memref<40x128xi32, #tpu.memory_space<vmem>> -> memref<1x128xi32, #tpu.memory_space<vmem>>
      %dma_start3A_199 = tpu.memref_squeeze %dma_start3A_198 : memref<1x128xi32, #tpu.memory_space<vmem>> -> memref<128xi32, #tpu.memory_space<vmem>>
      %dma_start3A_200 = arith.constant 0 : i32
      %dma_start3A_201 = arith.constant 0 : i32
      %dma_start3A_202 = tpu.memref_slice %arg2[%dma_start3A_200, %dma_start3A_201] : memref<273024x128xf32, #tpu.memory_space<hbm>> -> memref<273024x128xf32, #tpu.memory_space<hbm>>
      tpu.enqueue_indirect_dma source(%dma_start3A_202 : memref<273024x128xf32, #tpu.memory_space<hbm>>) target(%dma_start3A_196 : memref<128x128xf32, #tpu.memory_space<vmem>>) offsets(%dma_start3A_199 : memref<128xi32, #tpu.memory_space<vmem>>) semaphore(%arg12 : memref<!tpu.dma_semaphore, #tpu.memory_space<semaphore_mem>>)
    }
    %scan3A_110 = arith.constant 19 : i32
    %dma_wait3A_111 = arith.constant 38 : i32
    %dma_wait3A_112 = arith.constant 0 : i32
    %dma_wait3A_113 = arith.constant 0 : i32
    %dma_wait3A_114 = arith.constant 0 : i32
    %dma_wait3A_115 = tpu.memref_slice %arg9[%dma_wait3A_112, %dma_wait3A_113, %dma_wait3A_114] : memref<2x128x128xf32, #tpu.memory_space<vmem>> -> memref<1x128x128xf32, #tpu.memory_space<vmem>>
    %dma_wait3A_116 = tpu.memref_squeeze %dma_wait3A_115 : memref<1x128x128xf32, #tpu.memory_space<vmem>> -> memref<128x128xf32, #tpu.memory_space<vmem>>
    %dma_wait3A_117 = arith.constant 0 : i32
    %dma_wait3A_118 = tpu.memref_slice %arg7[%dma_wait3A_111, %dma_wait3A_117] : memref<40x128xi32, #tpu.memory_space<vmem>> -> memref<1x128xi32, #tpu.memory_space<vmem>>
    %dma_wait3A_119 = tpu.memref_squeeze %dma_wait3A_118 : memref<1x128xi32, #tpu.memory_space<vmem>> -> memref<128xi32, #tpu.memory_space<vmem>>
    %dma_wait3A_120 = arith.constant 0 : i32
    %dma_wait3A_121 = arith.constant 0 : i32
    %dma_wait3A_122 = tpu.memref_slice %arg2[%dma_wait3A_120, %dma_wait3A_121] : memref<273024x128xf32, #tpu.memory_space<hbm>> -> memref<273024x128xf32, #tpu.memory_space<hbm>>
    tpu.wait_indirect_dma semaphore(%arg11 : memref<!tpu.dma_semaphore, #tpu.memory_space<semaphore_mem>>) src(%dma_wait3A_122 : memref<273024x128xf32, #tpu.memory_space<hbm>>) dst(%dma_wait3A_116 : memref<128x128xf32, #tpu.memory_space<vmem>>)
    %run_scoped3A_123 = arith.constant 0 : i32
    %run_scoped3A_124 = arith.constant 38 : i32
    "tpu.region"() ({
      %run_scoped3A_144 = tpu.sem_alloc : memref<!tpu.dma_semaphore, #tpu.memory_space<semaphore_mem>>
      %dma_start3A_145 = arith.constant 0 : i32
      %dma_start3A_146 = arith.constant 0 : i32
      %dma_start3A_147 = tpu.memref_slice %arg9[%run_scoped3A_123, %dma_start3A_145, %dma_start3A_146] : memref<2x128x128xf32, #tpu.memory_space<vmem>> -> memref<1x128x128xf32, #tpu.memory_space<vmem>>
      %dma_start3A_148 = tpu.memref_squeeze %dma_start3A_147 : memref<1x128x128xf32, #tpu.memory_space<vmem>> -> memref<128x128xf32, #tpu.memory_space<vmem>>
      %dma_start3A_149 = arith.constant 0 : i32
      %dma_start3A_150 = tpu.memref_slice %arg8[%run_scoped3A_124, %dma_start3A_149] : memref<40x128xi32, #tpu.memory_space<vmem>> -> memref<1x128xi32, #tpu.memory_space<vmem>>
      %dma_start3A_151 = tpu.memref_squeeze %dma_start3A_150 : memref<1x128xi32, #tpu.memory_space<vmem>> -> memref<128xi32, #tpu.memory_space<vmem>>
      %dma_start3A_152 = arith.constant 0 : i32
      %dma_start3A_153 = arith.constant 0 : i32
      %dma_start3A_154 = tpu.memref_slice %arg10[%dma_start3A_152, %dma_start3A_153] : memref<10112x128xf32, #tpu.memory_space<vmem_shared>> -> memref<10112x128xf32, #tpu.memory_space<vmem_shared>>
      tpu.enqueue_indirect_dma source(%dma_start3A_148 : memref<128x128xf32, #tpu.memory_space<vmem>>) target(%dma_start3A_154 : memref<10112x128xf32, #tpu.memory_space<vmem_shared>>) offsets(%dma_start3A_151 : memref<128xi32, #tpu.memory_space<vmem>>) semaphore(%run_scoped3A_144 : memref<!tpu.dma_semaphore, #tpu.memory_space<semaphore_mem>>) {add = true}
      %dma_wait3A_155 = arith.constant 0 : i32
      %dma_wait3A_156 = arith.constant 0 : i32
      %dma_wait3A_157 = tpu.memref_slice %arg9[%run_scoped3A_123, %dma_wait3A_155, %dma_wait3A_156] : memref<2x128x128xf32, #tpu.memory_space<vmem>> -> memref<1x128x128xf32, #tpu.memory_space<vmem>>
      %dma_wait3A_158 = tpu.memref_squeeze %dma_wait3A_157 : memref<1x128x128xf32, #tpu.memory_space<vmem>> -> memref<128x128xf32, #tpu.memory_space<vmem>>
      %dma_wait3A_159 = arith.constant 0 : i32
      %dma_wait3A_160 = tpu.memref_slice %arg8[%run_scoped3A_124, %dma_wait3A_159] : memref<40x128xi32, #tpu.memory_space<vmem>> -> memref<1x128xi32, #tpu.memory_space<vmem>>
      %dma_wait3A_161 = tpu.memref_squeeze %dma_wait3A_160 : memref<1x128xi32, #tpu.memory_space<vmem>> -> memref<128xi32, #tpu.memory_space<vmem>>
      %dma_wait3A_162 = arith.constant 0 : i32
      %dma_wait3A_163 = arith.constant 0 : i32
      %dma_wait3A_164 = tpu.memref_slice %arg10[%dma_wait3A_162, %dma_wait3A_163] : memref<10112x128xf32, #tpu.memory_space<vmem_shared>> -> memref<10112x128xf32, #tpu.memory_space<vmem_shared>>
      tpu.wait_indirect_dma semaphore(%run_scoped3A_144 : memref<!tpu.dma_semaphore, #tpu.memory_space<semaphore_mem>>) src(%dma_wait3A_158 : memref<128x128xf32, #tpu.memory_space<vmem>>) dst(%dma_wait3A_164 : memref<10112x128xf32, #tpu.memory_space<vmem_shared>>)
      tpu.yield
    }) : () -> ()
    %dma_wait3A_125 = arith.constant 39 : i32
    %dma_wait3A_126 = arith.constant 1 : i32
    %dma_wait3A_127 = arith.constant 0 : i32
    %dma_wait3A_128 = arith.constant 0 : i32
    %dma_wait3A_129 = tpu.memref_slice %arg9[%dma_wait3A_126, %dma_wait3A_127, %dma_wait3A_128] : memref<2x128x128xf32, #tpu.memory_space<vmem>> -> memref<1x128x128xf32, #tpu.memory_space<vmem>>
    %dma_wait3A_130 = tpu.memref_squeeze %dma_wait3A_129 : memref<1x128x128xf32, #tpu.memory_space<vmem>> -> memref<128x128xf32, #tpu.memory_space<vmem>>
    %dma_wait3A_131 = arith.constant 0 : i32
    %dma_wait3A_132 = tpu.memref_slice %arg7[%dma_wait3A_125, %dma_wait3A_131] : memref<40x128xi32, #tpu.memory_space<vmem>> -> memref<1x128xi32, #tpu.memory_space<vmem>>
    %dma_wait3A_133 = tpu.memref_squeeze %dma_wait3A_132 : memref<1x128xi32, #tpu.memory_space<vmem>> -> memref<128xi32, #tpu.memory_space<vmem>>
    %dma_wait3A_134 = arith.constant 0 : i32
    %dma_wait3A_135 = arith.constant 0 : i32
    %dma_wait3A_136 = tpu.memref_slice %arg2[%dma_wait3A_134, %dma_wait3A_135] : memref<273024x128xf32, #tpu.memory_space<hbm>> -> memref<273024x128xf32, #tpu.memory_space<hbm>>
    tpu.wait_indirect_dma semaphore(%arg12 : memref<!tpu.dma_semaphore, #tpu.memory_space<semaphore_mem>>) src(%dma_wait3A_136 : memref<273024x128xf32, #tpu.memory_space<hbm>>) dst(%dma_wait3A_130 : memref<128x128xf32, #tpu.memory_space<vmem>>)
    %run_scoped3A_137 = arith.constant 1 : i32
    %run_scoped3A_138 = arith.constant 39 : i32
    "tpu.region"() ({
      %run_scoped3A_144 = tpu.sem_alloc : memref<!tpu.dma_semaphore, #tpu.memory_space<semaphore_mem>>
      %dma_start3A_145 = arith.constant 0 : i32
      %dma_start3A_146 = arith.constant 0 : i32
      %dma_start3A_147 = tpu.memref_slice %arg9[%run_scoped3A_137, %dma_start3A_145, %dma_start3A_146] : memref<2x128x128xf32, #tpu.memory_space<vmem>> -> memref<1x128x128xf32, #tpu.memory_space<vmem>>
      %dma_start3A_148 = tpu.memref_squeeze %dma_start3A_147 : memref<1x128x128xf32, #tpu.memory_space<vmem>> -> memref<128x128xf32, #tpu.memory_space<vmem>>
      %dma_start3A_149 = arith.constant 0 : i32
      %dma_start3A_150 = tpu.memref_slice %arg8[%run_scoped3A_138, %dma_start3A_149] : memref<40x128xi32, #tpu.memory_space<vmem>> -> memref<1x128xi32, #tpu.memory_space<vmem>>
      %dma_start3A_151 = tpu.memref_squeeze %dma_start3A_150 : memref<1x128xi32, #tpu.memory_space<vmem>> -> memref<128xi32, #tpu.memory_space<vmem>>
      %dma_start3A_152 = arith.constant 0 : i32
      %dma_start3A_153 = arith.constant 0 : i32
      %dma_start3A_154 = tpu.memref_slice %arg10[%dma_start3A_152, %dma_start3A_153] : memref<10112x128xf32, #tpu.memory_space<vmem_shared>> -> memref<10112x128xf32, #tpu.memory_space<vmem_shared>>
      tpu.enqueue_indirect_dma source(%dma_start3A_148 : memref<128x128xf32, #tpu.memory_space<vmem>>) target(%dma_start3A_154 : memref<10112x128xf32, #tpu.memory_space<vmem_shared>>) offsets(%dma_start3A_151 : memref<128xi32, #tpu.memory_space<vmem>>) semaphore(%run_scoped3A_144 : memref<!tpu.dma_semaphore, #tpu.memory_space<semaphore_mem>>) {add = true}
      %dma_wait3A_155 = arith.constant 0 : i32
      %dma_wait3A_156 = arith.constant 0 : i32
      %dma_wait3A_157 = tpu.memref_slice %arg9[%run_scoped3A_137, %dma_wait3A_155, %dma_wait3A_156] : memref<2x128x128xf32, #tpu.memory_space<vmem>> -> memref<1x128x128xf32, #tpu.memory_space<vmem>>
      %dma_wait3A_158 = tpu.memref_squeeze %dma_wait3A_157 : memref<1x128x128xf32, #tpu.memory_space<vmem>> -> memref<128x128xf32, #tpu.memory_space<vmem>>
      %dma_wait3A_159 = arith.constant 0 : i32
      %dma_wait3A_160 = tpu.memref_slice %arg8[%run_scoped3A_138, %dma_wait3A_159] : memref<40x128xi32, #tpu.memory_space<vmem>> -> memref<1x128xi32, #tpu.memory_space<vmem>>
      %dma_wait3A_161 = tpu.memref_squeeze %dma_wait3A_160 : memref<1x128xi32, #tpu.memory_space<vmem>> -> memref<128xi32, #tpu.memory_space<vmem>>
      %dma_wait3A_162 = arith.constant 0 : i32
      %dma_wait3A_163 = arith.constant 0 : i32
      %dma_wait3A_164 = tpu.memref_slice %arg10[%dma_wait3A_162, %dma_wait3A_163] : memref<10112x128xf32, #tpu.memory_space<vmem_shared>> -> memref<10112x128xf32, #tpu.memory_space<vmem_shared>>
      tpu.wait_indirect_dma semaphore(%run_scoped3A_144 : memref<!tpu.dma_semaphore, #tpu.memory_space<semaphore_mem>>) src(%dma_wait3A_158 : memref<128x128xf32, #tpu.memory_space<vmem>>) dst(%dma_wait3A_164 : memref<10112x128xf32, #tpu.memory_space<vmem_shared>>)
      tpu.yield
    }) : () -> ()
    %barrier3A_139 = arith.constant 0 : index
    tpu.barrier barrier_id(%barrier3A_139)
    %mul3A_140 = arith.constant 632 : i32
    %mul3A_141 = arith.muli %arg1, %mul3A_140 : i32
    %mul3A_142 = arith.constant 632 : i32
    %mul3A_143 = arith.muli %arg1, %mul3A_142 : i32
    "tpu.region"() ({
      %run_scoped3A_144 = tpu.sem_alloc : memref<!tpu.dma_semaphore, #tpu.memory_space<semaphore_mem>>
      %dma_start3A_145 = arith.constant 0 : i32
      %dma_start3A_146 = tpu.memref_slice %arg6[%arg0, %mul3A_143, %dma_start3A_145] : memref<2x10112x128xf32, #tpu.memory_space<hbm>> -> memref<1x632x128xf32, #tpu.memory_space<hbm>>
      %dma_start3A_147 = tpu.memref_squeeze %dma_start3A_146 : memref<1x632x128xf32, #tpu.memory_space<hbm>> -> memref<632x128xf32, #tpu.memory_space<hbm>>
      %dma_start3A_148 = arith.constant 0 : i32
      %dma_start3A_149 = tpu.memref_slice %arg10[%mul3A_141, %dma_start3A_148] : memref<10112x128xf32, #tpu.memory_space<vmem_shared>> -> memref<632x128xf32, #tpu.memory_space<vmem_shared>>
      tpu.enqueue_dma source(%dma_start3A_149 : memref<632x128xf32, #tpu.memory_space<vmem_shared>>) target(%dma_start3A_147 : memref<632x128xf32, #tpu.memory_space<hbm>>) target_semaphore(%run_scoped3A_144 : memref<!tpu.dma_semaphore, #tpu.memory_space<semaphore_mem>>)
      %dma_wait3A_150 = arith.constant 0 : i32
      %dma_wait3A_151 = tpu.memref_slice %arg6[%arg0, %mul3A_143, %dma_wait3A_150] : memref<2x10112x128xf32, #tpu.memory_space<hbm>> -> memref<1x632x128xf32, #tpu.memory_space<hbm>>
      %dma_wait3A_152 = tpu.memref_squeeze %dma_wait3A_151 : memref<1x632x128xf32, #tpu.memory_space<hbm>> -> memref<632x128xf32, #tpu.memory_space<hbm>>
      %dma_wait3A_153 = arith.constant 0 : i32
      %dma_wait3A_154 = tpu.memref_slice %arg10[%mul3A_141, %dma_wait3A_153] : memref<10112x128xf32, #tpu.memory_space<vmem_shared>> -> memref<632x128xf32, #tpu.memory_space<vmem_shared>>
      tpu.wait_dma2 semaphore(%run_scoped3A_144 : memref<!tpu.dma_semaphore, #tpu.memory_space<semaphore_mem>>) src(%dma_wait3A_154 : memref<632x128xf32, #tpu.memory_space<vmem_shared>>) dst(%dma_wait3A_152 : memref<632x128xf32, #tpu.memory_space<hbm>>)
      tpu.yield
    }) : () -> ()
    return
  }
}

#map = affine_map<(d0, d1) -> (0, 0)>
#map1 = affine_map<(d0, d1) -> (0, 0, 0)>
module attributes {stable_mosaic.version = 14 : i64} {
  func.func @_sc_conv_body(%arg0: i32, %arg1: i32, %arg2: memref<273024x128xf32, #tpu.memory_space<hbm>>, %arg3: memref<32x80x128xi32, #tpu.memory_space<hbm>>, %arg4: memref<32x80x128xi32, #tpu.memory_space<hbm>>, %arg5: memref<128x128xf32, #tpu.memory_space<hbm>>, %arg6: memref<2x10112x128xf32, #tpu.memory_space<hbm>>, %arg7: memref<40x128xi32, #tpu.memory_space<vmem>>, %arg8: memref<40x128xi32, #tpu.memory_space<vmem>>, %arg9: memref<2x128x128xf32, #tpu.memory_space<vmem>>, %arg10: memref<10112x128xf32, #tpu.memory_space<vmem_shared>>, %arg11: memref<!tpu.dma_semaphore, #tpu.memory_space<semaphore_mem>>, %arg12: memref<!tpu.dma_semaphore, #tpu.memory_space<semaphore_mem>>) attributes {dimension_semantics = [#tpu.dimension_semantics<core_parallel>, #tpu.dimension_semantics<subcore_parallel>], iteration_bounds = array<i64: 2, 16>, scalar_prefetch = 0 : i64, scratch_operands = 6 : i64, tpu.core_type = #tpu.core_type<sc_vector_subcore>, window_params = [{transform_indices = #map}, {transform_indices = #map1}, {transform_indices = #map1}, {transform_indices = #map}, {transform_indices = #map1}]} {
    %mul3A = arith.constant 2 : i32
    %mul3A_0 = arith.muli %arg1, %mul3A : i32
    %add3A = arith.addi %mul3A_0, %arg0 : i32
    %run_scoped3A = arith.constant 0 : i32
    "tpu.region"() ({
      %run_scoped3A_144 = tpu.sem_alloc : memref<!tpu.dma_semaphore, #tpu.memory_space<semaphore_mem>>
      %dma_start3A_145 = arith.constant 0 : i32
      %dma_start3A_146 = arith.constant 0 : i32
      %dma_start3A_147 = tpu.memref_slice %arg9[%run_scoped3A, %dma_start3A_145, %dma_start3A_146] : memref<2x128x128xf32, #tpu.memory_space<vmem>> -> memref<1x128x128xf32, #tpu.memory_space<vmem>>
      %dma_start3A_148 = tpu.memref_squeeze %dma_start3A_147 : memref<1x128x128xf32, #tpu.memory_space<vmem>> -> memref<128x128xf32, #tpu.memory_space<vmem>>
      %dma_start3A_149 = arith.constant 0 : i32
      %dma_start3A_150 = arith.constant 0 : i32
      %dma_start3A_151 = tpu.memref_slice %arg9[%run_scoped3A, %dma_start3A_149, %dma_start3A_150] : memref<2x128x128xf32, #tpu.memory_space<vmem>> -> memref<1x128x128xf32, #tpu.memory_space<vmem>>
      %dma_start3A_152 = tpu.memref_squeeze %dma_start3A_151 : memref<1x128x128xf32, #tpu.memory_space<vmem>> -> memref<128x128xf32, #tpu.memory_space<vmem>>
      tpu.enqueue_dma source(%arg5 : memref<128x128xf32, #tpu.memory_space<hbm>>) target(%dma_start3A_152 : memref<128x128xf32, #tpu.memory_space<vmem>>) target_semaphore(%run_scoped3A_144 : memref<!tpu.dma_semaphore, #tpu.memory_space<semaphore_mem>>)
      %dma_wait3A_153 = arith.constant 0 : i32
      %dma_wait3A_154 = arith.constant 0 : i32
      %dma_wait3A_155 = tpu.memref_slice %arg9[%run_scoped3A, %dma_wait3A_153, %dma_wait3A_154] : memref<2x128x128xf32, #tpu.memory_space<vmem>> -> memref<1x128x128xf32, #tpu.memory_space<vmem>>
      %dma_wait3A_156 = tpu.memref_squeeze %dma_wait3A_155 : memref<1x128x128xf32, #tpu.memory_space<vmem>> -> memref<128x128xf32, #tpu.memory_space<vmem>>
      %dma_wait3A_157 = arith.constant 0 : i32
      %dma_wait3A_158 = arith.constant 0 : i32
      %dma_wait3A_159 = tpu.memref_slice %arg9[%run_scoped3A, %dma_wait3A_157, %dma_wait3A_158] : memref<2x128x128xf32, #tpu.memory_space<vmem>> -> memref<1x128x128xf32, #tpu.memory_space<vmem>>
      %dma_wait3A_160 = tpu.memref_squeeze %dma_wait3A_159 : memref<1x128x128xf32, #tpu.memory_space<vmem>> -> memref<128x128xf32, #tpu.memory_space<vmem>>
      tpu.wait_dma2 semaphore(%run_scoped3A_144 : memref<!tpu.dma_semaphore, #tpu.memory_space<semaphore_mem>>) src(%arg5 : memref<128x128xf32, #tpu.memory_space<hbm>>) dst(%dma_wait3A_160 : memref<128x128xf32, #tpu.memory_space<vmem>>)
      tpu.yield
    }) : () -> ()
    %mul3A_1 = arith.constant 632 : i32
    %mul3A_2 = arith.muli %arg1, %mul3A_1 : i32
    %add3A_3 = arith.constant 0 : i32
    %add3A_4 = arith.addi %mul3A_2, %add3A_3 : i32
    %run_scoped3A_5 = arith.constant 0 : i32
    "tpu.region"() ({
      %run_scoped3A_144 = tpu.sem_alloc : memref<!tpu.dma_semaphore, #tpu.memory_space<semaphore_mem>>
      %dma_start3A_145 = arith.constant 0 : i32
      %dma_start3A_146 = arith.constant 0 : i32
      %dma_start3A_147 = tpu.memref_slice %arg9[%run_scoped3A_5, %dma_start3A_145, %dma_start3A_146] : memref<2x128x128xf32, #tpu.memory_space<vmem>> -> memref<1x128x128xf32, #tpu.memory_space<vmem>>
      %dma_start3A_148 = tpu.memref_squeeze %dma_start3A_147 : memref<1x128x128xf32, #tpu.memory_space<vmem>> -> memref<128x128xf32, #tpu.memory_space<vmem>>
      %dma_start3A_149 = arith.constant 0 : i32
      %dma_start3A_150 = tpu.memref_slice %arg10[%add3A_4, %dma_start3A_149] : memref<10112x128xf32, #tpu.memory_space<vmem_shared>> -> memref<128x128xf32, #tpu.memory_space<vmem_shared>>
      %dma_start3A_151 = arith.constant 0 : i32
      %dma_start3A_152 = tpu.memref_slice %arg10[%add3A_4, %dma_start3A_151] : memref<10112x128xf32, #tpu.memory_space<vmem_shared>> -> memref<128x128xf32, #tpu.memory_space<vmem_shared>>
      %dma_start3A_153 = arith.constant 0 : i32
      %dma_start3A_154 = arith.constant 0 : i32
      %dma_start3A_155 = tpu.memref_slice %arg9[%run_scoped3A_5, %dma_start3A_153, %dma_start3A_154] : memref<2x128x128xf32, #tpu.memory_space<vmem>> -> memref<1x128x128xf32, #tpu.memory_space<vmem>>
      %dma_start3A_156 = tpu.memref_squeeze %dma_start3A_155 : memref<1x128x128xf32, #tpu.memory_space<vmem>> -> memref<128x128xf32, #tpu.memory_space<vmem>>
      tpu.enqueue_dma source(%dma_start3A_156 : memref<128x128xf32, #tpu.memory_space<vmem>>) target(%dma_start3A_152 : memref<128x128xf32, #tpu.memory_space<vmem_shared>>) target_semaphore(%run_scoped3A_144 : memref<!tpu.dma_semaphore, #tpu.memory_space<semaphore_mem>>)
      %dma_wait3A_157 = arith.constant 0 : i32
      %dma_wait3A_158 = arith.constant 0 : i32
      %dma_wait3A_159 = tpu.memref_slice %arg9[%run_scoped3A_5, %dma_wait3A_157, %dma_wait3A_158] : memref<2x128x128xf32, #tpu.memory_space<vmem>> -> memref<1x128x128xf32, #tpu.memory_space<vmem>>
      %dma_wait3A_160 = tpu.memref_squeeze %dma_wait3A_159 : memref<1x128x128xf32, #tpu.memory_space<vmem>> -> memref<128x128xf32, #tpu.memory_space<vmem>>
      %dma_wait3A_161 = arith.constant 0 : i32
      %dma_wait3A_162 = tpu.memref_slice %arg10[%add3A_4, %dma_wait3A_161] : memref<10112x128xf32, #tpu.memory_space<vmem_shared>> -> memref<128x128xf32, #tpu.memory_space<vmem_shared>>
      %dma_wait3A_163 = arith.constant 0 : i32
      %dma_wait3A_164 = tpu.memref_slice %arg10[%add3A_4, %dma_wait3A_163] : memref<10112x128xf32, #tpu.memory_space<vmem_shared>> -> memref<128x128xf32, #tpu.memory_space<vmem_shared>>
      %dma_wait3A_165 = arith.constant 0 : i32
      %dma_wait3A_166 = arith.constant 0 : i32
      %dma_wait3A_167 = tpu.memref_slice %arg9[%run_scoped3A_5, %dma_wait3A_165, %dma_wait3A_166] : memref<2x128x128xf32, #tpu.memory_space<vmem>> -> memref<1x128x128xf32, #tpu.memory_space<vmem>>
      %dma_wait3A_168 = tpu.memref_squeeze %dma_wait3A_167 : memref<1x128x128xf32, #tpu.memory_space<vmem>> -> memref<128x128xf32, #tpu.memory_space<vmem>>
      tpu.wait_dma2 semaphore(%run_scoped3A_144 : memref<!tpu.dma_semaphore, #tpu.memory_space<semaphore_mem>>) src(%dma_wait3A_168 : memref<128x128xf32, #tpu.memory_space<vmem>>) dst(%dma_wait3A_164 : memref<128x128xf32, #tpu.memory_space<vmem_shared>>)
      tpu.yield
    }) : () -> ()
    %mul3A_6 = arith.constant 632 : i32
    %mul3A_7 = arith.muli %arg1, %mul3A_6 : i32
    %add3A_8 = arith.constant 128 : i32
    %add3A_9 = arith.addi %mul3A_7, %add3A_8 : i32
    %run_scoped3A_10 = arith.constant 0 : i32
    "tpu.region"() ({
      %run_scoped3A_144 = tpu.sem_alloc : memref<!tpu.dma_semaphore, #tpu.memory_space<semaphore_mem>>
      %dma_start3A_145 = arith.constant 0 : i32
      %dma_start3A_146 = arith.constant 0 : i32
      %dma_start3A_147 = tpu.memref_slice %arg9[%run_scoped3A_10, %dma_start3A_145, %dma_start3A_146] : memref<2x128x128xf32, #tpu.memory_space<vmem>> -> memref<1x128x128xf32, #tpu.memory_space<vmem>>
      %dma_start3A_148 = tpu.memref_squeeze %dma_start3A_147 : memref<1x128x128xf32, #tpu.memory_space<vmem>> -> memref<128x128xf32, #tpu.memory_space<vmem>>
      %dma_start3A_149 = arith.constant 0 : i32
      %dma_start3A_150 = tpu.memref_slice %arg10[%add3A_9, %dma_start3A_149] : memref<10112x128xf32, #tpu.memory_space<vmem_shared>> -> memref<128x128xf32, #tpu.memory_space<vmem_shared>>
      %dma_start3A_151 = arith.constant 0 : i32
      %dma_start3A_152 = tpu.memref_slice %arg10[%add3A_9, %dma_start3A_151] : memref<10112x128xf32, #tpu.memory_space<vmem_shared>> -> memref<128x128xf32, #tpu.memory_space<vmem_shared>>
      %dma_start3A_153 = arith.constant 0 : i32
      %dma_start3A_154 = arith.constant 0 : i32
      %dma_start3A_155 = tpu.memref_slice %arg9[%run_scoped3A_10, %dma_start3A_153, %dma_start3A_154] : memref<2x128x128xf32, #tpu.memory_space<vmem>> -> memref<1x128x128xf32, #tpu.memory_space<vmem>>
      %dma_start3A_156 = tpu.memref_squeeze %dma_start3A_155 : memref<1x128x128xf32, #tpu.memory_space<vmem>> -> memref<128x128xf32, #tpu.memory_space<vmem>>
      tpu.enqueue_dma source(%dma_start3A_156 : memref<128x128xf32, #tpu.memory_space<vmem>>) target(%dma_start3A_152 : memref<128x128xf32, #tpu.memory_space<vmem_shared>>) target_semaphore(%run_scoped3A_144 : memref<!tpu.dma_semaphore, #tpu.memory_space<semaphore_mem>>)
      %dma_wait3A_157 = arith.constant 0 : i32
      %dma_wait3A_158 = arith.constant 0 : i32
      %dma_wait3A_159 = tpu.memref_slice %arg9[%run_scoped3A_10, %dma_wait3A_157, %dma_wait3A_158] : memref<2x128x128xf32, #tpu.memory_space<vmem>> -> memref<1x128x128xf32, #tpu.memory_space<vmem>>
      %dma_wait3A_160 = tpu.memref_squeeze %dma_wait3A_159 : memref<1x128x128xf32, #tpu.memory_space<vmem>> -> memref<128x128xf32, #tpu.memory_space<vmem>>
      %dma_wait3A_161 = arith.constant 0 : i32
      %dma_wait3A_162 = tpu.memref_slice %arg10[%add3A_9, %dma_wait3A_161] : memref<10112x128xf32, #tpu.memory_space<vmem_shared>> -> memref<128x128xf32, #tpu.memory_space<vmem_shared>>
      %dma_wait3A_163 = arith.constant 0 : i32
      %dma_wait3A_164 = tpu.memref_slice %arg10[%add3A_9, %dma_wait3A_163] : memref<10112x128xf32, #tpu.memory_space<vmem_shared>> -> memref<128x128xf32, #tpu.memory_space<vmem_shared>>
      %dma_wait3A_165 = arith.constant 0 : i32
      %dma_wait3A_166 = arith.constant 0 : i32
      %dma_wait3A_167 = tpu.memref_slice %arg9[%run_scoped3A_10, %dma_wait3A_165, %dma_wait3A_166] : memref<2x128x128xf32, #tpu.memory_space<vmem>> -> memref<1x128x128xf32, #tpu.memory_space<vmem>>
      %dma_wait3A_168 = tpu.memref_squeeze %dma_wait3A_167 : memref<1x128x128xf32, #tpu.memory_space<vmem>> -> memref<128x128xf32, #tpu.memory_space<vmem>>
      tpu.wait_dma2 semaphore(%run_scoped3A_144 : memref<!tpu.dma_semaphore, #tpu.memory_space<semaphore_mem>>) src(%dma_wait3A_168 : memref<128x128xf32, #tpu.memory_space<vmem>>) dst(%dma_wait3A_164 : memref<128x128xf32, #tpu.memory_space<vmem_shared>>)
      tpu.yield
    }) : () -> ()
    %mul3A_11 = arith.constant 632 : i32
    %mul3A_12 = arith.muli %arg1, %mul3A_11 : i32
    %add3A_13 = arith.constant 256 : i32
    %add3A_14 = arith.addi %mul3A_12, %add3A_13 : i32
    %run_scoped3A_15 = arith.constant 0 : i32
    "tpu.region"() ({
      %run_scoped3A_144 = tpu.sem_alloc : memref<!tpu.dma_semaphore, #tpu.memory_space<semaphore_mem>>
      %dma_start3A_145 = arith.constant 0 : i32
      %dma_start3A_146 = arith.constant 0 : i32
      %dma_start3A_147 = tpu.memref_slice %arg9[%run_scoped3A_15, %dma_start3A_145, %dma_start3A_146] : memref<2x128x128xf32, #tpu.memory_space<vmem>> -> memref<1x128x128xf32, #tpu.memory_space<vmem>>
      %dma_start3A_148 = tpu.memref_squeeze %dma_start3A_147 : memref<1x128x128xf32, #tpu.memory_space<vmem>> -> memref<128x128xf32, #tpu.memory_space<vmem>>
      %dma_start3A_149 = arith.constant 0 : i32
      %dma_start3A_150 = tpu.memref_slice %arg10[%add3A_14, %dma_start3A_149] : memref<10112x128xf32, #tpu.memory_space<vmem_shared>> -> memref<128x128xf32, #tpu.memory_space<vmem_shared>>
      %dma_start3A_151 = arith.constant 0 : i32
      %dma_start3A_152 = tpu.memref_slice %arg10[%add3A_14, %dma_start3A_151] : memref<10112x128xf32, #tpu.memory_space<vmem_shared>> -> memref<128x128xf32, #tpu.memory_space<vmem_shared>>
      %dma_start3A_153 = arith.constant 0 : i32
      %dma_start3A_154 = arith.constant 0 : i32
      %dma_start3A_155 = tpu.memref_slice %arg9[%run_scoped3A_15, %dma_start3A_153, %dma_start3A_154] : memref<2x128x128xf32, #tpu.memory_space<vmem>> -> memref<1x128x128xf32, #tpu.memory_space<vmem>>
      %dma_start3A_156 = tpu.memref_squeeze %dma_start3A_155 : memref<1x128x128xf32, #tpu.memory_space<vmem>> -> memref<128x128xf32, #tpu.memory_space<vmem>>
      tpu.enqueue_dma source(%dma_start3A_156 : memref<128x128xf32, #tpu.memory_space<vmem>>) target(%dma_start3A_152 : memref<128x128xf32, #tpu.memory_space<vmem_shared>>) target_semaphore(%run_scoped3A_144 : memref<!tpu.dma_semaphore, #tpu.memory_space<semaphore_mem>>)
      %dma_wait3A_157 = arith.constant 0 : i32
      %dma_wait3A_158 = arith.constant 0 : i32
      %dma_wait3A_159 = tpu.memref_slice %arg9[%run_scoped3A_15, %dma_wait3A_157, %dma_wait3A_158] : memref<2x128x128xf32, #tpu.memory_space<vmem>> -> memref<1x128x128xf32, #tpu.memory_space<vmem>>
      %dma_wait3A_160 = tpu.memref_squeeze %dma_wait3A_159 : memref<1x128x128xf32, #tpu.memory_space<vmem>> -> memref<128x128xf32, #tpu.memory_space<vmem>>
      %dma_wait3A_161 = arith.constant 0 : i32
      %dma_wait3A_162 = tpu.memref_slice %arg10[%add3A_14, %dma_wait3A_161] : memref<10112x128xf32, #tpu.memory_space<vmem_shared>> -> memref<128x128xf32, #tpu.memory_space<vmem_shared>>
      %dma_wait3A_163 = arith.constant 0 : i32
      %dma_wait3A_164 = tpu.memref_slice %arg10[%add3A_14, %dma_wait3A_163] : memref<10112x128xf32, #tpu.memory_space<vmem_shared>> -> memref<128x128xf32, #tpu.memory_space<vmem_shared>>
      %dma_wait3A_165 = arith.constant 0 : i32
      %dma_wait3A_166 = arith.constant 0 : i32
      %dma_wait3A_167 = tpu.memref_slice %arg9[%run_scoped3A_15, %dma_wait3A_165, %dma_wait3A_166] : memref<2x128x128xf32, #tpu.memory_space<vmem>> -> memref<1x128x128xf32, #tpu.memory_space<vmem>>
      %dma_wait3A_168 = tpu.memref_squeeze %dma_wait3A_167 : memref<1x128x128xf32, #tpu.memory_space<vmem>> -> memref<128x128xf32, #tpu.memory_space<vmem>>
      tpu.wait_dma2 semaphore(%run_scoped3A_144 : memref<!tpu.dma_semaphore, #tpu.memory_space<semaphore_mem>>) src(%dma_wait3A_168 : memref<128x128xf32, #tpu.memory_space<vmem>>) dst(%dma_wait3A_164 : memref<128x128xf32, #tpu.memory_space<vmem_shared>>)
      tpu.yield
    }) : () -> ()
    %mul3A_16 = arith.constant 632 : i32
    %mul3A_17 = arith.muli %arg1, %mul3A_16 : i32
    %add3A_18 = arith.constant 384 : i32
    %add3A_19 = arith.addi %mul3A_17, %add3A_18 : i32
    %run_scoped3A_20 = arith.constant 0 : i32
    "tpu.region"() ({
      %run_scoped3A_144 = tpu.sem_alloc : memref<!tpu.dma_semaphore, #tpu.memory_space<semaphore_mem>>
      %dma_start3A_145 = arith.constant 0 : i32
      %dma_start3A_146 = arith.constant 0 : i32
      %dma_start3A_147 = tpu.memref_slice %arg9[%run_scoped3A_20, %dma_start3A_145, %dma_start3A_146] : memref<2x128x128xf32, #tpu.memory_space<vmem>> -> memref<1x128x128xf32, #tpu.memory_space<vmem>>
      %dma_start3A_148 = tpu.memref_squeeze %dma_start3A_147 : memref<1x128x128xf32, #tpu.memory_space<vmem>> -> memref<128x128xf32, #tpu.memory_space<vmem>>
      %dma_start3A_149 = arith.constant 0 : i32
      %dma_start3A_150 = tpu.memref_slice %arg10[%add3A_19, %dma_start3A_149] : memref<10112x128xf32, #tpu.memory_space<vmem_shared>> -> memref<128x128xf32, #tpu.memory_space<vmem_shared>>
      %dma_start3A_151 = arith.constant 0 : i32
      %dma_start3A_152 = tpu.memref_slice %arg10[%add3A_19, %dma_start3A_151] : memref<10112x128xf32, #tpu.memory_space<vmem_shared>> -> memref<128x128xf32, #tpu.memory_space<vmem_shared>>
      %dma_start3A_153 = arith.constant 0 : i32
      %dma_start3A_154 = arith.constant 0 : i32
      %dma_start3A_155 = tpu.memref_slice %arg9[%run_scoped3A_20, %dma_start3A_153, %dma_start3A_154] : memref<2x128x128xf32, #tpu.memory_space<vmem>> -> memref<1x128x128xf32, #tpu.memory_space<vmem>>
      %dma_start3A_156 = tpu.memref_squeeze %dma_start3A_155 : memref<1x128x128xf32, #tpu.memory_space<vmem>> -> memref<128x128xf32, #tpu.memory_space<vmem>>
      tpu.enqueue_dma source(%dma_start3A_156 : memref<128x128xf32, #tpu.memory_space<vmem>>) target(%dma_start3A_152 : memref<128x128xf32, #tpu.memory_space<vmem_shared>>) target_semaphore(%run_scoped3A_144 : memref<!tpu.dma_semaphore, #tpu.memory_space<semaphore_mem>>)
      %dma_wait3A_157 = arith.constant 0 : i32
      %dma_wait3A_158 = arith.constant 0 : i32
      %dma_wait3A_159 = tpu.memref_slice %arg9[%run_scoped3A_20, %dma_wait3A_157, %dma_wait3A_158] : memref<2x128x128xf32, #tpu.memory_space<vmem>> -> memref<1x128x128xf32, #tpu.memory_space<vmem>>
      %dma_wait3A_160 = tpu.memref_squeeze %dma_wait3A_159 : memref<1x128x128xf32, #tpu.memory_space<vmem>> -> memref<128x128xf32, #tpu.memory_space<vmem>>
      %dma_wait3A_161 = arith.constant 0 : i32
      %dma_wait3A_162 = tpu.memref_slice %arg10[%add3A_19, %dma_wait3A_161] : memref<10112x128xf32, #tpu.memory_space<vmem_shared>> -> memref<128x128xf32, #tpu.memory_space<vmem_shared>>
      %dma_wait3A_163 = arith.constant 0 : i32
      %dma_wait3A_164 = tpu.memref_slice %arg10[%add3A_19, %dma_wait3A_163] : memref<10112x128xf32, #tpu.memory_space<vmem_shared>> -> memref<128x128xf32, #tpu.memory_space<vmem_shared>>
      %dma_wait3A_165 = arith.constant 0 : i32
      %dma_wait3A_166 = arith.constant 0 : i32
      %dma_wait3A_167 = tpu.memref_slice %arg9[%run_scoped3A_20, %dma_wait3A_165, %dma_wait3A_166] : memref<2x128x128xf32, #tpu.memory_space<vmem>> -> memref<1x128x128xf32, #tpu.memory_space<vmem>>
      %dma_wait3A_168 = tpu.memref_squeeze %dma_wait3A_167 : memref<1x128x128xf32, #tpu.memory_space<vmem>> -> memref<128x128xf32, #tpu.memory_space<vmem>>
      tpu.wait_dma2 semaphore(%run_scoped3A_144 : memref<!tpu.dma_semaphore, #tpu.memory_space<semaphore_mem>>) src(%dma_wait3A_168 : memref<128x128xf32, #tpu.memory_space<vmem>>) dst(%dma_wait3A_164 : memref<128x128xf32, #tpu.memory_space<vmem_shared>>)
      tpu.yield
    }) : () -> ()
    %mul3A_21 = arith.constant 632 : i32
    %mul3A_22 = arith.muli %arg1, %mul3A_21 : i32
    %add3A_23 = arith.constant 512 : i32
    %add3A_24 = arith.addi %mul3A_22, %add3A_23 : i32
    %run_scoped3A_25 = arith.constant 0 : i32
    "tpu.region"() ({
      %run_scoped3A_144 = tpu.sem_alloc : memref<!tpu.dma_semaphore, #tpu.memory_space<semaphore_mem>>
      %dma_start3A_145 = arith.constant 0 : i32
      %dma_start3A_146 = arith.constant 0 : i32
      %dma_start3A_147 = tpu.memref_slice %arg9[%run_scoped3A_25, %dma_start3A_145, %dma_start3A_146] : memref<2x128x128xf32, #tpu.memory_space<vmem>> -> memref<1x128x128xf32, #tpu.memory_space<vmem>>
      %dma_start3A_148 = tpu.memref_squeeze %dma_start3A_147 : memref<1x128x128xf32, #tpu.memory_space<vmem>> -> memref<128x128xf32, #tpu.memory_space<vmem>>
      %dma_start3A_149 = arith.constant 0 : i32
      %dma_start3A_150 = arith.constant 0 : i32
      %dma_start3A_151 = tpu.memref_slice %dma_start3A_148[%dma_start3A_149, %dma_start3A_150] : memref<128x128xf32, #tpu.memory_space<vmem>> -> memref<120x128xf32, #tpu.memory_space<vmem>>
      %dma_start3A_152 = arith.constant 0 : i32
      %dma_start3A_153 = tpu.memref_slice %arg10[%add3A_24, %dma_start3A_152] : memref<10112x128xf32, #tpu.memory_space<vmem_shared>> -> memref<120x128xf32, #tpu.memory_space<vmem_shared>>
      %dma_start3A_154 = arith.constant 0 : i32
      %dma_start3A_155 = tpu.memref_slice %arg10[%add3A_24, %dma_start3A_154] : memref<10112x128xf32, #tpu.memory_space<vmem_shared>> -> memref<120x128xf32, #tpu.memory_space<vmem_shared>>
      %dma_start3A_156 = arith.constant 0 : i32
      %dma_start3A_157 = arith.constant 0 : i32
      %dma_start3A_158 = tpu.memref_slice %arg9[%run_scoped3A_25, %dma_start3A_156, %dma_start3A_157] : memref<2x128x128xf32, #tpu.memory_space<vmem>> -> memref<1x128x128xf32, #tpu.memory_space<vmem>>
      %dma_start3A_159 = tpu.memref_squeeze %dma_start3A_158 : memref<1x128x128xf32, #tpu.memory_space<vmem>> -> memref<128x128xf32, #tpu.memory_space<vmem>>
      %dma_start3A_160 = arith.constant 0 : i32
      %dma_start3A_161 = arith.constant 0 : i32
      %dma_start3A_162 = tpu.memref_slice %dma_start3A_159[%dma_start3A_160, %dma_start3A_161] : memref<128x128xf32, #tpu.memory_space<vmem>> -> memref<120x128xf32, #tpu.memory_space<vmem>>
      tpu.enqueue_dma source(%dma_start3A_162 : memref<120x128xf32, #tpu.memory_space<vmem>>) target(%dma_start3A_155 : memref<120x128xf32, #tpu.memory_space<vmem_shared>>) target_semaphore(%run_scoped3A_144 : memref<!tpu.dma_semaphore, #tpu.memory_space<semaphore_mem>>)
      %dma_wait3A_163 = arith.constant 0 : i32
      %dma_wait3A_164 = arith.constant 0 : i32
      %dma_wait3A_165 = tpu.memref_slice %arg9[%run_scoped3A_25, %dma_wait3A_163, %dma_wait3A_164] : memref<2x128x128xf32, #tpu.memory_space<vmem>> -> memref<1x128x128xf32, #tpu.memory_space<vmem>>
      %dma_wait3A_166 = tpu.memref_squeeze %dma_wait3A_165 : memref<1x128x128xf32, #tpu.memory_space<vmem>> -> memref<128x128xf32, #tpu.memory_space<vmem>>
      %dma_wait3A_167 = arith.constant 0 : i32
      %dma_wait3A_168 = arith.constant 0 : i32
      %dma_wait3A_169 = tpu.memref_slice %dma_wait3A_166[%dma_wait3A_167, %dma_wait3A_168] : memref<128x128xf32, #tpu.memory_space<vmem>> -> memref<120x128xf32, #tpu.memory_space<vmem>>
      %dma_wait3A_170 = arith.constant 0 : i32
      %dma_wait3A_171 = tpu.memref_slice %arg10[%add3A_24, %dma_wait3A_170] : memref<10112x128xf32, #tpu.memory_space<vmem_shared>> -> memref<120x128xf32, #tpu.memory_space<vmem_shared>>
      %dma_wait3A_172 = arith.constant 0 : i32
      %dma_wait3A_173 = tpu.memref_slice %arg10[%add3A_24, %dma_wait3A_172] : memref<10112x128xf32, #tpu.memory_space<vmem_shared>> -> memref<120x128xf32, #tpu.memory_space<vmem_shared>>
      %dma_wait3A_174 = arith.constant 0 : i32
      %dma_wait3A_175 = arith.constant 0 : i32
      %dma_wait3A_176 = tpu.memref_slice %arg9[%run_scoped3A_25, %dma_wait3A_174, %dma_wait3A_175] : memref<2x128x128xf32, #tpu.memory_space<vmem>> -> memref<1x128x128xf32, #tpu.memory_space<vmem>>
      %dma_wait3A_177 = tpu.memref_squeeze %dma_wait3A_176 : memref<1x128x128xf32, #tpu.memory_space<vmem>> -> memref<128x128xf32, #tpu.memory_space<vmem>>
      %dma_wait3A_178 = arith.constant 0 : i32
      %dma_wait3A_179 = arith.constant 0 : i32
      %dma_wait3A_180 = tpu.memref_slice %dma_wait3A_177[%dma_wait3A_178, %dma_wait3A_179] : memref<128x128xf32, #tpu.memory_space<vmem>> -> memref<120x128xf32, #tpu.memory_space<vmem>>
      tpu.wait_dma2 semaphore(%run_scoped3A_144 : memref<!tpu.dma_semaphore, #tpu.memory_space<semaphore_mem>>) src(%dma_wait3A_180 : memref<120x128xf32, #tpu.memory_space<vmem>>) dst(%dma_wait3A_173 : memref<120x128xf32, #tpu.memory_space<vmem_shared>>)
      tpu.yield
    }) : () -> ()
    %barrier3A = arith.constant 0 : index
    tpu.barrier barrier_id(%barrier3A)
    "tpu.region"() ({
      %run_scoped3A_144 = tpu.sem_alloc : memref<!tpu.dma_semaphore, #tpu.memory_space<semaphore_mem>>
      %dma_start3A_145 = arith.constant 0 : i32
      %dma_start3A_146 = arith.constant 0 : i32
      %dma_start3A_147 = tpu.memref_slice %arg3[%add3A, %dma_start3A_145, %dma_start3A_146] : memref<32x80x128xi32, #tpu.memory_space<hbm>> -> memref<1x40x128xi32, #tpu.memory_space<hbm>>
      %dma_start3A_148 = tpu.memref_squeeze %dma_start3A_147 : memref<1x40x128xi32, #tpu.memory_space<hbm>> -> memref<40x128xi32, #tpu.memory_space<hbm>>
      %dma_start3A_149 = arith.constant 0 : i32
      %dma_start3A_150 = arith.constant 0 : i32
      %dma_start3A_151 = tpu.memref_slice %arg3[%add3A, %dma_start3A_149, %dma_start3A_150] : memref<32x80x128xi32, #tpu.memory_space<hbm>> -> memref<1x40x128xi32, #tpu.memory_space<hbm>>
      %dma_start3A_152 = tpu.memref_squeeze %dma_start3A_151 : memref<1x40x128xi32, #tpu.memory_space<hbm>> -> memref<40x128xi32, #tpu.memory_space<hbm>>
      tpu.enqueue_dma source(%dma_start3A_152 : memref<40x128xi32, #tpu.memory_space<hbm>>) target(%arg7 : memref<40x128xi32, #tpu.memory_space<vmem>>) target_semaphore(%run_scoped3A_144 : memref<!tpu.dma_semaphore, #tpu.memory_space<semaphore_mem>>)
      %dma_wait3A_153 = arith.constant 0 : i32
      %dma_wait3A_154 = arith.constant 0 : i32
      %dma_wait3A_155 = tpu.memref_slice %arg3[%add3A, %dma_wait3A_153, %dma_wait3A_154] : memref<32x80x128xi32, #tpu.memory_space<hbm>> -> memref<1x40x128xi32, #tpu.memory_space<hbm>>
      %dma_wait3A_156 = tpu.memref_squeeze %dma_wait3A_155 : memref<1x40x128xi32, #tpu.memory_space<hbm>> -> memref<40x128xi32, #tpu.memory_space<hbm>>
      %dma_wait3A_157 = arith.constant 0 : i32
      %dma_wait3A_158 = arith.constant 0 : i32
      %dma_wait3A_159 = tpu.memref_slice %arg3[%add3A, %dma_wait3A_157, %dma_wait3A_158] : memref<32x80x128xi32, #tpu.memory_space<hbm>> -> memref<1x40x128xi32, #tpu.memory_space<hbm>>
      %dma_wait3A_160 = tpu.memref_squeeze %dma_wait3A_159 : memref<1x40x128xi32, #tpu.memory_space<hbm>> -> memref<40x128xi32, #tpu.memory_space<hbm>>
      tpu.wait_dma2 semaphore(%run_scoped3A_144 : memref<!tpu.dma_semaphore, #tpu.memory_space<semaphore_mem>>) src(%dma_wait3A_160 : memref<40x128xi32, #tpu.memory_space<hbm>>) dst(%arg7 : memref<40x128xi32, #tpu.memory_space<vmem>>)
      tpu.yield
    }) : () -> ()
    "tpu.region"() ({
      %run_scoped3A_144 = tpu.sem_alloc : memref<!tpu.dma_semaphore, #tpu.memory_space<semaphore_mem>>
      %dma_start3A_145 = arith.constant 0 : i32
      %dma_start3A_146 = arith.constant 0 : i32
      %dma_start3A_147 = tpu.memref_slice %arg4[%add3A, %dma_start3A_145, %dma_start3A_146] : memref<32x80x128xi32, #tpu.memory_space<hbm>> -> memref<1x40x128xi32, #tpu.memory_space<hbm>>
      %dma_start3A_148 = tpu.memref_squeeze %dma_start3A_147 : memref<1x40x128xi32, #tpu.memory_space<hbm>> -> memref<40x128xi32, #tpu.memory_space<hbm>>
      %dma_start3A_149 = arith.constant 0 : i32
      %dma_start3A_150 = arith.constant 0 : i32
      %dma_start3A_151 = tpu.memref_slice %arg4[%add3A, %dma_start3A_149, %dma_start3A_150] : memref<32x80x128xi32, #tpu.memory_space<hbm>> -> memref<1x40x128xi32, #tpu.memory_space<hbm>>
      %dma_start3A_152 = tpu.memref_squeeze %dma_start3A_151 : memref<1x40x128xi32, #tpu.memory_space<hbm>> -> memref<40x128xi32, #tpu.memory_space<hbm>>
      tpu.enqueue_dma source(%dma_start3A_152 : memref<40x128xi32, #tpu.memory_space<hbm>>) target(%arg8 : memref<40x128xi32, #tpu.memory_space<vmem>>) target_semaphore(%run_scoped3A_144 : memref<!tpu.dma_semaphore, #tpu.memory_space<semaphore_mem>>)
      %dma_wait3A_153 = arith.constant 0 : i32
      %dma_wait3A_154 = arith.constant 0 : i32
      %dma_wait3A_155 = tpu.memref_slice %arg4[%add3A, %dma_wait3A_153, %dma_wait3A_154] : memref<32x80x128xi32, #tpu.memory_space<hbm>> -> memref<1x40x128xi32, #tpu.memory_space<hbm>>
      %dma_wait3A_156 = tpu.memref_squeeze %dma_wait3A_155 : memref<1x40x128xi32, #tpu.memory_space<hbm>> -> memref<40x128xi32, #tpu.memory_space<hbm>>
      %dma_wait3A_157 = arith.constant 0 : i32
      %dma_wait3A_158 = arith.constant 0 : i32
      %dma_wait3A_159 = tpu.memref_slice %arg4[%add3A, %dma_wait3A_157, %dma_wait3A_158] : memref<32x80x128xi32, #tpu.memory_space<hbm>> -> memref<1x40x128xi32, #tpu.memory_space<hbm>>
      %dma_wait3A_160 = tpu.memref_squeeze %dma_wait3A_159 : memref<1x40x128xi32, #tpu.memory_space<hbm>> -> memref<40x128xi32, #tpu.memory_space<hbm>>
      tpu.wait_dma2 semaphore(%run_scoped3A_144 : memref<!tpu.dma_semaphore, #tpu.memory_space<semaphore_mem>>) src(%dma_wait3A_160 : memref<40x128xi32, #tpu.memory_space<hbm>>) dst(%arg8 : memref<40x128xi32, #tpu.memory_space<vmem>>)
      tpu.yield
    }) : () -> ()
    %dma_start3A = arith.constant 0 : i32
    %dma_start3A_26 = arith.constant 0 : i32
    %dma_start3A_27 = arith.constant 0 : i32
    %dma_start3A_28 = arith.constant 0 : i32
    %dma_start3A_29 = tpu.memref_slice %arg9[%dma_start3A_26, %dma_start3A_27, %dma_start3A_28] : memref<2x128x128xf32, #tpu.memory_space<vmem>> -> memref<1x128x128xf32, #tpu.memory_space<vmem>>
    %dma_start3A_30 = tpu.memref_squeeze %dma_start3A_29 : memref<1x128x128xf32, #tpu.memory_space<vmem>> -> memref<128x128xf32, #tpu.memory_space<vmem>>
    %dma_start3A_31 = arith.constant 0 : i32
    %dma_start3A_32 = tpu.memref_slice %arg7[%dma_start3A, %dma_start3A_31] : memref<40x128xi32, #tpu.memory_space<vmem>> -> memref<1x128xi32, #tpu.memory_space<vmem>>
    %dma_start3A_33 = tpu.memref_squeeze %dma_start3A_32 : memref<1x128xi32, #tpu.memory_space<vmem>> -> memref<128xi32, #tpu.memory_space<vmem>>
    %dma_start3A_34 = arith.constant 0 : i32
    %dma_start3A_35 = arith.constant 0 : i32
    %dma_start3A_36 = tpu.memref_slice %arg2[%dma_start3A_34, %dma_start3A_35] : memref<273024x128xf32, #tpu.memory_space<hbm>> -> memref<273024x128xf32, #tpu.memory_space<hbm>>
    tpu.enqueue_indirect_dma source(%dma_start3A_36 : memref<273024x128xf32, #tpu.memory_space<hbm>>) target(%dma_start3A_30 : memref<128x128xf32, #tpu.memory_space<vmem>>) offsets(%dma_start3A_33 : memref<128xi32, #tpu.memory_space<vmem>>) semaphore(%arg11 : memref<!tpu.dma_semaphore, #tpu.memory_space<semaphore_mem>>)
    %dma_start3A_37 = arith.constant 1 : i32
    %dma_start3A_38 = arith.constant 1 : i32
    %dma_start3A_39 = arith.constant 0 : i32
    %dma_start3A_40 = arith.constant 0 : i32
    %dma_start3A_41 = tpu.memref_slice %arg9[%dma_start3A_38, %dma_start3A_39, %dma_start3A_40] : memref<2x128x128xf32, #tpu.memory_space<vmem>> -> memref<1x128x128xf32, #tpu.memory_space<vmem>>
    %dma_start3A_42 = tpu.memref_squeeze %dma_start3A_41 : memref<1x128x128xf32, #tpu.memory_space<vmem>> -> memref<128x128xf32, #tpu.memory_space<vmem>>
    %dma_start3A_43 = arith.constant 0 : i32
    %dma_start3A_44 = tpu.memref_slice %arg7[%dma_start3A_37, %dma_start3A_43] : memref<40x128xi32, #tpu.memory_space<vmem>> -> memref<1x128xi32, #tpu.memory_space<vmem>>
    %dma_start3A_45 = tpu.memref_squeeze %dma_start3A_44 : memref<1x128xi32, #tpu.memory_space<vmem>> -> memref<128xi32, #tpu.memory_space<vmem>>
    %dma_start3A_46 = arith.constant 0 : i32
    %dma_start3A_47 = arith.constant 0 : i32
    %dma_start3A_48 = tpu.memref_slice %arg2[%dma_start3A_46, %dma_start3A_47] : memref<273024x128xf32, #tpu.memory_space<hbm>> -> memref<273024x128xf32, #tpu.memory_space<hbm>>
    tpu.enqueue_indirect_dma source(%dma_start3A_48 : memref<273024x128xf32, #tpu.memory_space<hbm>>) target(%dma_start3A_42 : memref<128x128xf32, #tpu.memory_space<vmem>>) offsets(%dma_start3A_45 : memref<128xi32, #tpu.memory_space<vmem>>) semaphore(%arg12 : memref<!tpu.dma_semaphore, #tpu.memory_space<semaphore_mem>>)
    %scan3A = arith.constant 0 : i32
    %scan3A_49 = arith.constant 0 : i32
    %scan3A_50 = arith.constant 19 : i32
    %scan3A_51 = arith.addi %scan3A_49, %scan3A_50 : i32
    %scan3A_52 = arith.constant 1 : i32
    scf.for %scan3A_144 = %scan3A_49 to %scan3A_51 step %scan3A_52  : i32 {
      %mul3A_145 = arith.constant 2 : i32
      %mul3A_146 = arith.muli %scan3A_144, %mul3A_145 : i32
      %add3A_147 = arith.constant 0 : i32
      %add3A_148 = arith.addi %mul3A_146, %add3A_147 : i32
      %dma_wait3A_149 = arith.constant 0 : i32
      %dma_wait3A_150 = arith.constant 0 : i32
      %dma_wait3A_151 = arith.constant 0 : i32
      %dma_wait3A_152 = tpu.memref_slice %arg9[%dma_wait3A_149, %dma_wait3A_150, %dma_wait3A_151] : memref<2x128x128xf32, #tpu.memory_space<vmem>> -> memref<1x128x128xf32, #tpu.memory_space<vmem>>
      %dma_wait3A_153 = tpu.memref_squeeze %dma_wait3A_152 : memref<1x128x128xf32, #tpu.memory_space<vmem>> -> memref<128x128xf32, #tpu.memory_space<vmem>>
      %dma_wait3A_154 = arith.constant 0 : i32
      %dma_wait3A_155 = tpu.memref_slice %arg7[%add3A_148, %dma_wait3A_154] : memref<40x128xi32, #tpu.memory_space<vmem>> -> memref<1x128xi32, #tpu.memory_space<vmem>>
      %dma_wait3A_156 = tpu.memref_squeeze %dma_wait3A_155 : memref<1x128xi32, #tpu.memory_space<vmem>> -> memref<128xi32, #tpu.memory_space<vmem>>
      %dma_wait3A_157 = arith.constant 0 : i32
      %dma_wait3A_158 = arith.constant 0 : i32
      %dma_wait3A_159 = tpu.memref_slice %arg2[%dma_wait3A_157, %dma_wait3A_158] : memref<273024x128xf32, #tpu.memory_space<hbm>> -> memref<273024x128xf32, #tpu.memory_space<hbm>>
      tpu.wait_indirect_dma semaphore(%arg11 : memref<!tpu.dma_semaphore, #tpu.memory_space<semaphore_mem>>) src(%dma_wait3A_159 : memref<273024x128xf32, #tpu.memory_space<hbm>>) dst(%dma_wait3A_153 : memref<128x128xf32, #tpu.memory_space<vmem>>)
      %run_scoped3A_160 = arith.constant 0 : i32
      "tpu.region"() ({
        %run_scoped3A_203 = tpu.sem_alloc : memref<!tpu.dma_semaphore, #tpu.memory_space<semaphore_mem>>
        %dma_start3A_204 = arith.constant 0 : i32
        %dma_start3A_205 = arith.constant 0 : i32
        %dma_start3A_206 = tpu.memref_slice %arg9[%run_scoped3A_160, %dma_start3A_204, %dma_start3A_205] : memref<2x128x128xf32, #tpu.memory_space<vmem>> -> memref<1x128x128xf32, #tpu.memory_space<vmem>>
        %dma_start3A_207 = tpu.memref_squeeze %dma_start3A_206 : memref<1x128x128xf32, #tpu.memory_space<vmem>> -> memref<128x128xf32, #tpu.memory_space<vmem>>
        %dma_start3A_208 = arith.constant 0 : i32
        %dma_start3A_209 = tpu.memref_slice %arg8[%add3A_148, %dma_start3A_208] : memref<40x128xi32, #tpu.memory_space<vmem>> -> memref<1x128xi32, #tpu.memory_space<vmem>>
        %dma_start3A_210 = tpu.memref_squeeze %dma_start3A_209 : memref<1x128xi32, #tpu.memory_space<vmem>> -> memref<128xi32, #tpu.memory_space<vmem>>
        %dma_start3A_211 = arith.constant 0 : i32
        %dma_start3A_212 = arith.constant 0 : i32
        %dma_start3A_213 = tpu.memref_slice %arg10[%dma_start3A_211, %dma_start3A_212] : memref<10112x128xf32, #tpu.memory_space<vmem_shared>> -> memref<10112x128xf32, #tpu.memory_space<vmem_shared>>
        tpu.enqueue_indirect_dma source(%dma_start3A_207 : memref<128x128xf32, #tpu.memory_space<vmem>>) target(%dma_start3A_213 : memref<10112x128xf32, #tpu.memory_space<vmem_shared>>) offsets(%dma_start3A_210 : memref<128xi32, #tpu.memory_space<vmem>>) semaphore(%run_scoped3A_203 : memref<!tpu.dma_semaphore, #tpu.memory_space<semaphore_mem>>) {add = true}
        %dma_wait3A_214 = arith.constant 0 : i32
        %dma_wait3A_215 = arith.constant 0 : i32
        %dma_wait3A_216 = tpu.memref_slice %arg9[%run_scoped3A_160, %dma_wait3A_214, %dma_wait3A_215] : memref<2x128x128xf32, #tpu.memory_space<vmem>> -> memref<1x128x128xf32, #tpu.memory_space<vmem>>
        %dma_wait3A_217 = tpu.memref_squeeze %dma_wait3A_216 : memref<1x128x128xf32, #tpu.memory_space<vmem>> -> memref<128x128xf32, #tpu.memory_space<vmem>>
        %dma_wait3A_218 = arith.constant 0 : i32
        %dma_wait3A_219 = tpu.memref_slice %arg8[%add3A_148, %dma_wait3A_218] : memref<40x128xi32, #tpu.memory_space<vmem>> -> memref<1x128xi32, #tpu.memory_space<vmem>>
        %dma_wait3A_220 = tpu.memref_squeeze %dma_wait3A_219 : memref<1x128xi32, #tpu.memory_space<vmem>> -> memref<128xi32, #tpu.memory_space<vmem>>
        %dma_wait3A_221 = arith.constant 0 : i32
        %dma_wait3A_222 = arith.constant 0 : i32
        %dma_wait3A_223 = tpu.memref_slice %arg10[%dma_wait3A_221, %dma_wait3A_222] : memref<10112x128xf32, #tpu.memory_space<vmem_shared>> -> memref<10112x128xf32, #tpu.memory_space<vmem_shared>>
        tpu.wait_indirect_dma semaphore(%run_scoped3A_203 : memref<!tpu.dma_semaphore, #tpu.memory_space<semaphore_mem>>) src(%dma_wait3A_217 : memref<128x128xf32, #tpu.memory_space<vmem>>) dst(%dma_wait3A_223 : memref<10112x128xf32, #tpu.memory_space<vmem_shared>>)
        tpu.yield
      }) : () -> ()
      %add3A_161 = arith.constant 2 : i32
      %add3A_162 = arith.addi %add3A_148, %add3A_161 : i32
      %dma_start3A_163 = arith.constant 0 : i32
      %dma_start3A_164 = arith.constant 0 : i32
      %dma_start3A_165 = arith.constant 0 : i32
      %dma_start3A_166 = tpu.memref_slice %arg9[%dma_start3A_163, %dma_start3A_164, %dma_start3A_165] : memref<2x128x128xf32, #tpu.memory_space<vmem>> -> memref<1x128x128xf32, #tpu.memory_space<vmem>>
      %dma_start3A_167 = tpu.memref_squeeze %dma_start3A_166 : memref<1x128x128xf32, #tpu.memory_space<vmem>> -> memref<128x128xf32, #tpu.memory_space<vmem>>
      %dma_start3A_168 = arith.constant 0 : i32
      %dma_start3A_169 = tpu.memref_slice %arg7[%add3A_162, %dma_start3A_168] : memref<40x128xi32, #tpu.memory_space<vmem>> -> memref<1x128xi32, #tpu.memory_space<vmem>>
      %dma_start3A_170 = tpu.memref_squeeze %dma_start3A_169 : memref<1x128xi32, #tpu.memory_space<vmem>> -> memref<128xi32, #tpu.memory_space<vmem>>
      %dma_start3A_171 = arith.constant 0 : i32
      %dma_start3A_172 = arith.constant 0 : i32
      %dma_start3A_173 = tpu.memref_slice %arg2[%dma_start3A_171, %dma_start3A_172] : memref<273024x128xf32, #tpu.memory_space<hbm>> -> memref<273024x128xf32, #tpu.memory_space<hbm>>
      tpu.enqueue_indirect_dma source(%dma_start3A_173 : memref<273024x128xf32, #tpu.memory_space<hbm>>) target(%dma_start3A_167 : memref<128x128xf32, #tpu.memory_space<vmem>>) offsets(%dma_start3A_170 : memref<128xi32, #tpu.memory_space<vmem>>) semaphore(%arg11 : memref<!tpu.dma_semaphore, #tpu.memory_space<semaphore_mem>>)
      %mul3A_174 = arith.constant 2 : i32
      %mul3A_175 = arith.muli %scan3A_144, %mul3A_174 : i32
      %add3A_176 = arith.constant 1 : i32
      %add3A_177 = arith.addi %mul3A_175, %add3A_176 : i32
      %dma_wait3A_178 = arith.constant 1 : i32
      %dma_wait3A_179 = arith.constant 0 : i32
      %dma_wait3A_180 = arith.constant 0 : i32
      %dma_wait3A_181 = tpu.memref_slice %arg9[%dma_wait3A_178, %dma_wait3A_179, %dma_wait3A_180] : memref<2x128x128xf32, #tpu.memory_space<vmem>> -> memref<1x128x128xf32, #tpu.memory_space<vmem>>
      %dma_wait3A_182 = tpu.memref_squeeze %dma_wait3A_181 : memref<1x128x128xf32, #tpu.memory_space<vmem>> -> memref<128x128xf32, #tpu.memory_space<vmem>>
      %dma_wait3A_183 = arith.constant 0 : i32
      %dma_wait3A_184 = tpu.memref_slice %arg7[%add3A_177, %dma_wait3A_183] : memref<40x128xi32, #tpu.memory_space<vmem>> -> memref<1x128xi32, #tpu.memory_space<vmem>>
      %dma_wait3A_185 = tpu.memref_squeeze %dma_wait3A_184 : memref<1x128xi32, #tpu.memory_space<vmem>> -> memref<128xi32, #tpu.memory_space<vmem>>
      %dma_wait3A_186 = arith.constant 0 : i32
      %dma_wait3A_187 = arith.constant 0 : i32
      %dma_wait3A_188 = tpu.memref_slice %arg2[%dma_wait3A_186, %dma_wait3A_187] : memref<273024x128xf32, #tpu.memory_space<hbm>> -> memref<273024x128xf32, #tpu.memory_space<hbm>>
      tpu.wait_indirect_dma semaphore(%arg12 : memref<!tpu.dma_semaphore, #tpu.memory_space<semaphore_mem>>) src(%dma_wait3A_188 : memref<273024x128xf32, #tpu.memory_space<hbm>>) dst(%dma_wait3A_182 : memref<128x128xf32, #tpu.memory_space<vmem>>)
      %run_scoped3A_189 = arith.constant 1 : i32
      "tpu.region"() ({
        %run_scoped3A_203 = tpu.sem_alloc : memref<!tpu.dma_semaphore, #tpu.memory_space<semaphore_mem>>
        %dma_start3A_204 = arith.constant 0 : i32
        %dma_start3A_205 = arith.constant 0 : i32
        %dma_start3A_206 = tpu.memref_slice %arg9[%run_scoped3A_189, %dma_start3A_204, %dma_start3A_205] : memref<2x128x128xf32, #tpu.memory_space<vmem>> -> memref<1x128x128xf32, #tpu.memory_space<vmem>>
        %dma_start3A_207 = tpu.memref_squeeze %dma_start3A_206 : memref<1x128x128xf32, #tpu.memory_space<vmem>> -> memref<128x128xf32, #tpu.memory_space<vmem>>
        %dma_start3A_208 = arith.constant 0 : i32
        %dma_start3A_209 = tpu.memref_slice %arg8[%add3A_177, %dma_start3A_208] : memref<40x128xi32, #tpu.memory_space<vmem>> -> memref<1x128xi32, #tpu.memory_space<vmem>>
        %dma_start3A_210 = tpu.memref_squeeze %dma_start3A_209 : memref<1x128xi32, #tpu.memory_space<vmem>> -> memref<128xi32, #tpu.memory_space<vmem>>
        %dma_start3A_211 = arith.constant 0 : i32
        %dma_start3A_212 = arith.constant 0 : i32
        %dma_start3A_213 = tpu.memref_slice %arg10[%dma_start3A_211, %dma_start3A_212] : memref<10112x128xf32, #tpu.memory_space<vmem_shared>> -> memref<10112x128xf32, #tpu.memory_space<vmem_shared>>
        tpu.enqueue_indirect_dma source(%dma_start3A_207 : memref<128x128xf32, #tpu.memory_space<vmem>>) target(%dma_start3A_213 : memref<10112x128xf32, #tpu.memory_space<vmem_shared>>) offsets(%dma_start3A_210 : memref<128xi32, #tpu.memory_space<vmem>>) semaphore(%run_scoped3A_203 : memref<!tpu.dma_semaphore, #tpu.memory_space<semaphore_mem>>) {add = true}
        %dma_wait3A_214 = arith.constant 0 : i32
        %dma_wait3A_215 = arith.constant 0 : i32
        %dma_wait3A_216 = tpu.memref_slice %arg9[%run_scoped3A_189, %dma_wait3A_214, %dma_wait3A_215] : memref<2x128x128xf32, #tpu.memory_space<vmem>> -> memref<1x128x128xf32, #tpu.memory_space<vmem>>
        %dma_wait3A_217 = tpu.memref_squeeze %dma_wait3A_216 : memref<1x128x128xf32, #tpu.memory_space<vmem>> -> memref<128x128xf32, #tpu.memory_space<vmem>>
        %dma_wait3A_218 = arith.constant 0 : i32
        %dma_wait3A_219 = tpu.memref_slice %arg8[%add3A_177, %dma_wait3A_218] : memref<40x128xi32, #tpu.memory_space<vmem>> -> memref<1x128xi32, #tpu.memory_space<vmem>>
        %dma_wait3A_220 = tpu.memref_squeeze %dma_wait3A_219 : memref<1x128xi32, #tpu.memory_space<vmem>> -> memref<128xi32, #tpu.memory_space<vmem>>
        %dma_wait3A_221 = arith.constant 0 : i32
        %dma_wait3A_222 = arith.constant 0 : i32
        %dma_wait3A_223 = tpu.memref_slice %arg10[%dma_wait3A_221, %dma_wait3A_222] : memref<10112x128xf32, #tpu.memory_space<vmem_shared>> -> memref<10112x128xf32, #tpu.memory_space<vmem_shared>>
        tpu.wait_indirect_dma semaphore(%run_scoped3A_203 : memref<!tpu.dma_semaphore, #tpu.memory_space<semaphore_mem>>) src(%dma_wait3A_217 : memref<128x128xf32, #tpu.memory_space<vmem>>) dst(%dma_wait3A_223 : memref<10112x128xf32, #tpu.memory_space<vmem_shared>>)
        tpu.yield
      }) : () -> ()
      %add3A_190 = arith.constant 2 : i32
      %add3A_191 = arith.addi %add3A_177, %add3A_190 : i32
      %dma_start3A_192 = arith.constant 1 : i32
      %dma_start3A_193 = arith.constant 0 : i32
      %dma_start3A_194 = arith.constant 0 : i32
      %dma_start3A_195 = tpu.memref_slice %arg9[%dma_start3A_192, %dma_start3A_193, %dma_start3A_194] : memref<2x128x128xf32, #tpu.memory_space<vmem>> -> memref<1x128x128xf32, #tpu.memory_space<vmem>>
      %dma_start3A_196 = tpu.memref_squeeze %dma_start3A_195 : memref<1x128x128xf32, #tpu.memory_space<vmem>> -> memref<128x128xf32, #tpu.memory_space<vmem>>
      %dma_start3A_197 = arith.constant 0 : i32
      %dma_start3A_198 = tpu.memref_slice %arg7[%add3A_191, %dma_start3A_197] : memref<40x128xi32, #tpu.memory_space<vmem>> -> memref<1x128xi32, #tpu.memory_space<vmem>>
      %dma_start3A_199 = tpu.memref_squeeze %dma_start3A_198 : memref<1x128xi32, #tpu.memory_space<vmem>> -> memref<128xi32, #tpu.memory_space<vmem>>
      %dma_start3A_200 = arith.constant 0 : i32
      %dma_start3A_201 = arith.constant 0 : i32
      %dma_start3A_202 = tpu.memref_slice %arg2[%dma_start3A_200, %dma_start3A_201] : memref<273024x128xf32, #tpu.memory_space<hbm>> -> memref<273024x128xf32, #tpu.memory_space<hbm>>
      tpu.enqueue_indirect_dma source(%dma_start3A_202 : memref<273024x128xf32, #tpu.memory_space<hbm>>) target(%dma_start3A_196 : memref<128x128xf32, #tpu.memory_space<vmem>>) offsets(%dma_start3A_199 : memref<128xi32, #tpu.memory_space<vmem>>) semaphore(%arg12 : memref<!tpu.dma_semaphore, #tpu.memory_space<semaphore_mem>>)
    }
    %scan3A_53 = arith.constant 19 : i32
    %dma_wait3A = arith.constant 38 : i32
    %dma_wait3A_54 = arith.constant 0 : i32
    %dma_wait3A_55 = arith.constant 0 : i32
    %dma_wait3A_56 = arith.constant 0 : i32
    %dma_wait3A_57 = tpu.memref_slice %arg9[%dma_wait3A_54, %dma_wait3A_55, %dma_wait3A_56] : memref<2x128x128xf32, #tpu.memory_space<vmem>> -> memref<1x128x128xf32, #tpu.memory_space<vmem>>
    %dma_wait3A_58 = tpu.memref_squeeze %dma_wait3A_57 : memref<1x128x128xf32, #tpu.memory_space<vmem>> -> memref<128x128xf32, #tpu.memory_space<vmem>>
    %dma_wait3A_59 = arith.constant 0 : i32
    %dma_wait3A_60 = tpu.memref_slice %arg7[%dma_wait3A, %dma_wait3A_59] : memref<40x128xi32, #tpu.memory_space<vmem>> -> memref<1x128xi32, #tpu.memory_space<vmem>>
    %dma_wait3A_61 = tpu.memref_squeeze %dma_wait3A_60 : memref<1x128xi32, #tpu.memory_space<vmem>> -> memref<128xi32, #tpu.memory_space<vmem>>
    %dma_wait3A_62 = arith.constant 0 : i32
    %dma_wait3A_63 = arith.constant 0 : i32
    %dma_wait3A_64 = tpu.memref_slice %arg2[%dma_wait3A_62, %dma_wait3A_63] : memref<273024x128xf32, #tpu.memory_space<hbm>> -> memref<273024x128xf32, #tpu.memory_space<hbm>>
    tpu.wait_indirect_dma semaphore(%arg11 : memref<!tpu.dma_semaphore, #tpu.memory_space<semaphore_mem>>) src(%dma_wait3A_64 : memref<273024x128xf32, #tpu.memory_space<hbm>>) dst(%dma_wait3A_58 : memref<128x128xf32, #tpu.memory_space<vmem>>)
    %run_scoped3A_65 = arith.constant 0 : i32
    %run_scoped3A_66 = arith.constant 38 : i32
    "tpu.region"() ({
      %run_scoped3A_144 = tpu.sem_alloc : memref<!tpu.dma_semaphore, #tpu.memory_space<semaphore_mem>>
      %dma_start3A_145 = arith.constant 0 : i32
      %dma_start3A_146 = arith.constant 0 : i32
      %dma_start3A_147 = tpu.memref_slice %arg9[%run_scoped3A_65, %dma_start3A_145, %dma_start3A_146] : memref<2x128x128xf32, #tpu.memory_space<vmem>> -> memref<1x128x128xf32, #tpu.memory_space<vmem>>
      %dma_start3A_148 = tpu.memref_squeeze %dma_start3A_147 : memref<1x128x128xf32, #tpu.memory_space<vmem>> -> memref<128x128xf32, #tpu.memory_space<vmem>>
      %dma_start3A_149 = arith.constant 0 : i32
      %dma_start3A_150 = tpu.memref_slice %arg8[%run_scoped3A_66, %dma_start3A_149] : memref<40x128xi32, #tpu.memory_space<vmem>> -> memref<1x128xi32, #tpu.memory_space<vmem>>
      %dma_start3A_151 = tpu.memref_squeeze %dma_start3A_150 : memref<1x128xi32, #tpu.memory_space<vmem>> -> memref<128xi32, #tpu.memory_space<vmem>>
      %dma_start3A_152 = arith.constant 0 : i32
      %dma_start3A_153 = arith.constant 0 : i32
      %dma_start3A_154 = tpu.memref_slice %arg10[%dma_start3A_152, %dma_start3A_153] : memref<10112x128xf32, #tpu.memory_space<vmem_shared>> -> memref<10112x128xf32, #tpu.memory_space<vmem_shared>>
      tpu.enqueue_indirect_dma source(%dma_start3A_148 : memref<128x128xf32, #tpu.memory_space<vmem>>) target(%dma_start3A_154 : memref<10112x128xf32, #tpu.memory_space<vmem_shared>>) offsets(%dma_start3A_151 : memref<128xi32, #tpu.memory_space<vmem>>) semaphore(%run_scoped3A_144 : memref<!tpu.dma_semaphore, #tpu.memory_space<semaphore_mem>>) {add = true}
      %dma_wait3A_155 = arith.constant 0 : i32
      %dma_wait3A_156 = arith.constant 0 : i32
      %dma_wait3A_157 = tpu.memref_slice %arg9[%run_scoped3A_65, %dma_wait3A_155, %dma_wait3A_156] : memref<2x128x128xf32, #tpu.memory_space<vmem>> -> memref<1x128x128xf32, #tpu.memory_space<vmem>>
      %dma_wait3A_158 = tpu.memref_squeeze %dma_wait3A_157 : memref<1x128x128xf32, #tpu.memory_space<vmem>> -> memref<128x128xf32, #tpu.memory_space<vmem>>
      %dma_wait3A_159 = arith.constant 0 : i32
      %dma_wait3A_160 = tpu.memref_slice %arg8[%run_scoped3A_66, %dma_wait3A_159] : memref<40x128xi32, #tpu.memory_space<vmem>> -> memref<1x128xi32, #tpu.memory_space<vmem>>
      %dma_wait3A_161 = tpu.memref_squeeze %dma_wait3A_160 : memref<1x128xi32, #tpu.memory_space<vmem>> -> memref<128xi32, #tpu.memory_space<vmem>>
      %dma_wait3A_162 = arith.constant 0 : i32
      %dma_wait3A_163 = arith.constant 0 : i32
      %dma_wait3A_164 = tpu.memref_slice %arg10[%dma_wait3A_162, %dma_wait3A_163] : memref<10112x128xf32, #tpu.memory_space<vmem_shared>> -> memref<10112x128xf32, #tpu.memory_space<vmem_shared>>
      tpu.wait_indirect_dma semaphore(%run_scoped3A_144 : memref<!tpu.dma_semaphore, #tpu.memory_space<semaphore_mem>>) src(%dma_wait3A_158 : memref<128x128xf32, #tpu.memory_space<vmem>>) dst(%dma_wait3A_164 : memref<10112x128xf32, #tpu.memory_space<vmem_shared>>)
      tpu.yield
    }) : () -> ()
    %dma_wait3A_67 = arith.constant 39 : i32
    %dma_wait3A_68 = arith.constant 1 : i32
    %dma_wait3A_69 = arith.constant 0 : i32
    %dma_wait3A_70 = arith.constant 0 : i32
    %dma_wait3A_71 = tpu.memref_slice %arg9[%dma_wait3A_68, %dma_wait3A_69, %dma_wait3A_70] : memref<2x128x128xf32, #tpu.memory_space<vmem>> -> memref<1x128x128xf32, #tpu.memory_space<vmem>>
    %dma_wait3A_72 = tpu.memref_squeeze %dma_wait3A_71 : memref<1x128x128xf32, #tpu.memory_space<vmem>> -> memref<128x128xf32, #tpu.memory_space<vmem>>
    %dma_wait3A_73 = arith.constant 0 : i32
    %dma_wait3A_74 = tpu.memref_slice %arg7[%dma_wait3A_67, %dma_wait3A_73] : memref<40x128xi32, #tpu.memory_space<vmem>> -> memref<1x128xi32, #tpu.memory_space<vmem>>
    %dma_wait3A_75 = tpu.memref_squeeze %dma_wait3A_74 : memref<1x128xi32, #tpu.memory_space<vmem>> -> memref<128xi32, #tpu.memory_space<vmem>>
    %dma_wait3A_76 = arith.constant 0 : i32
    %dma_wait3A_77 = arith.constant 0 : i32
    %dma_wait3A_78 = tpu.memref_slice %arg2[%dma_wait3A_76, %dma_wait3A_77] : memref<273024x128xf32, #tpu.memory_space<hbm>> -> memref<273024x128xf32, #tpu.memory_space<hbm>>
    tpu.wait_indirect_dma semaphore(%arg12 : memref<!tpu.dma_semaphore, #tpu.memory_space<semaphore_mem>>) src(%dma_wait3A_78 : memref<273024x128xf32, #tpu.memory_space<hbm>>) dst(%dma_wait3A_72 : memref<128x128xf32, #tpu.memory_space<vmem>>)
    %run_scoped3A_79 = arith.constant 1 : i32
    %run_scoped3A_80 = arith.constant 39 : i32
    "tpu.region"() ({
      %run_scoped3A_144 = tpu.sem_alloc : memref<!tpu.dma_semaphore, #tpu.memory_space<semaphore_mem>>
      %dma_start3A_145 = arith.constant 0 : i32
      %dma_start3A_146 = arith.constant 0 : i32
      %dma_start3A_147 = tpu.memref_slice %arg9[%run_scoped3A_79, %dma_start3A_145, %dma_start3A_146] : memref<2x128x128xf32, #tpu.memory_space<vmem>> -> memref<1x128x128xf32, #tpu.memory_space<vmem>>
      %dma_start3A_148 = tpu.memref_squeeze %dma_start3A_147 : memref<1x128x128xf32, #tpu.memory_space<vmem>> -> memref<128x128xf32, #tpu.memory_space<vmem>>
      %dma_start3A_149 = arith.constant 0 : i32
      %dma_start3A_150 = tpu.memref_slice %arg8[%run_scoped3A_80, %dma_start3A_149] : memref<40x128xi32, #tpu.memory_space<vmem>> -> memref<1x128xi32, #tpu.memory_space<vmem>>
      %dma_start3A_151 = tpu.memref_squeeze %dma_start3A_150 : memref<1x128xi32, #tpu.memory_space<vmem>> -> memref<128xi32, #tpu.memory_space<vmem>>
      %dma_start3A_152 = arith.constant 0 : i32
      %dma_start3A_153 = arith.constant 0 : i32
      %dma_start3A_154 = tpu.memref_slice %arg10[%dma_start3A_152, %dma_start3A_153] : memref<10112x128xf32, #tpu.memory_space<vmem_shared>> -> memref<10112x128xf32, #tpu.memory_space<vmem_shared>>
      tpu.enqueue_indirect_dma source(%dma_start3A_148 : memref<128x128xf32, #tpu.memory_space<vmem>>) target(%dma_start3A_154 : memref<10112x128xf32, #tpu.memory_space<vmem_shared>>) offsets(%dma_start3A_151 : memref<128xi32, #tpu.memory_space<vmem>>) semaphore(%run_scoped3A_144 : memref<!tpu.dma_semaphore, #tpu.memory_space<semaphore_mem>>) {add = true}
      %dma_wait3A_155 = arith.constant 0 : i32
      %dma_wait3A_156 = arith.constant 0 : i32
      %dma_wait3A_157 = tpu.memref_slice %arg9[%run_scoped3A_79, %dma_wait3A_155, %dma_wait3A_156] : memref<2x128x128xf32, #tpu.memory_space<vmem>> -> memref<1x128x128xf32, #tpu.memory_space<vmem>>
      %dma_wait3A_158 = tpu.memref_squeeze %dma_wait3A_157 : memref<1x128x128xf32, #tpu.memory_space<vmem>> -> memref<128x128xf32, #tpu.memory_space<vmem>>
      %dma_wait3A_159 = arith.constant 0 : i32
      %dma_wait3A_160 = tpu.memref_slice %arg8[%run_scoped3A_80, %dma_wait3A_159] : memref<40x128xi32, #tpu.memory_space<vmem>> -> memref<1x128xi32, #tpu.memory_space<vmem>>
      %dma_wait3A_161 = tpu.memref_squeeze %dma_wait3A_160 : memref<1x128xi32, #tpu.memory_space<vmem>> -> memref<128xi32, #tpu.memory_space<vmem>>
      %dma_wait3A_162 = arith.constant 0 : i32
      %dma_wait3A_163 = arith.constant 0 : i32
      %dma_wait3A_164 = tpu.memref_slice %arg10[%dma_wait3A_162, %dma_wait3A_163] : memref<10112x128xf32, #tpu.memory_space<vmem_shared>> -> memref<10112x128xf32, #tpu.memory_space<vmem_shared>>
      tpu.wait_indirect_dma semaphore(%run_scoped3A_144 : memref<!tpu.dma_semaphore, #tpu.memory_space<semaphore_mem>>) src(%dma_wait3A_158 : memref<128x128xf32, #tpu.memory_space<vmem>>) dst(%dma_wait3A_164 : memref<10112x128xf32, #tpu.memory_space<vmem_shared>>)
      tpu.yield
    }) : () -> ()
    "tpu.region"() ({
      %run_scoped3A_144 = tpu.sem_alloc : memref<!tpu.dma_semaphore, #tpu.memory_space<semaphore_mem>>
      %dma_start3A_145 = arith.constant 40 : i32
      %dma_start3A_146 = arith.constant 0 : i32
      %dma_start3A_147 = tpu.memref_slice %arg3[%add3A, %dma_start3A_145, %dma_start3A_146] : memref<32x80x128xi32, #tpu.memory_space<hbm>> -> memref<1x40x128xi32, #tpu.memory_space<hbm>>
      %dma_start3A_148 = tpu.memref_squeeze %dma_start3A_147 : memref<1x40x128xi32, #tpu.memory_space<hbm>> -> memref<40x128xi32, #tpu.memory_space<hbm>>
      %dma_start3A_149 = arith.constant 40 : i32
      %dma_start3A_150 = arith.constant 0 : i32
      %dma_start3A_151 = tpu.memref_slice %arg3[%add3A, %dma_start3A_149, %dma_start3A_150] : memref<32x80x128xi32, #tpu.memory_space<hbm>> -> memref<1x40x128xi32, #tpu.memory_space<hbm>>
      %dma_start3A_152 = tpu.memref_squeeze %dma_start3A_151 : memref<1x40x128xi32, #tpu.memory_space<hbm>> -> memref<40x128xi32, #tpu.memory_space<hbm>>
      tpu.enqueue_dma source(%dma_start3A_152 : memref<40x128xi32, #tpu.memory_space<hbm>>) target(%arg7 : memref<40x128xi32, #tpu.memory_space<vmem>>) target_semaphore(%run_scoped3A_144 : memref<!tpu.dma_semaphore, #tpu.memory_space<semaphore_mem>>)
      %dma_wait3A_153 = arith.constant 40 : i32
      %dma_wait3A_154 = arith.constant 0 : i32
      %dma_wait3A_155 = tpu.memref_slice %arg3[%add3A, %dma_wait3A_153, %dma_wait3A_154] : memref<32x80x128xi32, #tpu.memory_space<hbm>> -> memref<1x40x128xi32, #tpu.memory_space<hbm>>
      %dma_wait3A_156 = tpu.memref_squeeze %dma_wait3A_155 : memref<1x40x128xi32, #tpu.memory_space<hbm>> -> memref<40x128xi32, #tpu.memory_space<hbm>>
      %dma_wait3A_157 = arith.constant 40 : i32
      %dma_wait3A_158 = arith.constant 0 : i32
      %dma_wait3A_159 = tpu.memref_slice %arg3[%add3A, %dma_wait3A_157, %dma_wait3A_158] : memref<32x80x128xi32, #tpu.memory_space<hbm>> -> memref<1x40x128xi32, #tpu.memory_space<hbm>>
      %dma_wait3A_160 = tpu.memref_squeeze %dma_wait3A_159 : memref<1x40x128xi32, #tpu.memory_space<hbm>> -> memref<40x128xi32, #tpu.memory_space<hbm>>
      tpu.wait_dma2 semaphore(%run_scoped3A_144 : memref<!tpu.dma_semaphore, #tpu.memory_space<semaphore_mem>>) src(%dma_wait3A_160 : memref<40x128xi32, #tpu.memory_space<hbm>>) dst(%arg7 : memref<40x128xi32, #tpu.memory_space<vmem>>)
      tpu.yield
    }) : () -> ()
    "tpu.region"() ({
      %run_scoped3A_144 = tpu.sem_alloc : memref<!tpu.dma_semaphore, #tpu.memory_space<semaphore_mem>>
      %dma_start3A_145 = arith.constant 40 : i32
      %dma_start3A_146 = arith.constant 0 : i32
      %dma_start3A_147 = tpu.memref_slice %arg4[%add3A, %dma_start3A_145, %dma_start3A_146] : memref<32x80x128xi32, #tpu.memory_space<hbm>> -> memref<1x40x128xi32, #tpu.memory_space<hbm>>
      %dma_start3A_148 = tpu.memref_squeeze %dma_start3A_147 : memref<1x40x128xi32, #tpu.memory_space<hbm>> -> memref<40x128xi32, #tpu.memory_space<hbm>>
      %dma_start3A_149 = arith.constant 40 : i32
      %dma_start3A_150 = arith.constant 0 : i32
      %dma_start3A_151 = tpu.memref_slice %arg4[%add3A, %dma_start3A_149, %dma_start3A_150] : memref<32x80x128xi32, #tpu.memory_space<hbm>> -> memref<1x40x128xi32, #tpu.memory_space<hbm>>
      %dma_start3A_152 = tpu.memref_squeeze %dma_start3A_151 : memref<1x40x128xi32, #tpu.memory_space<hbm>> -> memref<40x128xi32, #tpu.memory_space<hbm>>
      tpu.enqueue_dma source(%dma_start3A_152 : memref<40x128xi32, #tpu.memory_space<hbm>>) target(%arg8 : memref<40x128xi32, #tpu.memory_space<vmem>>) target_semaphore(%run_scoped3A_144 : memref<!tpu.dma_semaphore, #tpu.memory_space<semaphore_mem>>)
      %dma_wait3A_153 = arith.constant 40 : i32
      %dma_wait3A_154 = arith.constant 0 : i32
      %dma_wait3A_155 = tpu.memref_slice %arg4[%add3A, %dma_wait3A_153, %dma_wait3A_154] : memref<32x80x128xi32, #tpu.memory_space<hbm>> -> memref<1x40x128xi32, #tpu.memory_space<hbm>>
      %dma_wait3A_156 = tpu.memref_squeeze %dma_wait3A_155 : memref<1x40x128xi32, #tpu.memory_space<hbm>> -> memref<40x128xi32, #tpu.memory_space<hbm>>
      %dma_wait3A_157 = arith.constant 40 : i32
      %dma_wait3A_158 = arith.constant 0 : i32
      %dma_wait3A_159 = tpu.memref_slice %arg4[%add3A, %dma_wait3A_157, %dma_wait3A_158] : memref<32x80x128xi32, #tpu.memory_space<hbm>> -> memref<1x40x128xi32, #tpu.memory_space<hbm>>
      %dma_wait3A_160 = tpu.memref_squeeze %dma_wait3A_159 : memref<1x40x128xi32, #tpu.memory_space<hbm>> -> memref<40x128xi32, #tpu.memory_space<hbm>>
      tpu.wait_dma2 semaphore(%run_scoped3A_144 : memref<!tpu.dma_semaphore, #tpu.memory_space<semaphore_mem>>) src(%dma_wait3A_160 : memref<40x128xi32, #tpu.memory_space<hbm>>) dst(%arg8 : memref<40x128xi32, #tpu.memory_space<vmem>>)
      tpu.yield
    }) : () -> ()
    %dma_start3A_81 = arith.constant 0 : i32
    %dma_start3A_82 = arith.constant 0 : i32
    %dma_start3A_83 = arith.constant 0 : i32
    %dma_start3A_84 = arith.constant 0 : i32
    %dma_start3A_85 = tpu.memref_slice %arg9[%dma_start3A_82, %dma_start3A_83, %dma_start3A_84] : memref<2x128x128xf32, #tpu.memory_space<vmem>> -> memref<1x128x128xf32, #tpu.memory_space<vmem>>
    %dma_start3A_86 = tpu.memref_squeeze %dma_start3A_85 : memref<1x128x128xf32, #tpu.memory_space<vmem>> -> memref<128x128xf32, #tpu.memory_space<vmem>>
    %dma_start3A_87 = arith.constant 0 : i32
    %dma_start3A_88 = tpu.memref_slice %arg7[%dma_start3A_81, %dma_start3A_87] : memref<40x128xi32, #tpu.memory_space<vmem>> -> memref<1x128xi32, #tpu.memory_space<vmem>>
    %dma_start3A_89 = tpu.memref_squeeze %dma_start3A_88 : memref<1x128xi32, #tpu.memory_space<vmem>> -> memref<128xi32, #tpu.memory_space<vmem>>
    %dma_start3A_90 = arith.constant 0 : i32
    %dma_start3A_91 = arith.constant 0 : i32
    %dma_start3A_92 = tpu.memref_slice %arg2[%dma_start3A_90, %dma_start3A_91] : memref<273024x128xf32, #tpu.memory_space<hbm>> -> memref<273024x128xf32, #tpu.memory_space<hbm>>
    tpu.enqueue_indirect_dma source(%dma_start3A_92 : memref<273024x128xf32, #tpu.memory_space<hbm>>) target(%dma_start3A_86 : memref<128x128xf32, #tpu.memory_space<vmem>>) offsets(%dma_start3A_89 : memref<128xi32, #tpu.memory_space<vmem>>) semaphore(%arg11 : memref<!tpu.dma_semaphore, #tpu.memory_space<semaphore_mem>>)
    %dma_start3A_93 = arith.constant 1 : i32
    %dma_start3A_94 = arith.constant 1 : i32
    %dma_start3A_95 = arith.constant 0 : i32
    %dma_start3A_96 = arith.constant 0 : i32
    %dma_start3A_97 = tpu.memref_slice %arg9[%dma_start3A_94, %dma_start3A_95, %dma_start3A_96] : memref<2x128x128xf32, #tpu.memory_space<vmem>> -> memref<1x128x128xf32, #tpu.memory_space<vmem>>
    %dma_start3A_98 = tpu.memref_squeeze %dma_start3A_97 : memref<1x128x128xf32, #tpu.memory_space<vmem>> -> memref<128x128xf32, #tpu.memory_space<vmem>>
    %dma_start3A_99 = arith.constant 0 : i32
    %dma_start3A_100 = tpu.memref_slice %arg7[%dma_start3A_93, %dma_start3A_99] : memref<40x128xi32, #tpu.memory_space<vmem>> -> memref<1x128xi32, #tpu.memory_space<vmem>>
    %dma_start3A_101 = tpu.memref_squeeze %dma_start3A_100 : memref<1x128xi32, #tpu.memory_space<vmem>> -> memref<128xi32, #tpu.memory_space<vmem>>
    %dma_start3A_102 = arith.constant 0 : i32
    %dma_start3A_103 = arith.constant 0 : i32
    %dma_start3A_104 = tpu.memref_slice %arg2[%dma_start3A_102, %dma_start3A_103] : memref<273024x128xf32, #tpu.memory_space<hbm>> -> memref<273024x128xf32, #tpu.memory_space<hbm>>
    tpu.enqueue_indirect_dma source(%dma_start3A_104 : memref<273024x128xf32, #tpu.memory_space<hbm>>) target(%dma_start3A_98 : memref<128x128xf32, #tpu.memory_space<vmem>>) offsets(%dma_start3A_101 : memref<128xi32, #tpu.memory_space<vmem>>) semaphore(%arg12 : memref<!tpu.dma_semaphore, #tpu.memory_space<semaphore_mem>>)
    %scan3A_105 = arith.constant 0 : i32
    %scan3A_106 = arith.constant 0 : i32
    %scan3A_107 = arith.constant 19 : i32
    %scan3A_108 = arith.addi %scan3A_106, %scan3A_107 : i32
    %scan3A_109 = arith.constant 1 : i32
    scf.for %scan3A_144 = %scan3A_106 to %scan3A_108 step %scan3A_109  : i32 {
      %mul3A_145 = arith.constant 2 : i32
      %mul3A_146 = arith.muli %scan3A_144, %mul3A_145 : i32
      %add3A_147 = arith.constant 0 : i32
      %add3A_148 = arith.addi %mul3A_146, %add3A_147 : i32
      %dma_wait3A_149 = arith.constant 0 : i32
      %dma_wait3A_150 = arith.constant 0 : i32
      %dma_wait3A_151 = arith.constant 0 : i32
      %dma_wait3A_152 = tpu.memref_slice %arg9[%dma_wait3A_149, %dma_wait3A_150, %dma_wait3A_151] : memref<2x128x128xf32, #tpu.memory_space<vmem>> -> memref<1x128x128xf32, #tpu.memory_space<vmem>>
      %dma_wait3A_153 = tpu.memref_squeeze %dma_wait3A_152 : memref<1x128x128xf32, #tpu.memory_space<vmem>> -> memref<128x128xf32, #tpu.memory_space<vmem>>
      %dma_wait3A_154 = arith.constant 0 : i32
      %dma_wait3A_155 = tpu.memref_slice %arg7[%add3A_148, %dma_wait3A_154] : memref<40x128xi32, #tpu.memory_space<vmem>> -> memref<1x128xi32, #tpu.memory_space<vmem>>
      %dma_wait3A_156 = tpu.memref_squeeze %dma_wait3A_155 : memref<1x128xi32, #tpu.memory_space<vmem>> -> memref<128xi32, #tpu.memory_space<vmem>>
      %dma_wait3A_157 = arith.constant 0 : i32
      %dma_wait3A_158 = arith.constant 0 : i32
      %dma_wait3A_159 = tpu.memref_slice %arg2[%dma_wait3A_157, %dma_wait3A_158] : memref<273024x128xf32, #tpu.memory_space<hbm>> -> memref<273024x128xf32, #tpu.memory_space<hbm>>
      tpu.wait_indirect_dma semaphore(%arg11 : memref<!tpu.dma_semaphore, #tpu.memory_space<semaphore_mem>>) src(%dma_wait3A_159 : memref<273024x128xf32, #tpu.memory_space<hbm>>) dst(%dma_wait3A_153 : memref<128x128xf32, #tpu.memory_space<vmem>>)
      %run_scoped3A_160 = arith.constant 0 : i32
      "tpu.region"() ({
        %run_scoped3A_203 = tpu.sem_alloc : memref<!tpu.dma_semaphore, #tpu.memory_space<semaphore_mem>>
        %dma_start3A_204 = arith.constant 0 : i32
        %dma_start3A_205 = arith.constant 0 : i32
        %dma_start3A_206 = tpu.memref_slice %arg9[%run_scoped3A_160, %dma_start3A_204, %dma_start3A_205] : memref<2x128x128xf32, #tpu.memory_space<vmem>> -> memref<1x128x128xf32, #tpu.memory_space<vmem>>
        %dma_start3A_207 = tpu.memref_squeeze %dma_start3A_206 : memref<1x128x128xf32, #tpu.memory_space<vmem>> -> memref<128x128xf32, #tpu.memory_space<vmem>>
        %dma_start3A_208 = arith.constant 0 : i32
        %dma_start3A_209 = tpu.memref_slice %arg8[%add3A_148, %dma_start3A_208] : memref<40x128xi32, #tpu.memory_space<vmem>> -> memref<1x128xi32, #tpu.memory_space<vmem>>
        %dma_start3A_210 = tpu.memref_squeeze %dma_start3A_209 : memref<1x128xi32, #tpu.memory_space<vmem>> -> memref<128xi32, #tpu.memory_space<vmem>>
        %dma_start3A_211 = arith.constant 0 : i32
        %dma_start3A_212 = arith.constant 0 : i32
        %dma_start3A_213 = tpu.memref_slice %arg10[%dma_start3A_211, %dma_start3A_212] : memref<10112x128xf32, #tpu.memory_space<vmem_shared>> -> memref<10112x128xf32, #tpu.memory_space<vmem_shared>>
        tpu.enqueue_indirect_dma source(%dma_start3A_207 : memref<128x128xf32, #tpu.memory_space<vmem>>) target(%dma_start3A_213 : memref<10112x128xf32, #tpu.memory_space<vmem_shared>>) offsets(%dma_start3A_210 : memref<128xi32, #tpu.memory_space<vmem>>) semaphore(%run_scoped3A_203 : memref<!tpu.dma_semaphore, #tpu.memory_space<semaphore_mem>>) {add = true}
        %dma_wait3A_214 = arith.constant 0 : i32
        %dma_wait3A_215 = arith.constant 0 : i32
        %dma_wait3A_216 = tpu.memref_slice %arg9[%run_scoped3A_160, %dma_wait3A_214, %dma_wait3A_215] : memref<2x128x128xf32, #tpu.memory_space<vmem>> -> memref<1x128x128xf32, #tpu.memory_space<vmem>>
        %dma_wait3A_217 = tpu.memref_squeeze %dma_wait3A_216 : memref<1x128x128xf32, #tpu.memory_space<vmem>> -> memref<128x128xf32, #tpu.memory_space<vmem>>
        %dma_wait3A_218 = arith.constant 0 : i32
        %dma_wait3A_219 = tpu.memref_slice %arg8[%add3A_148, %dma_wait3A_218] : memref<40x128xi32, #tpu.memory_space<vmem>> -> memref<1x128xi32, #tpu.memory_space<vmem>>
        %dma_wait3A_220 = tpu.memref_squeeze %dma_wait3A_219 : memref<1x128xi32, #tpu.memory_space<vmem>> -> memref<128xi32, #tpu.memory_space<vmem>>
        %dma_wait3A_221 = arith.constant 0 : i32
        %dma_wait3A_222 = arith.constant 0 : i32
        %dma_wait3A_223 = tpu.memref_slice %arg10[%dma_wait3A_221, %dma_wait3A_222] : memref<10112x128xf32, #tpu.memory_space<vmem_shared>> -> memref<10112x128xf32, #tpu.memory_space<vmem_shared>>
        tpu.wait_indirect_dma semaphore(%run_scoped3A_203 : memref<!tpu.dma_semaphore, #tpu.memory_space<semaphore_mem>>) src(%dma_wait3A_217 : memref<128x128xf32, #tpu.memory_space<vmem>>) dst(%dma_wait3A_223 : memref<10112x128xf32, #tpu.memory_space<vmem_shared>>)
        tpu.yield
      }) : () -> ()
      %add3A_161 = arith.constant 2 : i32
      %add3A_162 = arith.addi %add3A_148, %add3A_161 : i32
      %dma_start3A_163 = arith.constant 0 : i32
      %dma_start3A_164 = arith.constant 0 : i32
      %dma_start3A_165 = arith.constant 0 : i32
      %dma_start3A_166 = tpu.memref_slice %arg9[%dma_start3A_163, %dma_start3A_164, %dma_start3A_165] : memref<2x128x128xf32, #tpu.memory_space<vmem>> -> memref<1x128x128xf32, #tpu.memory_space<vmem>>
      %dma_start3A_167 = tpu.memref_squeeze %dma_start3A_166 : memref<1x128x128xf32, #tpu.memory_space<vmem>> -> memref<128x128xf32, #tpu.memory_space<vmem>>
      %dma_start3A_168 = arith.constant 0 : i32
      %dma_start3A_169 = tpu.memref_slice %arg7[%add3A_162, %dma_start3A_168] : memref<40x128xi32, #tpu.memory_space<vmem>> -> memref<1x128xi32, #tpu.memory_space<vmem>>
      %dma_start3A_170 = tpu.memref_squeeze %dma_start3A_169 : memref<1x128xi32, #tpu.memory_space<vmem>> -> memref<128xi32, #tpu.memory_space<vmem>>
      %dma_start3A_171 = arith.constant 0 : i32
      %dma_start3A_172 = arith.constant 0 : i32
      %dma_start3A_173 = tpu.memref_slice %arg2[%dma_start3A_171, %dma_start3A_172] : memref<273024x128xf32, #tpu.memory_space<hbm>> -> memref<273024x128xf32, #tpu.memory_space<hbm>>
      tpu.enqueue_indirect_dma source(%dma_start3A_173 : memref<273024x128xf32, #tpu.memory_space<hbm>>) target(%dma_start3A_167 : memref<128x128xf32, #tpu.memory_space<vmem>>) offsets(%dma_start3A_170 : memref<128xi32, #tpu.memory_space<vmem>>) semaphore(%arg11 : memref<!tpu.dma_semaphore, #tpu.memory_space<semaphore_mem>>)
      %mul3A_174 = arith.constant 2 : i32
      %mul3A_175 = arith.muli %scan3A_144, %mul3A_174 : i32
      %add3A_176 = arith.constant 1 : i32
      %add3A_177 = arith.addi %mul3A_175, %add3A_176 : i32
      %dma_wait3A_178 = arith.constant 1 : i32
      %dma_wait3A_179 = arith.constant 0 : i32
      %dma_wait3A_180 = arith.constant 0 : i32
      %dma_wait3A_181 = tpu.memref_slice %arg9[%dma_wait3A_178, %dma_wait3A_179, %dma_wait3A_180] : memref<2x128x128xf32, #tpu.memory_space<vmem>> -> memref<1x128x128xf32, #tpu.memory_space<vmem>>
      %dma_wait3A_182 = tpu.memref_squeeze %dma_wait3A_181 : memref<1x128x128xf32, #tpu.memory_space<vmem>> -> memref<128x128xf32, #tpu.memory_space<vmem>>
      %dma_wait3A_183 = arith.constant 0 : i32
      %dma_wait3A_184 = tpu.memref_slice %arg7[%add3A_177, %dma_wait3A_183] : memref<40x128xi32, #tpu.memory_space<vmem>> -> memref<1x128xi32, #tpu.memory_space<vmem>>
      %dma_wait3A_185 = tpu.memref_squeeze %dma_wait3A_184 : memref<1x128xi32, #tpu.memory_space<vmem>> -> memref<128xi32, #tpu.memory_space<vmem>>
      %dma_wait3A_186 = arith.constant 0 : i32
      %dma_wait3A_187 = arith.constant 0 : i32
      %dma_wait3A_188 = tpu.memref_slice %arg2[%dma_wait3A_186, %dma_wait3A_187] : memref<273024x128xf32, #tpu.memory_space<hbm>> -> memref<273024x128xf32, #tpu.memory_space<hbm>>
      tpu.wait_indirect_dma semaphore(%arg12 : memref<!tpu.dma_semaphore, #tpu.memory_space<semaphore_mem>>) src(%dma_wait3A_188 : memref<273024x128xf32, #tpu.memory_space<hbm>>) dst(%dma_wait3A_182 : memref<128x128xf32, #tpu.memory_space<vmem>>)
      %run_scoped3A_189 = arith.constant 1 : i32
      "tpu.region"() ({
        %run_scoped3A_203 = tpu.sem_alloc : memref<!tpu.dma_semaphore, #tpu.memory_space<semaphore_mem>>
        %dma_start3A_204 = arith.constant 0 : i32
        %dma_start3A_205 = arith.constant 0 : i32
        %dma_start3A_206 = tpu.memref_slice %arg9[%run_scoped3A_189, %dma_start3A_204, %dma_start3A_205] : memref<2x128x128xf32, #tpu.memory_space<vmem>> -> memref<1x128x128xf32, #tpu.memory_space<vmem>>
        %dma_start3A_207 = tpu.memref_squeeze %dma_start3A_206 : memref<1x128x128xf32, #tpu.memory_space<vmem>> -> memref<128x128xf32, #tpu.memory_space<vmem>>
        %dma_start3A_208 = arith.constant 0 : i32
        %dma_start3A_209 = tpu.memref_slice %arg8[%add3A_177, %dma_start3A_208] : memref<40x128xi32, #tpu.memory_space<vmem>> -> memref<1x128xi32, #tpu.memory_space<vmem>>
        %dma_start3A_210 = tpu.memref_squeeze %dma_start3A_209 : memref<1x128xi32, #tpu.memory_space<vmem>> -> memref<128xi32, #tpu.memory_space<vmem>>
        %dma_start3A_211 = arith.constant 0 : i32
        %dma_start3A_212 = arith.constant 0 : i32
        %dma_start3A_213 = tpu.memref_slice %arg10[%dma_start3A_211, %dma_start3A_212] : memref<10112x128xf32, #tpu.memory_space<vmem_shared>> -> memref<10112x128xf32, #tpu.memory_space<vmem_shared>>
        tpu.enqueue_indirect_dma source(%dma_start3A_207 : memref<128x128xf32, #tpu.memory_space<vmem>>) target(%dma_start3A_213 : memref<10112x128xf32, #tpu.memory_space<vmem_shared>>) offsets(%dma_start3A_210 : memref<128xi32, #tpu.memory_space<vmem>>) semaphore(%run_scoped3A_203 : memref<!tpu.dma_semaphore, #tpu.memory_space<semaphore_mem>>) {add = true}
        %dma_wait3A_214 = arith.constant 0 : i32
        %dma_wait3A_215 = arith.constant 0 : i32
        %dma_wait3A_216 = tpu.memref_slice %arg9[%run_scoped3A_189, %dma_wait3A_214, %dma_wait3A_215] : memref<2x128x128xf32, #tpu.memory_space<vmem>> -> memref<1x128x128xf32, #tpu.memory_space<vmem>>
        %dma_wait3A_217 = tpu.memref_squeeze %dma_wait3A_216 : memref<1x128x128xf32, #tpu.memory_space<vmem>> -> memref<128x128xf32, #tpu.memory_space<vmem>>
        %dma_wait3A_218 = arith.constant 0 : i32
        %dma_wait3A_219 = tpu.memref_slice %arg8[%add3A_177, %dma_wait3A_218] : memref<40x128xi32, #tpu.memory_space<vmem>> -> memref<1x128xi32, #tpu.memory_space<vmem>>
        %dma_wait3A_220 = tpu.memref_squeeze %dma_wait3A_219 : memref<1x128xi32, #tpu.memory_space<vmem>> -> memref<128xi32, #tpu.memory_space<vmem>>
        %dma_wait3A_221 = arith.constant 0 : i32
        %dma_wait3A_222 = arith.constant 0 : i32
        %dma_wait3A_223 = tpu.memref_slice %arg10[%dma_wait3A_221, %dma_wait3A_222] : memref<10112x128xf32, #tpu.memory_space<vmem_shared>> -> memref<10112x128xf32, #tpu.memory_space<vmem_shared>>
        tpu.wait_indirect_dma semaphore(%run_scoped3A_203 : memref<!tpu.dma_semaphore, #tpu.memory_space<semaphore_mem>>) src(%dma_wait3A_217 : memref<128x128xf32, #tpu.memory_space<vmem>>) dst(%dma_wait3A_223 : memref<10112x128xf32, #tpu.memory_space<vmem_shared>>)
        tpu.yield
      }) : () -> ()
      %add3A_190 = arith.constant 2 : i32
      %add3A_191 = arith.addi %add3A_177, %add3A_190 : i32
      %dma_start3A_192 = arith.constant 1 : i32
      %dma_start3A_193 = arith.constant 0 : i32
      %dma_start3A_194 = arith.constant 0 : i32
      %dma_start3A_195 = tpu.memref_slice %arg9[%dma_start3A_192, %dma_start3A_193, %dma_start3A_194] : memref<2x128x128xf32, #tpu.memory_space<vmem>> -> memref<1x128x128xf32, #tpu.memory_space<vmem>>
      %dma_start3A_196 = tpu.memref_squeeze %dma_start3A_195 : memref<1x128x128xf32, #tpu.memory_space<vmem>> -> memref<128x128xf32, #tpu.memory_space<vmem>>
      %dma_start3A_197 = arith.constant 0 : i32
      %dma_start3A_198 = tpu.memref_slice %arg7[%add3A_191, %dma_start3A_197] : memref<40x128xi32, #tpu.memory_space<vmem>> -> memref<1x128xi32, #tpu.memory_space<vmem>>
      %dma_start3A_199 = tpu.memref_squeeze %dma_start3A_198 : memref<1x128xi32, #tpu.memory_space<vmem>> -> memref<128xi32, #tpu.memory_space<vmem>>
      %dma_start3A_200 = arith.constant 0 : i32
      %dma_start3A_201 = arith.constant 0 : i32
      %dma_start3A_202 = tpu.memref_slice %arg2[%dma_start3A_200, %dma_start3A_201] : memref<273024x128xf32, #tpu.memory_space<hbm>> -> memref<273024x128xf32, #tpu.memory_space<hbm>>
      tpu.enqueue_indirect_dma source(%dma_start3A_202 : memref<273024x128xf32, #tpu.memory_space<hbm>>) target(%dma_start3A_196 : memref<128x128xf32, #tpu.memory_space<vmem>>) offsets(%dma_start3A_199 : memref<128xi32, #tpu.memory_space<vmem>>) semaphore(%arg12 : memref<!tpu.dma_semaphore, #tpu.memory_space<semaphore_mem>>)
    }
    %scan3A_110 = arith.constant 19 : i32
    %dma_wait3A_111 = arith.constant 38 : i32
    %dma_wait3A_112 = arith.constant 0 : i32
    %dma_wait3A_113 = arith.constant 0 : i32
    %dma_wait3A_114 = arith.constant 0 : i32
    %dma_wait3A_115 = tpu.memref_slice %arg9[%dma_wait3A_112, %dma_wait3A_113, %dma_wait3A_114] : memref<2x128x128xf32, #tpu.memory_space<vmem>> -> memref<1x128x128xf32, #tpu.memory_space<vmem>>
    %dma_wait3A_116 = tpu.memref_squeeze %dma_wait3A_115 : memref<1x128x128xf32, #tpu.memory_space<vmem>> -> memref<128x128xf32, #tpu.memory_space<vmem>>
    %dma_wait3A_117 = arith.constant 0 : i32
    %dma_wait3A_118 = tpu.memref_slice %arg7[%dma_wait3A_111, %dma_wait3A_117] : memref<40x128xi32, #tpu.memory_space<vmem>> -> memref<1x128xi32, #tpu.memory_space<vmem>>
    %dma_wait3A_119 = tpu.memref_squeeze %dma_wait3A_118 : memref<1x128xi32, #tpu.memory_space<vmem>> -> memref<128xi32, #tpu.memory_space<vmem>>
    %dma_wait3A_120 = arith.constant 0 : i32
    %dma_wait3A_121 = arith.constant 0 : i32
    %dma_wait3A_122 = tpu.memref_slice %arg2[%dma_wait3A_120, %dma_wait3A_121] : memref<273024x128xf32, #tpu.memory_space<hbm>> -> memref<273024x128xf32, #tpu.memory_space<hbm>>
    tpu.wait_indirect_dma semaphore(%arg11 : memref<!tpu.dma_semaphore, #tpu.memory_space<semaphore_mem>>) src(%dma_wait3A_122 : memref<273024x128xf32, #tpu.memory_space<hbm>>) dst(%dma_wait3A_116 : memref<128x128xf32, #tpu.memory_space<vmem>>)
    %run_scoped3A_123 = arith.constant 0 : i32
    %run_scoped3A_124 = arith.constant 38 : i32
    "tpu.region"() ({
      %run_scoped3A_144 = tpu.sem_alloc : memref<!tpu.dma_semaphore, #tpu.memory_space<semaphore_mem>>
      %dma_start3A_145 = arith.constant 0 : i32
      %dma_start3A_146 = arith.constant 0 : i32
      %dma_start3A_147 = tpu.memref_slice %arg9[%run_scoped3A_123, %dma_start3A_145, %dma_start3A_146] : memref<2x128x128xf32, #tpu.memory_space<vmem>> -> memref<1x128x128xf32, #tpu.memory_space<vmem>>
      %dma_start3A_148 = tpu.memref_squeeze %dma_start3A_147 : memref<1x128x128xf32, #tpu.memory_space<vmem>> -> memref<128x128xf32, #tpu.memory_space<vmem>>
      %dma_start3A_149 = arith.constant 0 : i32
      %dma_start3A_150 = tpu.memref_slice %arg8[%run_scoped3A_124, %dma_start3A_149] : memref<40x128xi32, #tpu.memory_space<vmem>> -> memref<1x128xi32, #tpu.memory_space<vmem>>
      %dma_start3A_151 = tpu.memref_squeeze %dma_start3A_150 : memref<1x128xi32, #tpu.memory_space<vmem>> -> memref<128xi32, #tpu.memory_space<vmem>>
      %dma_start3A_152 = arith.constant 0 : i32
      %dma_start3A_153 = arith.constant 0 : i32
      %dma_start3A_154 = tpu.memref_slice %arg10[%dma_start3A_152, %dma_start3A_153] : memref<10112x128xf32, #tpu.memory_space<vmem_shared>> -> memref<10112x128xf32, #tpu.memory_space<vmem_shared>>
      tpu.enqueue_indirect_dma source(%dma_start3A_148 : memref<128x128xf32, #tpu.memory_space<vmem>>) target(%dma_start3A_154 : memref<10112x128xf32, #tpu.memory_space<vmem_shared>>) offsets(%dma_start3A_151 : memref<128xi32, #tpu.memory_space<vmem>>) semaphore(%run_scoped3A_144 : memref<!tpu.dma_semaphore, #tpu.memory_space<semaphore_mem>>) {add = true}
      %dma_wait3A_155 = arith.constant 0 : i32
      %dma_wait3A_156 = arith.constant 0 : i32
      %dma_wait3A_157 = tpu.memref_slice %arg9[%run_scoped3A_123, %dma_wait3A_155, %dma_wait3A_156] : memref<2x128x128xf32, #tpu.memory_space<vmem>> -> memref<1x128x128xf32, #tpu.memory_space<vmem>>
      %dma_wait3A_158 = tpu.memref_squeeze %dma_wait3A_157 : memref<1x128x128xf32, #tpu.memory_space<vmem>> -> memref<128x128xf32, #tpu.memory_space<vmem>>
      %dma_wait3A_159 = arith.constant 0 : i32
      %dma_wait3A_160 = tpu.memref_slice %arg8[%run_scoped3A_124, %dma_wait3A_159] : memref<40x128xi32, #tpu.memory_space<vmem>> -> memref<1x128xi32, #tpu.memory_space<vmem>>
      %dma_wait3A_161 = tpu.memref_squeeze %dma_wait3A_160 : memref<1x128xi32, #tpu.memory_space<vmem>> -> memref<128xi32, #tpu.memory_space<vmem>>
      %dma_wait3A_162 = arith.constant 0 : i32
      %dma_wait3A_163 = arith.constant 0 : i32
      %dma_wait3A_164 = tpu.memref_slice %arg10[%dma_wait3A_162, %dma_wait3A_163] : memref<10112x128xf32, #tpu.memory_space<vmem_shared>> -> memref<10112x128xf32, #tpu.memory_space<vmem_shared>>
      tpu.wait_indirect_dma semaphore(%run_scoped3A_144 : memref<!tpu.dma_semaphore, #tpu.memory_space<semaphore_mem>>) src(%dma_wait3A_158 : memref<128x128xf32, #tpu.memory_space<vmem>>) dst(%dma_wait3A_164 : memref<10112x128xf32, #tpu.memory_space<vmem_shared>>)
      tpu.yield
    }) : () -> ()
    %dma_wait3A_125 = arith.constant 39 : i32
    %dma_wait3A_126 = arith.constant 1 : i32
    %dma_wait3A_127 = arith.constant 0 : i32
    %dma_wait3A_128 = arith.constant 0 : i32
    %dma_wait3A_129 = tpu.memref_slice %arg9[%dma_wait3A_126, %dma_wait3A_127, %dma_wait3A_128] : memref<2x128x128xf32, #tpu.memory_space<vmem>> -> memref<1x128x128xf32, #tpu.memory_space<vmem>>
    %dma_wait3A_130 = tpu.memref_squeeze %dma_wait3A_129 : memref<1x128x128xf32, #tpu.memory_space<vmem>> -> memref<128x128xf32, #tpu.memory_space<vmem>>
    %dma_wait3A_131 = arith.constant 0 : i32
    %dma_wait3A_132 = tpu.memref_slice %arg7[%dma_wait3A_125, %dma_wait3A_131] : memref<40x128xi32, #tpu.memory_space<vmem>> -> memref<1x128xi32, #tpu.memory_space<vmem>>
    %dma_wait3A_133 = tpu.memref_squeeze %dma_wait3A_132 : memref<1x128xi32, #tpu.memory_space<vmem>> -> memref<128xi32, #tpu.memory_space<vmem>>
    %dma_wait3A_134 = arith.constant 0 : i32
    %dma_wait3A_135 = arith.constant 0 : i32
    %dma_wait3A_136 = tpu.memref_slice %arg2[%dma_wait3A_134, %dma_wait3A_135] : memref<273024x128xf32, #tpu.memory_space<hbm>> -> memref<273024x128xf32, #tpu.memory_space<hbm>>
    tpu.wait_indirect_dma semaphore(%arg12 : memref<!tpu.dma_semaphore, #tpu.memory_space<semaphore_mem>>) src(%dma_wait3A_136 : memref<273024x128xf32, #tpu.memory_space<hbm>>) dst(%dma_wait3A_130 : memref<128x128xf32, #tpu.memory_space<vmem>>)
    %run_scoped3A_137 = arith.constant 1 : i32
    %run_scoped3A_138 = arith.constant 39 : i32
    "tpu.region"() ({
      %run_scoped3A_144 = tpu.sem_alloc : memref<!tpu.dma_semaphore, #tpu.memory_space<semaphore_mem>>
      %dma_start3A_145 = arith.constant 0 : i32
      %dma_start3A_146 = arith.constant 0 : i32
      %dma_start3A_147 = tpu.memref_slice %arg9[%run_scoped3A_137, %dma_start3A_145, %dma_start3A_146] : memref<2x128x128xf32, #tpu.memory_space<vmem>> -> memref<1x128x128xf32, #tpu.memory_space<vmem>>
      %dma_start3A_148 = tpu.memref_squeeze %dma_start3A_147 : memref<1x128x128xf32, #tpu.memory_space<vmem>> -> memref<128x128xf32, #tpu.memory_space<vmem>>
      %dma_start3A_149 = arith.constant 0 : i32
      %dma_start3A_150 = tpu.memref_slice %arg8[%run_scoped3A_138, %dma_start3A_149] : memref<40x128xi32, #tpu.memory_space<vmem>> -> memref<1x128xi32, #tpu.memory_space<vmem>>
      %dma_start3A_151 = tpu.memref_squeeze %dma_start3A_150 : memref<1x128xi32, #tpu.memory_space<vmem>> -> memref<128xi32, #tpu.memory_space<vmem>>
      %dma_start3A_152 = arith.constant 0 : i32
      %dma_start3A_153 = arith.constant 0 : i32
      %dma_start3A_154 = tpu.memref_slice %arg10[%dma_start3A_152, %dma_start3A_153] : memref<10112x128xf32, #tpu.memory_space<vmem_shared>> -> memref<10112x128xf32, #tpu.memory_space<vmem_shared>>
      tpu.enqueue_indirect_dma source(%dma_start3A_148 : memref<128x128xf32, #tpu.memory_space<vmem>>) target(%dma_start3A_154 : memref<10112x128xf32, #tpu.memory_space<vmem_shared>>) offsets(%dma_start3A_151 : memref<128xi32, #tpu.memory_space<vmem>>) semaphore(%run_scoped3A_144 : memref<!tpu.dma_semaphore, #tpu.memory_space<semaphore_mem>>) {add = true}
      %dma_wait3A_155 = arith.constant 0 : i32
      %dma_wait3A_156 = arith.constant 0 : i32
      %dma_wait3A_157 = tpu.memref_slice %arg9[%run_scoped3A_137, %dma_wait3A_155, %dma_wait3A_156] : memref<2x128x128xf32, #tpu.memory_space<vmem>> -> memref<1x128x128xf32, #tpu.memory_space<vmem>>
      %dma_wait3A_158 = tpu.memref_squeeze %dma_wait3A_157 : memref<1x128x128xf32, #tpu.memory_space<vmem>> -> memref<128x128xf32, #tpu.memory_space<vmem>>
      %dma_wait3A_159 = arith.constant 0 : i32
      %dma_wait3A_160 = tpu.memref_slice %arg8[%run_scoped3A_138, %dma_wait3A_159] : memref<40x128xi32, #tpu.memory_space<vmem>> -> memref<1x128xi32, #tpu.memory_space<vmem>>
      %dma_wait3A_161 = tpu.memref_squeeze %dma_wait3A_160 : memref<1x128xi32, #tpu.memory_space<vmem>> -> memref<128xi32, #tpu.memory_space<vmem>>
      %dma_wait3A_162 = arith.constant 0 : i32
      %dma_wait3A_163 = arith.constant 0 : i32
      %dma_wait3A_164 = tpu.memref_slice %arg10[%dma_wait3A_162, %dma_wait3A_163] : memref<10112x128xf32, #tpu.memory_space<vmem_shared>> -> memref<10112x128xf32, #tpu.memory_space<vmem_shared>>
      tpu.wait_indirect_dma semaphore(%run_scoped3A_144 : memref<!tpu.dma_semaphore, #tpu.memory_space<semaphore_mem>>) src(%dma_wait3A_158 : memref<128x128xf32, #tpu.memory_space<vmem>>) dst(%dma_wait3A_164 : memref<10112x128xf32, #tpu.memory_space<vmem_shared>>)
      tpu.yield
    }) : () -> ()
    %barrier3A_139 = arith.constant 0 : index
    tpu.barrier barrier_id(%barrier3A_139)
    %mul3A_140 = arith.constant 632 : i32
    %mul3A_141 = arith.muli %arg1, %mul3A_140 : i32
    %mul3A_142 = arith.constant 632 : i32
    %mul3A_143 = arith.muli %arg1, %mul3A_142 : i32
    "tpu.region"() ({
      %run_scoped3A_144 = tpu.sem_alloc : memref<!tpu.dma_semaphore, #tpu.memory_space<semaphore_mem>>
      %dma_start3A_145 = arith.constant 0 : i32
      %dma_start3A_146 = tpu.memref_slice %arg6[%arg0, %mul3A_143, %dma_start3A_145] : memref<2x10112x128xf32, #tpu.memory_space<hbm>> -> memref<1x632x128xf32, #tpu.memory_space<hbm>>
      %dma_start3A_147 = tpu.memref_squeeze %dma_start3A_146 : memref<1x632x128xf32, #tpu.memory_space<hbm>> -> memref<632x128xf32, #tpu.memory_space<hbm>>
      %dma_start3A_148 = arith.constant 0 : i32
      %dma_start3A_149 = tpu.memref_slice %arg10[%mul3A_141, %dma_start3A_148] : memref<10112x128xf32, #tpu.memory_space<vmem_shared>> -> memref<632x128xf32, #tpu.memory_space<vmem_shared>>
      tpu.enqueue_dma source(%dma_start3A_149 : memref<632x128xf32, #tpu.memory_space<vmem_shared>>) target(%dma_start3A_147 : memref<632x128xf32, #tpu.memory_space<hbm>>) target_semaphore(%run_scoped3A_144 : memref<!tpu.dma_semaphore, #tpu.memory_space<semaphore_mem>>)
      %dma_wait3A_150 = arith.constant 0 : i32
      %dma_wait3A_151 = tpu.memref_slice %arg6[%arg0, %mul3A_143, %dma_wait3A_150] : memref<2x10112x128xf32, #tpu.memory_space<hbm>> -> memref<1x632x128xf32, #tpu.memory_space<hbm>>
      %dma_wait3A_152 = tpu.memref_squeeze %dma_wait3A_151 : memref<1x632x128xf32, #tpu.memory_space<hbm>> -> memref<632x128xf32, #tpu.memory_space<hbm>>
      %dma_wait3A_153 = arith.constant 0 : i32
      %dma_wait3A_154 = tpu.memref_slice %arg10[%mul3A_141, %dma_wait3A_153] : memref<10112x128xf32, #tpu.memory_space<vmem_shared>> -> memref<632x128xf32, #tpu.memory_space<vmem_shared>>
      tpu.wait_dma2 semaphore(%run_scoped3A_144 : memref<!tpu.dma_semaphore, #tpu.memory_space<semaphore_mem>>) src(%dma_wait3A_154 : memref<632x128xf32, #tpu.memory_space<vmem_shared>>) dst(%dma_wait3A_152 : memref<632x128xf32, #tpu.memory_space<hbm>>)
      tpu.yield
    }) : () -> ()
    return
  }
}

module attributes {stable_mosaic.version = 14 : i64} {
  func.func @_einsum_body(%arg0: i32, %arg1: memref<10112x128xf32, #tpu.memory_space<vmem>>, %arg2: memref<1x128x128xf32, #tpu.memory_space<vmem>>, %arg3: memref<10112x128xf32, #tpu.memory_space<vmem>>) attributes {dimension_semantics = [#tpu.dimension_semantics<arbitrary>], iteration_bounds = array<i64: 27>, scalar_prefetch = 0 : i64, scratch_operands = 0 : i64, tpu.core_type = #tpu.core_type<tc>, window_params = [{pipeline_mode = #tpu.pipeline_mode<synchronous>, transform_indices = @transform_0, window_bounds = array<i64: 10112, 128>}, {transform_indices = @transform_1, window_bounds = array<i64: 1, 128, 128>}, {transform_indices = @transform_2, window_bounds = array<i64: 10112, 128>}]} {
    %get3A = arith.constant 0 : index
    %get3A_0 = arith.constant 0 : index
    %get3A_1 = vector.load %arg1[%get3A, %get3A_0] : memref<10112x128xf32, #tpu.memory_space<vmem>>, vector<10112x128xf32>
    %get3A_2 = arith.constant 0 : index
    %get3A_3 = arith.constant 0 : index
    %get3A_4 = arith.constant 0 : index
    %get3A_5 = vector.load %arg2[%get3A_2, %get3A_3, %get3A_4] : memref<1x128x128xf32, #tpu.memory_space<vmem>>, vector<1x128x128xf32>
    %get3A_6 = vector.shape_cast %get3A_5 : vector<1x128x128xf32> to vector<128x128xf32>
    %dot_general3A = arith.constant dense<0.000000e+00> : vector<10112x128xf32>
    %dot_general3A_7 = tpu.matmul %get3A_1, %get3A_6, %dot_general3A {dimension_numbers = #tpu.dot_dimension_numbers<[1], [0], [0], [1], [0, 0, 1, 1], [], []>, transpose_lhs_hint = false} : vector<10112x128xf32>, vector<128x128xf32>, vector<10112x128xf32> -> vector<10112x128xf32>
    %swap3A = arith.constant 0 : index
    %swap3A_8 = arith.constant 0 : index
    %swap3A_9 = vector.load %arg3[%swap3A, %swap3A_8] : memref<10112x128xf32, #tpu.memory_space<vmem>>, vector<10112x128xf32>
    tpu.vector_store %arg3[%swap3A, %swap3A_8], %dot_general3A_7 {strides = array<i32>} : memref<10112x128xf32, #tpu.memory_space<vmem>>, vector<10112x128xf32>,
    return
  }
  func.func @transform_0(%arg0: i32) -> (i32, i32) {
    %c0_i32 = arith.constant 0 : i32
    %c0_i32_0 = arith.constant 0 : i32
    %c0_i32_1 = arith.constant 0 : i32
    return %c0_i32, %c0_i32_0 : i32, i32
  }
  func.func @transform_1(%arg0: i32) -> (i32, i32, i32) {
    %c0_i32 = arith.constant 0 : i32
    %c0_i32_0 = arith.constant 0 : i32
    %c0_i32_1 = arith.constant 0 : i32
    return %arg0, %c0_i32, %c0_i32_0 : i32, i32, i32
  }
  func.func @transform_2(%arg0: i32) -> (i32, i32) {
    %c0_i32 = arith.constant 0 : i32
    %c0_i32_0 = arith.constant 0 : i32
    return %arg0, %c0_i32 : i32, i32
  }
}

module attributes {stable_mosaic.version = 14 : i64} {
  func.func @_bn_relu_einsum_body(%arg0: i32, %arg1: memref<2x10112x128xf32, #tpu.memory_space<vmem>>, %arg2: memref<1x128xf32, #tpu.memory_space<vmem>>, %arg3: memref<1x128xf32, #tpu.memory_space<vmem>>, %arg4: memref<1x128x128xf32, #tpu.memory_space<vmem>>, %arg5: memref<10112x128xf32, #tpu.memory_space<vmem>>, %arg6: memref<10112x128xf32, #tpu.memory_space<vmem>>) attributes {dimension_semantics = [#tpu.dimension_semantics<arbitrary>], iteration_bounds = array<i64: 27>, scalar_prefetch = 0 : i64, scratch_operands = 1 : i64, tpu.core_type = #tpu.core_type<tc>, window_params = [{pipeline_mode = #tpu.pipeline_mode<synchronous>, transform_indices = @transform_0, window_bounds = array<i64: 2, 10112, 128>}, {pipeline_mode = #tpu.pipeline_mode<synchronous>, transform_indices = @transform_1, window_bounds = array<i64: 1, 128>}, {pipeline_mode = #tpu.pipeline_mode<synchronous>, transform_indices = @transform_2, window_bounds = array<i64: 1, 128>}, {transform_indices = @transform_3, window_bounds = array<i64: 1, 128, 128>}, {transform_indices = @transform_4, window_bounds = array<i64: 10112, 128>}]} {
    %eq3A = arith.constant 0 : i32
    %eq3A_0 = arith.cmpi eq, %arg0, %eq3A : i32
    %convert_element_type3A = arith.extui %eq3A_0 : i1 to i32
    %cond3A = arith.constant 0 : i32
    %cond3A_1 = arith.cmpi ne, %convert_element_type3A, %cond3A : i32
    scf.if %cond3A_1 {
      %get3A_12 = arith.constant 0 : index
      %get3A_13 = arith.constant 0 : index
      %get3A_14 = arith.constant 0 : index
      %get3A_15 = vector.load %arg1[%get3A_12, %get3A_13, %get3A_14] : memref<2x10112x128xf32, #tpu.memory_space<vmem>>, vector<1x10112x128xf32>
      %get3A_16 = vector.shape_cast %get3A_15 : vector<1x10112x128xf32> to vector<10112x128xf32>
      %get3A_17 = arith.constant 1 : index
      %get3A_18 = arith.constant 0 : index
      %get3A_19 = arith.constant 0 : index
      %get3A_20 = vector.load %arg1[%get3A_17, %get3A_18, %get3A_19] : memref<2x10112x128xf32, #tpu.memory_space<vmem>>, vector<1x10112x128xf32>
      %get3A_21 = vector.shape_cast %get3A_20 : vector<1x10112x128xf32> to vector<10112x128xf32>
      %add3A = arith.addf %get3A_16, %get3A_21 : vector<10112x128xf32>
      %iota3A = tpu.iota {dimensions = array<i32: 0>} : vector<10112x128xi32>
      %lt3A = arith.constant 10000 : i32
      %lt3A_22 = vector.broadcast %lt3A : i32 to vector<10112x128xi32>
      %lt3A_23 = arith.cmpi slt, %iota3A, %lt3A_22 : vector<10112x128xi32>
      %jit3A = arith.constant 0.000000e+00 : f32
      %broadcast_in_dim3A = vector.broadcast %jit3A : f32 to vector<10112x128xf32>
      %select_n3A = arith.select %lt3A_23, %add3A, %broadcast_in_dim3A : vector<10112x128xi1>, vector<10112x128xf32>
      %reduce_sum3A = arith.constant dense<0.000000e+00> : vector<128xf32>
      %reduce_sum3A_24 = vector.multi_reduction <add>, %select_n3A, %reduce_sum3A [0] : vector<10112x128xf32> to vector<128xf32>
      %div3A = arith.constant 1.000000e+04 : f32
      %div3A_25 = vector.broadcast %div3A : f32 to vector<128xf32>
      %div3A_26 = arith.divf %reduce_sum3A_24, %div3A_25 : vector<128xf32>
      %mul3A = arith.mulf %select_n3A, %select_n3A : vector<10112x128xf32>
      %reduce_sum3A_27 = arith.constant dense<0.000000e+00> : vector<128xf32>
      %reduce_sum3A_28 = vector.multi_reduction <add>, %mul3A, %reduce_sum3A_27 [0] : vector<10112x128xf32> to vector<128xf32>
      %div3A_29 = arith.constant 1.000000e+04 : f32
      %div3A_30 = vector.broadcast %div3A_29 : f32 to vector<128xf32>
      %div3A_31 = arith.divf %reduce_sum3A_28, %div3A_30 : vector<128xf32>
      %mul3A_32 = arith.mulf %div3A_26, %div3A_26 : vector<128xf32>
      %sub3A = arith.subf %div3A_31, %mul3A_32 : vector<128xf32>
      %get3A_33 = arith.constant 0 : index
      %get3A_34 = arith.constant 0 : index
      %get3A_35 = vector.load %arg2[%get3A_33, %get3A_34] : memref<1x128xf32, #tpu.memory_space<vmem>>, vector<1x128xf32>
      %get3A_36 = vector.shape_cast %get3A_35 : vector<1x128xf32> to vector<128xf32>
      %add3A_37 = arith.constant 9.99999974E-6 : f32
      %add3A_38 = vector.broadcast %add3A_37 : f32 to vector<128xf32>
      %add3A_39 = arith.addf %sub3A, %add3A_38 : vector<128xf32>
      %rsqrt3A = math.rsqrt %add3A_39 : vector<128xf32>
      %mul3A_40 = arith.mulf %get3A_36, %rsqrt3A : vector<128xf32>
      %get3A_41 = arith.constant 0 : index
      %get3A_42 = arith.constant 0 : index
      %get3A_43 = vector.load %arg3[%get3A_41, %get3A_42] : memref<1x128xf32, #tpu.memory_space<vmem>>, vector<1x128xf32>
      %get3A_44 = vector.shape_cast %get3A_43 : vector<1x128xf32> to vector<128xf32>
      %mul3A_45 = arith.mulf %div3A_26, %mul3A_40 : vector<128xf32>
      %sub3A_46 = arith.subf %get3A_44, %mul3A_45 : vector<128xf32>
      %broadcast_in_dim3A_47 = vector.shape_cast %mul3A_40 : vector<128xf32> to vector<1x128xf32>
      %mul3A_48 = vector.broadcast %broadcast_in_dim3A_47 : vector<1x128xf32> to vector<10112x128xf32>
      %mul3A_49 = arith.mulf %add3A, %mul3A_48 : vector<10112x128xf32>
      %broadcast_in_dim3A_50 = vector.shape_cast %sub3A_46 : vector<128xf32> to vector<1x128xf32>
      %add3A_51 = vector.broadcast %broadcast_in_dim3A_50 : vector<1x128xf32> to vector<10112x128xf32>
      %add3A_52 = arith.addf %mul3A_49, %add3A_51 : vector<10112x128xf32>
      %max3A = arith.constant 0.000000e+00 : f32
      %max3A_53 = vector.broadcast %max3A : f32 to vector<10112x128xf32>
      %max3A_54 = arith.maximumf %add3A_52, %max3A_53 : vector<10112x128xf32>
      %swap3A_55 = arith.constant 0 : index
      %swap3A_56 = arith.constant 0 : index
      %swap3A_57 = vector.load %arg6[%swap3A_55, %swap3A_56] : memref<10112x128xf32, #tpu.memory_space<vmem>>, vector<10112x128xf32>
      tpu.vector_store %arg6[%swap3A_55, %swap3A_56], %max3A_54 {strides = array<i32>} : memref<10112x128xf32, #tpu.memory_space<vmem>>, vector<10112x128xf32>,
    } else {
    }
    %get3A = arith.constant 0 : index
    %get3A_2 = arith.constant 0 : index
    %get3A_3 = vector.load %arg6[%get3A, %get3A_2] : memref<10112x128xf32, #tpu.memory_space<vmem>>, vector<10112x128xf32>
    %get3A_4 = arith.constant 0 : index
    %get3A_5 = arith.constant 0 : index
    %get3A_6 = arith.constant 0 : index
    %get3A_7 = vector.load %arg4[%get3A_4, %get3A_5, %get3A_6] : memref<1x128x128xf32, #tpu.memory_space<vmem>>, vector<1x128x128xf32>
    %get3A_8 = vector.shape_cast %get3A_7 : vector<1x128x128xf32> to vector<128x128xf32>
    %dot_general3A = arith.constant dense<0.000000e+00> : vector<10112x128xf32>
    %dot_general3A_9 = tpu.matmul %get3A_3, %get3A_8, %dot_general3A {dimension_numbers = #tpu.dot_dimension_numbers<[1], [0], [0], [1], [0, 0, 1, 1], [], []>, transpose_lhs_hint = false} : vector<10112x128xf32>, vector<128x128xf32>, vector<10112x128xf32> -> vector<10112x128xf32>
    %swap3A = arith.constant 0 : index
    %swap3A_10 = arith.constant 0 : index
    %swap3A_11 = vector.load %arg5[%swap3A, %swap3A_10] : memref<10112x128xf32, #tpu.memory_space<vmem>>, vector<10112x128xf32>
    tpu.vector_store %arg5[%swap3A, %swap3A_10], %dot_general3A_9 {strides = array<i32>} : memref<10112x128xf32, #tpu.memory_space<vmem>>, vector<10112x128xf32>,
    return
  }
  func.func @transform_0(%arg0: i32) -> (i32, i32, i32) {
    %c0_i32 = arith.constant 0 : i32
    %c0_i32_0 = arith.constant 0 : i32
    %c0_i32_1 = arith.constant 0 : i32
    %c0_i32_2 = arith.constant 0 : i32
    return %c0_i32, %c0_i32_0, %c0_i32_1 : i32, i32, i32
  }
  func.func @transform_1(%arg0: i32) -> (i32, i32) {
    %c0_i32 = arith.constant 0 : i32
    %c0_i32_0 = arith.constant 0 : i32
    %c0_i32_1 = arith.constant 0 : i32
    return %c0_i32, %c0_i32_0 : i32, i32
  }
  func.func @transform_2(%arg0: i32) -> (i32, i32) {
    %c0_i32 = arith.constant 0 : i32
    %c0_i32_0 = arith.constant 0 : i32
    %c0_i32_1 = arith.constant 0 : i32
    return %c0_i32, %c0_i32_0 : i32, i32
  }
  func.func @transform_3(%arg0: i32) -> (i32, i32, i32) {
    %c0_i32 = arith.constant 0 : i32
    %c0_i32_0 = arith.constant 0 : i32
    %c0_i32_1 = arith.constant 0 : i32
    return %arg0, %c0_i32, %c0_i32_0 : i32, i32, i32
  }
  func.func @transform_4(%arg0: i32) -> (i32, i32) {
    %c0_i32 = arith.constant 0 : i32
    %c0_i32_0 = arith.constant 0 : i32
    return %arg0, %c0_i32 : i32, i32
  }
}

module attributes {stable_mosaic.version = 14 : i64} {
  func.func @_bn_residual_body(%arg0: memref<2x10112x128xf32, #tpu.memory_space<vmem>>, %arg1: memref<1x128xf32, #tpu.memory_space<vmem>>, %arg2: memref<1x128xf32, #tpu.memory_space<vmem>>, %arg3: memref<10112x128xf32, #tpu.memory_space<vmem>>, %arg4: memref<10112x128xf32, #tpu.memory_space<vmem>>) attributes {dimension_semantics = [], scalar_prefetch = 0 : i64, scratch_operands = 0 : i64, tpu.core_type = #tpu.core_type<tc>} {
    %get3A = arith.constant 0 : index
    %get3A_0 = arith.constant 0 : index
    %get3A_1 = arith.constant 0 : index
    %get3A_2 = vector.load %arg0[%get3A, %get3A_0, %get3A_1] : memref<2x10112x128xf32, #tpu.memory_space<vmem>>, vector<1x10112x128xf32>
    %get3A_3 = vector.shape_cast %get3A_2 : vector<1x10112x128xf32> to vector<10112x128xf32>
    %get3A_4 = arith.constant 1 : index
    %get3A_5 = arith.constant 0 : index
    %get3A_6 = arith.constant 0 : index
    %get3A_7 = vector.load %arg0[%get3A_4, %get3A_5, %get3A_6] : memref<2x10112x128xf32, #tpu.memory_space<vmem>>, vector<1x10112x128xf32>
    %get3A_8 = vector.shape_cast %get3A_7 : vector<1x10112x128xf32> to vector<10112x128xf32>
    %add3A = arith.addf %get3A_3, %get3A_8 : vector<10112x128xf32>
    %iota3A = tpu.iota {dimensions = array<i32: 0>} : vector<10112x128xi32>
    %lt3A = arith.constant 10000 : i32
    %lt3A_9 = vector.broadcast %lt3A : i32 to vector<10112x128xi32>
    %lt3A_10 = arith.cmpi slt, %iota3A, %lt3A_9 : vector<10112x128xi32>
    %jit3A = arith.constant 0.000000e+00 : f32
    %broadcast_in_dim3A = vector.broadcast %jit3A : f32 to vector<10112x128xf32>
    %select_n3A = arith.select %lt3A_10, %add3A, %broadcast_in_dim3A : vector<10112x128xi1>, vector<10112x128xf32>
    %reduce_sum3A = arith.constant dense<0.000000e+00> : vector<128xf32>
    %reduce_sum3A_11 = vector.multi_reduction <add>, %select_n3A, %reduce_sum3A [0] : vector<10112x128xf32> to vector<128xf32>
    %div3A = arith.constant 1.000000e+04 : f32
    %div3A_12 = vector.broadcast %div3A : f32 to vector<128xf32>
    %div3A_13 = arith.divf %reduce_sum3A_11, %div3A_12 : vector<128xf32>
    %mul3A = arith.mulf %select_n3A, %select_n3A : vector<10112x128xf32>
    %reduce_sum3A_14 = arith.constant dense<0.000000e+00> : vector<128xf32>
    %reduce_sum3A_15 = vector.multi_reduction <add>, %mul3A, %reduce_sum3A_14 [0] : vector<10112x128xf32> to vector<128xf32>
    %div3A_16 = arith.constant 1.000000e+04 : f32
    %div3A_17 = vector.broadcast %div3A_16 : f32 to vector<128xf32>
    %div3A_18 = arith.divf %reduce_sum3A_15, %div3A_17 : vector<128xf32>
    %mul3A_19 = arith.mulf %div3A_13, %div3A_13 : vector<128xf32>
    %sub3A = arith.subf %div3A_18, %mul3A_19 : vector<128xf32>
    %get3A_20 = arith.constant 0 : index
    %get3A_21 = arith.constant 0 : index
    %get3A_22 = vector.load %arg1[%get3A_20, %get3A_21] : memref<1x128xf32, #tpu.memory_space<vmem>>, vector<1x128xf32>
    %get3A_23 = vector.shape_cast %get3A_22 : vector<1x128xf32> to vector<128xf32>
    %add3A_24 = arith.constant 9.99999974E-6 : f32
    %add3A_25 = vector.broadcast %add3A_24 : f32 to vector<128xf32>
    %add3A_26 = arith.addf %sub3A, %add3A_25 : vector<128xf32>
    %rsqrt3A = math.rsqrt %add3A_26 : vector<128xf32>
    %mul3A_27 = arith.mulf %get3A_23, %rsqrt3A : vector<128xf32>
    %get3A_28 = arith.constant 0 : index
    %get3A_29 = arith.constant 0 : index
    %get3A_30 = vector.load %arg2[%get3A_28, %get3A_29] : memref<1x128xf32, #tpu.memory_space<vmem>>, vector<1x128xf32>
    %get3A_31 = vector.shape_cast %get3A_30 : vector<1x128xf32> to vector<128xf32>
    %mul3A_32 = arith.mulf %div3A_13, %mul3A_27 : vector<128xf32>
    %sub3A_33 = arith.subf %get3A_31, %mul3A_32 : vector<128xf32>
    %broadcast_in_dim3A_34 = vector.shape_cast %mul3A_27 : vector<128xf32> to vector<1x128xf32>
    %mul3A_35 = vector.broadcast %broadcast_in_dim3A_34 : vector<1x128xf32> to vector<10112x128xf32>
    %mul3A_36 = arith.mulf %add3A, %mul3A_35 : vector<10112x128xf32>
    %broadcast_in_dim3A_37 = vector.shape_cast %sub3A_33 : vector<128xf32> to vector<1x128xf32>
    %add3A_38 = vector.broadcast %broadcast_in_dim3A_37 : vector<1x128xf32> to vector<10112x128xf32>
    %add3A_39 = arith.addf %mul3A_36, %add3A_38 : vector<10112x128xf32>
    %get3A_40 = arith.constant 0 : index
    %get3A_41 = arith.constant 0 : index
    %get3A_42 = vector.load %arg3[%get3A_40, %get3A_41] : memref<10112x128xf32, #tpu.memory_space<vmem>>, vector<10112x128xf32>
    %add3A_43 = arith.addf %add3A_39, %get3A_42 : vector<10112x128xf32>
    %max3A = arith.constant 0.000000e+00 : f32
    %max3A_44 = vector.broadcast %max3A : f32 to vector<10112x128xf32>
    %max3A_45 = arith.maximumf %add3A_43, %max3A_44 : vector<10112x128xf32>
    %swap3A = arith.constant 0 : index
    %swap3A_46 = arith.constant 0 : index
    %swap3A_47 = vector.load %arg4[%swap3A, %swap3A_46] : memref<10112x128xf32, #tpu.memory_space<vmem>>, vector<10112x128xf32>
    tpu.vector_store %arg4[%swap3A, %swap3A_46], %max3A_45 {strides = array<i32>} : memref<10112x128xf32, #tpu.memory_space<vmem>>, vector<10112x128xf32>,
    return
  }
}

</mosaic_0001>

<sc_bundles>
// kernel: kernel.10.cloned.1.call-start
scs
__scs_entry_jumppad:
0x0: {  	(pc) =	sbr.rel $0x88, $3  }
0x1: {  	(tag) =	ssettag $0x0;
	lr =	simm.s32 $0x1  }
0x2: {  	[smem:$0x3F98] =	sst lr;
	_ =	strace $0xD0000000  }
0x3: {  	_ = 	snop  }
0x4: {  	_ = 	snop  }
0x5: {  	_ = 	snop  }
0x6: {  	_ = 	snop  }
0x7: {  	_ = 	snop  }
__scs_overlays_trampoline_lowered:
0x8: {  	[smem:$0x3FA7] =	sst s0  }
0x9: {  	[smem:$0x3FA8] =	sst s1  }
0xa: {  	[smem:$0x3FA9] =	sst s2  }
0xb: {  	[smem:$0x3FAA] =	sst s3  }
0xc: {  	[smem:$0x3FAB] =	sst s4  }
0xd: {  	[smem:$0x3FAC] =	sst s5  }
0xe: {  	[smem:$0x3FAD] =	sst s6  }
0xf: {  	[smem:$0x3FAE] =	sst s7  }
0x10: {  	[smem:$0x3FAF] =	sst s8  }
0x11: {  	[smem:$0x3FB0] =	sst s9;
	s0 =	simm.s32 @!p0 $0x0  }
0x12: {  	s1 =	sld [smem:$0x3F96];
	s0 =	simm.s32 @p0 $0x1  }
0x13: {  	[smem:$0x3FB1] =	sst s0;
	s0 =	simm.s32 @!p1 $0x0  }
0x14: {  	s2 =	sld [smem:$0x3F95];
	s0 =	simm.s32 @p1 $0x1  }
0x15: {  	[smem:$0x3FB2] =	sst s0;
	s0 =	simm.s32 @!p2 $0x0  }
0x16: {  	s3 =	sld [smem:$0x3FDB];
	s0 =	simm.s32 @p2 $0x1  }
0x17: {  	s4 =	simm.s32 $0x1BF5;
	[smem:$0x3FB4] =	sst s0  }
0x18: {  	s0 =	sld [smem:$0x3F97];
	_ =	swait.ge [sflag:s4], $0x0  }
0x19: {  	s7 =	sld [smem:$0x3F98]  }
0x1a: {  	s8 =	sadd.s32 $0xFFFFE003, lr  }
0x1b: {  	s9 =	sadd.s32 $0xFFFFFEF7, lr;
	s5 =	simm.s32 $0xFFFFFFFF;
	p2 =	slt.u32 s8, $0xFFFFF086  }
0x1c: {  	p1 =	slt.u32 s9, $0xF7A;
	s5 =	simm.s32 @!p2 $0x0  }
0x1d: {  	s5 =	simm.s32 @p1 $0x1;
	p0 =	seq.s32 s7, s2  }
0x1e: {  	s7 =	smul.u32 @!p0 $0xF7A, s2;
	p2 =	seq.s32 @!p0 s5, $0x0  }
0x1f: {  	s9 =	smul.u32 $0xF7A, s1;
	s8 =	simm.s32 @!p0 $0x1BF5;
	p2 =	por !p2, p0  }
0x20: {  	[sflag:s8] =	ssyncset.s32 @!p0 $0xFFFFF086;
	s6 =	sadd.s32 @!p0 s3, s7;
	s7 =	simm.s32 @!p0 $0x108  }
0x21: {  	s3 =	sadd.s32 s3, s9;
	s6 =	sadd.s32 @!p0 $0x88, s6;
	s7 =	simm.s32 @p2 $0x1082  }
0x22: {  	[simem:s7], [sflag:s8] =	dma.local @!p0 [hbm:s6], $0xF7A  }
0x23: {  	s9 =	sor.u32 $0xD0000000, s2;
	s6 =	simm.s32 $0x108;
	_ =	swait.ge @!p0 [sflag:s8], $0x0  }
0x24: {  	s3 =	sadd.s32 $0x88, s3;
	s6 =	simm.s32 @!p1 $0x1082;
	[sflag:s4] =	ssyncset.s32 $0xFFFFF086  }
0x25: {  	[simem:s6], [sflag:s4] =	dma.local [hbm:s3], $0xF7A  }
0x26: {  	[smem:$0x3F98] =	sst s1;
	(tag) =	ssettag s2;
	_ =	strace s9  }
0x27: {  	s1 =	sld [smem:$0x3FA8]  }
0x28: {  	s2 =	sld [smem:$0x3FA9]  }
0x29: {  	s4 =	sld [smem:$0x3FAB]  }
0x2a: {  	p0 =	seq.s32 s5, $0x0;
	s5 =	sld [smem:$0x3FAC]  }
0x2b: {  	s6 =	sld [smem:$0x3FAD]  }
0x2c: {  	s7 =	sld [smem:$0x3FAE]  }
0x2d: {  	s3 =	simm.s32 $0x108;
	s8 =	sld [smem:$0x3FAF]  }
0x2e: {  	s3 =	simm.s32 @!p0 $0x1082;
	s9 =	sld [smem:$0x3FB0]  }
0x2f: {  	lr =	sadd.s32 s0, s3;
	s0 =	sld [smem:$0x3FA7]  }
0x30: {  	s3 =	sld [smem:$0x3FAA]  }
0x31: {  	[smem:$0x3FB3] =	sst s10  }
0x32: {  	s10 =	sld [smem:$0x3FB1];
	_ =	sdelay $0x3  }
0x33: {  	p0 =	seq.s32 s10, $0x1;
	s10 =	sld [smem:$0x3FB3];
	_ =	sdelay $0x3  }
0x34: {  	[smem:$0x3FB3] =	sst s10  }
0x35: {  	s10 =	sld [smem:$0x3FB2];
	_ =	sdelay $0x3  }
0x36: {  	p1 =	seq.s32 s10, $0x1;
	s10 =	sld [smem:$0x3FB3];
	_ =	sdelay $0x3  }
0x37: {  	[smem:$0x3FB3] =	sst s10  }
0x38: {  	s10 =	sld [smem:$0x3FB4]  }
0x39: {  	_ = 	snop;
	(pc) =	sbr.ind lr, $3  }
0x3a: {  	_ = 	snop  }
0x3b: {  	_ = 	snop  }
0x3c: {  	p2 =	seq.s32 s10, $0x1;
	s10 =	sld [smem:$0x3FB3]  }
0x3d: {  	_ =	shalt  }
0x3e: {  	_ =	shalt  }
0x3f: {  	_ =	shalt  }
0x40: {  	_ =	shalt  }
0x41: {  	_ =	shalt  }
0x42: {  	_ =	shalt  }
0x43: {  	_ =	shalt  }
0x44: {  	_ =	shalt  }
0x45: {  	_ =	shalt  }
0x46: {  	_ =	shalt  }
0x47: {  	_ =	shalt  }
0x48: {  	_ =	shalt  }
0x49: {  	_ =	shalt  }
0x4a: {  	_ =	shalt  }
0x4b: {  	_ =	shalt  }
0x4c: {  	_ =	shalt  }
0x4d: {  	_ =	shalt  }
0x4e: {  	_ =	shalt  }
0x4f: {  	_ =	shalt  }
0x50: {  	_ =	shalt  }
0x51: {  	_ =	shalt  }
0x52: {  	_ =	shalt  }
0x53: {  	_ =	shalt  }
0x54: {  	_ =	shalt  }
0x55: {  	_ =	shalt  }
0x56: {  	_ =	shalt  }
0x57: {  	_ =	shalt  }
0x58: {  	_ =	shalt  }
0x59: {  	_ =	shalt  }
0x5a: {  	_ =	shalt  }
0x5b: {  	_ =	shalt  }
0x5c: {  	_ =	shalt  }
0x5d: {  	_ =	shalt  }
0x5e: {  	_ =	shalt  }
0x5f: {  	_ =	shalt  }
0x60: {  	_ =	shalt  }
0x61: {  	_ =	shalt  }
0x62: {  	_ =	shalt  }
0x63: {  	_ =	shalt  }
0x64: {  	_ =	shalt  }
0x65: {  	_ =	shalt  }
0x66: {  	_ =	shalt  }
0x67: {  	_ =	shalt  }
0x68: {  	_ =	shalt  }
0x69: {  	_ =	shalt  }
0x6a: {  	_ =	shalt  }
0x6b: {  	_ =	shalt  }
0x6c: {  	_ =	shalt  }
0x6d: {  	_ =	shalt  }
0x6e: {  	_ =	shalt  }
0x6f: {  	_ =	shalt  }
0x70: {  	_ =	shalt  }
0x71: {  	_ =	shalt  }
0x72: {  	_ =	shalt  }
0x73: {  	_ =	shalt  }
0x74: {  	_ =	shalt  }
0x75: {  	_ =	shalt  }
0x76: {  	_ =	shalt  }
0x77: {  	_ =	shalt  }
0x78: {  	_ =	shalt  }
0x79: {  	_ =	shalt  }
0x7a: {  	_ =	shalt  }
0x7b: {  	_ =	shalt  }
0x7c: {  	_ =	shalt  }
0x7d: {  	_ =	shalt  }
0x7e: {  	_ =	shalt  }
0x7f: {  	_ =	shalt  }
0x80: {  	_ =	shalt  }
0x81: {  	_ =	shalt  }
0x82: {  	_ =	shalt  }
0x83: {  	_ =	shalt  }
0x84: {  	_ =	shalt  }
0x85: {  	_ =	shalt  }
0x86: {  	_ =	shalt  }
0x87: {  	_ =	shalt  }
.Lfunc_end0:
.L_simem_size_0:
called_computation.1_lowered:
.L_overlay_start_0:
0x88: {  	s2 =	sld [smem:$0x3FD9]  }
0x89: {  	s3 =	sld [smem:$0x3FFE];
	_ =	sdelay $0x1  }
0x8a: {  	s1 =	srdreg.scid  }
0x8b: {  	s0 =	sand.u32 $0x1, s1  }
0x8c: {  	s17 =	sshll.u32 s0, $0xA;
	s2 =	sadd.s32 s3, s2  }
0x8d: {  	s2 =	sadd.s32 s2, s17  }
0x8e: {  	[smem:$0x3FBF] =	sst s2  }
0x8f: {  	_ = 	snop  }
0x90: {  	s2 =	sld [smem:$0x3FD0];
	(tm) =	ssettm $0x1  }
0x91: {  	s18 =	sld [smem:$0x3FFB];
	_ =	sdelay $0x3  }
0x92: {  	_ =	strace s18  }
0x93: {  	s3 =	sld [smem:$0x3FFC];
	_ =	sdelay $0x3  }
0x94: {  	_ =	strace s3  }
0x95: {  	s3 =	sld [smem:$0x3FFD];
	_ =	sdelay $0x3  }
0x96: {  	_ =	strace s3  }
0x97: {  	_ =	strace $0x8FFFFFFF  }
0x98: {  	s19 =	sld [smem:$0x3FDB];
	_ =	sdelay $0x1  }
0x99: {  	s4 =	simm.s32 $_scs_section_size  }
0x9a: {  	s5 =	simm.s32 $_size__tile_overlayer_lowered;
	s6 =	simm.s32 $_tile_overlayer_lowered  }
0x9b: {  	s22 =	simm.s32 $0x1BFF;
	s21 =	sshll.u32 s6, $0x1;
	s3 =	sadd.s32 s4, s19  }
0x9c: {  	s7 =	simm.s32 $0x0;
	s20 =	sshll.u32 s5, $0x1;
	s5 =	sadd.s32 s21, s3  }
0x9d: {  	[timem:s7], [sflag:s22] =	dma.local [hbm:s5], s20  }
0x9e: {  	_ =	swait.ge [sflag:s22], s20  }
0x9f: {  	s4 =	ssub.s32 $0x0, s20;
	[sflag:s22] =	ssyncset.done $0x0  }
0xa0: {  	[sflag:s22] =	ssyncadd.s32 s4;
	_ =	sdelay $0x1  }
0xa1: {  	s23 =	simm.s32 $0x1B8B  }
0xa2: {  	_ =	swait.ge [sflag:s23], $0x1  }
0xa3: {  	[sflag:s23] =	ssyncset.done $0x0  }
0xa4: {  	s25 =	simm.s32 $0x1B8E;
	s24 =	sld [smem:$0x3FFE];
	[sflag:s23] =	ssyncadd.s32 $0xFFFFFFFF  }
0xa5: {  	s26 =	simm.s32 $execute0_lowered;
	[smem:$0x3FD2] =	sst s25  }
0xa6: {  	s5 =	sshll.u32 s26, $0x1;
	_ =	strace $0x80000049;
	[dreg:$0x1] =	wrdreg $0xFFFFFFFF  }
0xa7: {  	s28 =	simm.s32 $_size_execute0_lowered;
	s3 =	sadd.s32 s3, s5;
	[dreg:$0x0] =	wrdreg $0x0  }
0xa8: {  	s5 =	sshll.u32 s28, $0x1;
	[dreg:$0x2] =	wrdreg s3  }
0xa9: {  	[dreg:$0x3] =	wrdreg s5  }
0xaa: {  	[dreg:$0x4] =	wrdreg $0xC0  }
0xab: {  	_ =	task [dreg:s7], $0x5FFFF  }
0xac: {  	[dreg:$0x1] =	wrdreg $0xFFFFFFFF  }
0xad: {  	[dreg:$0x0] =	wrdreg $0x60  }
0xae: {  	[dreg:$0x2] =	wrdreg s24  }
0xaf: {  	[dreg:$0x3] =	wrdreg s2  }
0xb0: {  	[dreg:$0x4] =	wrdreg $0xA8000  }
0xb1: {  	[dreg:$0x5] =	wrdreg $0x9  }
0xb2: {  	_ =	task.clear_ibuf [dreg:s7], $0x6FFFF;
	_ =	strace $0x90000049  }
0xb3: {  	s29 =	simm.s32 $0x9;
	_ =	strace $0x8000004B  }
0xb4: {  	_ =	swait.ge [sflag:s29], $0x1  }
0xb5: {  	[sflag:s29] =	ssyncadd.s32 $0xFFFFFFFF  }
0xb6: {  	_ =	strace $0x9000004B  }
0xb7: {  	_ =	sfence  }
0xb8: {  	s30 =	sld [smem:$0x0];
	_ =	sdelay $0x2  }
0xb9: {  	s31 =	sshll.u32 s1, $0xD;
	s1 =	sshrl.u32 s1, $0x2  }
0xba: {  	s3 =	sand.u32 $0x4000, s31;
	s1 =	sadd.s32 s1, s30  }
0xbb: {  	s0 =	sor.u32 s3, s0;
	s1 =	sshll.u32 s1, $0x11  }
0xbc: {  	s0 =	sor.u32 s1, s0  }
0xbd: {  	s0 =	sadd.s32 $0x8F2B, s0  }
0xbe: {  	[sflag:s0] =	ssyncadd.remote.s32 $0x1  }
0xbf: {  	_ =	sfence.sel $0xFFFF  }
0xc0: {  	[dreg:$0x0] =	wrdreg $0xFFFFFFFF;
	(pc) =	sbr.abs _section_cstart, $3  }
0xc1: {  	[dreg:$0x1] =	wrdreg $0xFFFFFFFF  }
0xc2: {  	_ =	task.clear_ibuf [dreg:s7], $0x2FFFF;
	_ =	strace $0x9FFFFFFF  }
0xc3: {  	(tm) =	ssettm $0x7FFFFFFF  }
tec
execute0_lowered:
.L_overlay_start_1:
0x0: {  	(tag) =	ssettag $0x1  }
0x1: {  	s7 =	rddreg [dreg:$0x0]  }
0x2: {  	s13 =	rddreg [dreg:$0x1]  }
0x3: {  	s1 =	rddreg [dreg:$0x2];
	s2 =	srdreg.scid  }
0x4: {  	s0 =	rddreg [dreg:$0x3];
	s3 =	simm.s32 $0x0;
	s18 =	simm.s32 $0x3  }
0x5: {  	s19 =	simm.s32 $0x1400;
	s20 =	simm.s32 $0x80;
	s21 =	simm.s32 $0x6800  }
0x6: {  	s22 =	simm.s32 $0x1;
	s23 =	simm.s32 $0x2;
	s24 =	simm.s32 $0x2700  }
0x7: {  	s25 =	simm.s32 $0x2780;
	s6 =	sand.u32 $0x1, s2;
	s2 =	stileid.u32  }
0x8: {  	s26 =	simm.s32 $0x0;
	[smem:$0x7FF] =	sst s3;
	s5 =	smul.u32 $0x13C000, s6  }
0x9: {  	s4 =	sadd.s32 $0x33C00, s7;
	s14 =	sadd.s32 $0x2400, s7;
	s8 =	smul.u32 $0x13C00, s2  }
0xa: {  	s9 =	smul.u32 $0x4F000, s2;
	s10 =	sshll.u32 s2, $0x1;
	s11 =	ssub.s32 $0x2, s6  }
0xb: {  	_ =	strace $0x8000004A;
	s10 =	sor.u32 s6, s10;
	s31 =	sshrl.u32 s11, $0x1  }
0xc: {  	s8 =	sadd.s32 s8, s5;
	s5 =	sadd.s32 $0x45E400, s7;
	s30 =	sshrl.u32 s9, $0x2  }
0xd: {  	s10 =	smul.u32 $0x2800, s10;
	s16 =	ssub.s32 s11, s31;
	s8 =	sshrl.u32 s8, $0x3  }
0xe: {  	s6 =	sadd.s32 s30, s1;
	s16 =	smax.u32 s16, $0x1;
	s15 =	sadd.s32 s8, s7  }
0xf: {  	s7 =	sadd.s32 $0x4000, s6;
	s8 =	sadd.s32 $0x8000, s6;
	s12 =	sshrl.u32 s10, $0x3  }
0x10: {  	s9 =	sadd.s32 $0xC000, s6;
	s10 =	sadd.s32 $0x10000, s6;
	s11 =	sadd.s32 s13, s12  }
0x11: {  	s17 =	sadd.s32 $0x280, s12;
	s12 =	sadd.s32 s14, s12;
	s15 =	sadd.s32 $0x45EC00, s15  }
0x12: {  	s13 =	sadd.s32 s13, s17;
	s14 =	sadd.s32 s14, s17;
	s17 =	simm.s32 $0x2800  }
.LBB2_1:
0x13: {  	[tilespmem:s17], [sflag:$0x3] =	stream.linear.gather [hbm4b:s5+s3], $0x4000, $0x38;
	[tilespmem:$0x1E400] =	vst v63  }
0x14: {  	_ =	swait.ge [sflag:s18], $0x4000  }
0x15: {  	[sflag:s18] =	ssyncset.done $0x0  }
0x16: {  	[sflag:s18] =	ssyncadd.s32 $0xFFFFC000  }
0x17: {  	[spmem:s6] =	stream.linear.scatter [tilespmem:s17], [sflag:$0x3], $0x4000, $0x38;
	[tilespmem:$0x1E400] =	vst v63  }
0x18: {  	_ =	swait.ge [sflag:s18], $0x4000  }
0x19: {  	[sflag:s18] =	ssyncset.done $0x0  }
0x1a: {  	[sflag:s18] =	ssyncadd.s32 $0xFFFFC000  }
0x1b: {  	[spmem:s7] =	stream.linear.scatter [tilespmem:s17], [sflag:$0x3], $0x4000, $0x38;
	[tilespmem:$0x1E400] =	vst v63  }
0x1c: {  	_ =	swait.ge [sflag:s18], $0x4000  }
0x1d: {  	[sflag:s18] =	ssyncset.done $0x0  }
0x1e: {  	[sflag:s18] =	ssyncadd.s32 $0xFFFFC000  }
0x1f: {  	[spmem:s8] =	stream.linear.scatter [tilespmem:s17], [sflag:$0x3], $0x4000, $0x38;
	[tilespmem:$0x1E400] =	vst v63  }
0x20: {  	_ =	swait.ge [sflag:s18], $0x4000  }
0x21: {  	[sflag:s18] =	ssyncset.done $0x0  }
0x22: {  	[sflag:s18] =	ssyncadd.s32 $0xFFFFC000  }
0x23: {  	[spmem:s9] =	stream.linear.scatter [tilespmem:s17], [sflag:$0x3], $0x4000, $0x38;
	[tilespmem:$0x1E400] =	vst v63  }
0x24: {  	_ =	swait.ge [sflag:s18], $0x4000  }
0x25: {  	[sflag:s18] =	ssyncset.done $0x0  }
0x26: {  	[sflag:s18] =	ssyncadd.s32 $0xFFFFC000  }
0x27: {  	[spmem:s10] =	stream.linear.scatter [tilespmem:s17], [sflag:$0x3], $0x3C00, $0x38;
	[tilespmem:$0x1E400] =	vst v63  }
0x28: {  	_ =	swait.ge [sflag:s18], $0x3C00  }
0x29: {  	[sflag:s18] =	ssyncset.done $0x0  }
0x2a: {  	[sflag:s18] =	ssyncadd.s32 $0xFFFFC400  }
0x2b: {  	[bflag:$0x0] =	sbarrier.arrive $0xFFFF  }
0x2c: {  	[tilespmem:s3], [sflag:$0x3] =	stream.linear.gather [hbm4b:s11+s3], $0x1400, $0x38;
	[tilespmem:$0x1E400] =	vst v63  }
0x2d: {  	_ =	swait.ge [sflag:s18], $0x1400  }
0x2e: {  	[sflag:s18] =	ssyncset.done $0x0  }
0x2f: {  	[sflag:s18] =	ssyncadd.s32 $0xFFFFEC00  }
0x30: {  	[tilespmem:s19], [sflag:$0x3] =	stream.linear.gather [hbm4b:s12+s3], $0x1400, $0x38;
	[tilespmem:$0x1E400] =	vst v63  }
0x31: {  	_ =	swait.ge [sflag:s18], $0x1400  }
0x32: {  	[sflag:s18] =	ssyncset.done $0x0  }
0x33: {  	[sflag:s18] =	ssyncadd.s32 $0xFFFFEC00  }
0x34: {  	[tilespmem:s17], [sflag:$0x1] =	stream.indirect.gather [hbm4b:s4+s20], $0x80, s3, s20, $0xb8;
	[tilespmem:$0x1E400] =	vst v63  }
0x35: {  	_ = 	snop  }
0x36: {  	[tilespmem:s21], [sflag:$0x2] =	stream.indirect.gather [hbm4b:s4+s20], $0x80, s20, s20, $0xb8;
	[tilespmem:$0x1E400] =	vst v63  }
0x37: {  	_ =	swait.ge [sflag:s22], $0x4000  }
0x38: {  	[sflag:s22] =	ssyncset.done $0x0  }
0x39: {  	s28 =	simm.s32 $0x1400;
	[sflag:s22] =	ssyncadd.s32 $0xFFFFC000  }
0x3a: {  	[spmem:s1] =	stream.indirect.scatter.add.f32 [tilespmem:s17], [sflag:$0x3], $0x80, s28, s20, $0xb8;
	[tilespmem:$0x1E400] =	vst v63  }
0x3b: {  	_ =	swait.ge [sflag:s18], $0x4000  }
0x3c: {  	[sflag:s18] =	ssyncset.done $0x0  }
0x3d: {  	s28 =	simm.s32 $0x100;
	[sflag:s18] =	ssyncadd.s32 $0xFFFFC000  }
0x3e: {  	[tilespmem:s17], [sflag:$0x1] =	stream.indirect.gather [hbm4b:s4+s20], $0x80, s28, s20, $0xb8;
	[tilespmem:$0x1E400] =	vst v63  }
0x3f: {  	_ =	swait.ge [sflag:s23], $0x4000  }
0x40: {  	[sflag:s23] =	ssyncset.done $0x0  }
0x41: {  	s28 =	simm.s32 $0x1480;
	[sflag:s23] =	ssyncadd.s32 $0xFFFFC000  }
0x42: {  	[spmem:s1] =	stream.indirect.scatter.add.f32 [tilespmem:s21], [sflag:$0x3], $0x80, s28, s20, $0xb8;
	[tilespmem:$0x1E400] =	vst v63  }
0x43: {  	_ =	swait.ge [sflag:s18], $0x4000  }
0x44: {  	[sflag:s18] =	ssyncset.done $0x0  }
0x45: {  	s29 =	simm.s32 $0x180;
	s28 =	simm.s32 $0x400;
	[sflag:s18] =	ssyncadd.s32 $0xFFFFC000  }
.LBB2_2:
0x46: {  	[tilespmem:s21], [sflag:$0x2] =	stream.indirect.gather [hbm4b:s4+s20], $0x80, s29, s20, $0xb8;
	[tilespmem:$0x1E400] =	vst v63  }
0x47: {  	s29 =	smov.u32 s28  }
0x48: {  	p0 =	sne.s32 s28, $0x4800;
	s28 =	sadd.s32 $0x400, s28;
	_ =	swait.ge [sflag:s22], $0x4000  }
0x49: {  	s29 =	sshra.s32 s29, $0x2;
	[sflag:s22] =	ssyncset.done $0x0  }
0x4a: {  	s30 =	sadd.s32 $0x1400, s29;
	[sflag:s22] =	ssyncadd.s32 $0xFFFFC000  }
0x4b: {  	[spmem:s1] =	stream.indirect.scatter.add.f32 [tilespmem:s17], [sflag:$0x3], $0x80, s30, s20, $0xb8;
	[tilespmem:$0x1E400] =	vst v63  }
0x4c: {  	_ =	swait.ge [sflag:s18], $0x4000  }
0x4d: {  	[sflag:s18] =	ssyncset.done $0x0  }
0x4e: {  	s30 =	sadd.s32 $0x100, s29;
	[sflag:s18] =	ssyncadd.s32 $0xFFFFC000  }
0x4f: {  	[tilespmem:s17], [sflag:$0x1] =	stream.indirect.gather [hbm4b:s4+s20], $0x80, s30, s20, $0xb8;
	[tilespmem:$0x1E400] =	vst v63  }
0x50: {  	_ =	swait.ge [sflag:s23], $0x4000  }
0x51: {  	[sflag:s23] =	ssyncset.done $0x0  }
.Ltmp0:
0x52: {  	s30 =	sadd.s32 $0x1480, s29;
	[sflag:s23] =	ssyncadd.s32 $0xFFFFC000;
	(pc) =	sbr.rel @p0 .LBB2_2-.Ltmp0, $4  }
0x53: {  	[spmem:s1] =	stream.indirect.scatter.add.f32 [tilespmem:s21], [sflag:$0x3], $0x80, s30, s20, $0xb8;
	[tilespmem:$0x1E400] =	vst v63  }
0x54: {  	_ =	swait.ge [sflag:s18], $0x4000  }
0x55: {  	[sflag:s18] =	ssyncset.done $0x0  }
0x56: {  	s29 =	sadd.s32 $0x180, s29;
	[sflag:s18] =	ssyncadd.s32 $0xFFFFC000  }
0x57: {  	[tilespmem:s21], [sflag:$0x2] =	stream.indirect.gather [hbm4b:s4+s20], $0x80, s29, s20, $0xb8;
	[tilespmem:$0x1E400] =	vst v63  }
0x58: {  	_ =	swait.ge [sflag:s22], $0x4000  }
0x59: {  	[sflag:s22] =	ssyncset.done $0x0  }
0x5a: {  	[sflag:s22] =	ssyncadd.s32 $0xFFFFC000  }
0x5b: {  	[spmem:s1] =	stream.indirect.scatter.add.f32 [tilespmem:s17], [sflag:$0x3], $0x80, s24, s20, $0xb8;
	[tilespmem:$0x1E400] =	vst v63  }
0x5c: {  	_ =	swait.ge [sflag:s18], $0x4000  }
0x5d: {  	[sflag:s18] =	ssyncset.done $0x0  }
0x5e: {  	[sflag:s18] =	ssyncadd.s32 $0xFFFFC000  }
0x5f: {  	_ =	swait.ge [sflag:s23], $0x4000  }
0x60: {  	[sflag:s23] =	ssyncset.done $0x0  }
0x61: {  	[sflag:s23] =	ssyncadd.s32 $0xFFFFC000  }
0x62: {  	[spmem:s1] =	stream.indirect.scatter.add.f32 [tilespmem:s21], [sflag:$0x3], $0x80, s25, s20, $0xb8;
	[tilespmem:$0x1E400] =	vst v63  }
0x63: {  	_ =	swait.ge [sflag:s18], $0x4000  }
0x64: {  	[sflag:s18] =	ssyncset.done $0x0  }
0x65: {  	s28 =	simm.s32 $0x0;
	[sflag:s18] =	ssyncadd.s32 $0xFFFFC000  }
0x66: {  	[tilespmem:s28], [sflag:$0x3] =	stream.linear.gather [hbm4b:s13+s28], $0x1400, $0x38;
	[tilespmem:$0x1E400] =	vst v63  }
0x67: {  	_ =	swait.ge [sflag:s18], $0x1400  }
0x68: {  	[sflag:s18] =	ssyncset.done $0x0  }
0x69: {  	[sflag:s18] =	ssyncadd.s32 $0xFFFFEC00  }
0x6a: {  	[tilespmem:s19], [sflag:$0x3] =	stream.linear.gather [hbm4b:s14+s28], $0x1400, $0x38;
	[tilespmem:$0x1E400] =	vst v63  }
0x6b: {  	_ =	swait.ge [sflag:s18], $0x1400  }
0x6c: {  	[sflag:s18] =	ssyncset.done $0x0  }
0x6d: {  	[sflag:s18] =	ssyncadd.s32 $0xFFFFEC00  }
0x6e: {  	[tilespmem:s17], [sflag:$0x1] =	stream.indirect.gather [hbm4b:s4+s20], $0x80, s28, s20, $0xb8;
	[tilespmem:$0x1E400] =	vst v63  }
0x6f: {  	_ = 	snop  }
0x70: {  	[tilespmem:s21], [sflag:$0x2] =	stream.indirect.gather [hbm4b:s4+s20], $0x80, s20, s20, $0xb8;
	[tilespmem:$0x1E400] =	vst v63  }
0x71: {  	_ =	swait.ge [sflag:s22], $0x4000  }
0x72: {  	[sflag:s22] =	ssyncset.done $0x0  }
0x73: {  	s28 =	simm.s32 $0x1400;
	[sflag:s22] =	ssyncadd.s32 $0xFFFFC000  }
0x74: {  	[spmem:s1] =	stream.indirect.scatter.add.f32 [tilespmem:s17], [sflag:$0x3], $0x80, s28, s20, $0xb8;
	[tilespmem:$0x1E400] =	vst v63  }
0x75: {  	_ =	swait.ge [sflag:s18], $0x4000  }
0x76: {  	[sflag:s18] =	ssyncset.done $0x0  }
0x77: {  	s28 =	simm.s32 $0x100;
	[sflag:s18] =	ssyncadd.s32 $0xFFFFC000  }
0x78: {  	[tilespmem:s17], [sflag:$0x1] =	stream.indirect.gather [hbm4b:s4+s20], $0x80, s28, s20, $0xb8;
	[tilespmem:$0x1E400] =	vst v63  }
0x79: {  	_ =	swait.ge [sflag:s23], $0x4000  }
0x7a: {  	[sflag:s23] =	ssyncset.done $0x0  }
0x7b: {  	s28 =	simm.s32 $0x1480;
	[sflag:s23] =	ssyncadd.s32 $0xFFFFC000  }
0x7c: {  	[spmem:s1] =	stream.indirect.scatter.add.f32 [tilespmem:s21], [sflag:$0x3], $0x80, s28, s20, $0xb8;
	[tilespmem:$0x1E400] =	vst v63  }
0x7d: {  	_ =	swait.ge [sflag:s18], $0x4000  }
0x7e: {  	[sflag:s18] =	ssyncset.done $0x0  }
0x7f: {  	s29 =	simm.s32 $0x180;
	s28 =	simm.s32 $0x400;
	[sflag:s18] =	ssyncadd.s32 $0xFFFFC000  }
.LBB2_4:
0x80: {  	[tilespmem:s21], [sflag:$0x2] =	stream.indirect.gather [hbm4b:s4+s20], $0x80, s29, s20, $0xb8;
	[tilespmem:$0x1E400] =	vst v63  }
0x81: {  	s29 =	smov.u32 s28  }
0x82: {  	p0 =	sne.s32 s28, $0x4800;
	s28 =	sadd.s32 $0x400, s28;
	_ =	swait.ge [sflag:s22], $0x4000  }
0x83: {  	s29 =	sshra.s32 s29, $0x2;
	[sflag:s22] =	ssyncset.done $0x0  }
0x84: {  	s30 =	sadd.s32 $0x1400, s29;
	[sflag:s22] =	ssyncadd.s32 $0xFFFFC000  }
0x85: {  	[spmem:s1] =	stream.indirect.scatter.add.f32 [tilespmem:s17], [sflag:$0x3], $0x80, s30, s20, $0xb8;
	[tilespmem:$0x1E400] =	vst v63  }
0x86: {  	_ =	swait.ge [sflag:s18], $0x4000  }
0x87: {  	[sflag:s18] =	ssyncset.done $0x0  }
0x88: {  	s30 =	sadd.s32 $0x100, s29;
	[sflag:s18] =	ssyncadd.s32 $0xFFFFC000  }
0x89: {  	[tilespmem:s17], [sflag:$0x1] =	stream.indirect.gather [hbm4b:s4+s20], $0x80, s30, s20, $0xb8;
	[tilespmem:$0x1E400] =	vst v63  }
0x8a: {  	_ =	swait.ge [sflag:s23], $0x4000  }
0x8b: {  	[sflag:s23] =	ssyncset.done $0x0  }
.Ltmp1:
0x8c: {  	s30 =	sadd.s32 $0x1480, s29;
	[sflag:s23] =	ssyncadd.s32 $0xFFFFC000;
	(pc) =	sbr.rel @p0 .LBB2_4-.Ltmp1, $4  }
0x8d: {  	[spmem:s1] =	stream.indirect.scatter.add.f32 [tilespmem:s21], [sflag:$0x3], $0x80, s30, s20, $0xb8;
	[tilespmem:$0x1E400] =	vst v63  }
0x8e: {  	_ =	swait.ge [sflag:s18], $0x4000  }
0x8f: {  	[sflag:s18] =	ssyncset.done $0x0  }
0x90: {  	s29 =	sadd.s32 $0x180, s29;
	[sflag:s18] =	ssyncadd.s32 $0xFFFFC000  }
0x91: {  	[tilespmem:s21], [sflag:$0x2] =	stream.indirect.gather [hbm4b:s4+s20], $0x80, s29, s20, $0xb8;
	[tilespmem:$0x1E400] =	vst v63  }
0x92: {  	_ =	swait.ge [sflag:s22], $0x4000  }
0x93: {  	[sflag:s22] =	ssyncset.done $0x0  }
0x94: {  	[sflag:s22] =	ssyncadd.s32 $0xFFFFC000  }
0x95: {  	[spmem:s1] =	stream.indirect.scatter.add.f32 [tilespmem:s17], [sflag:$0x3], $0x80, s24, s20, $0xb8;
	[tilespmem:$0x1E400] =	vst v63  }
0x96: {  	_ =	swait.ge [sflag:s18], $0x4000  }
0x97: {  	[sflag:s18] =	ssyncset.done $0x0  }
0x98: {  	[sflag:s18] =	ssyncadd.s32 $0xFFFFC000  }
0x99: {  	_ =	swait.ge [sflag:s23], $0x4000  }
0x9a: {  	[sflag:s23] =	ssyncset.done $0x0  }
0x9b: {  	[sflag:s23] =	ssyncadd.s32 $0xFFFFC000  }
0x9c: {  	[spmem:s1] =	stream.indirect.scatter.add.f32 [tilespmem:s21], [sflag:$0x3], $0x80, s25, s20, $0xb8;
	[tilespmem:$0x1E400] =	vst v63  }
0x9d: {  	_ =	swait.ge [sflag:s18], $0x4000  }
0x9e: {  	s28 =	sshll.u32 s2, $0x6;
	s26 =	sadd.s32 $0x1, s26;
	[sflag:s18] =	ssyncset.done $0x0  }
0x9f: {  	s31 =	sshrl.u32 s6, $0x3;
	p0 =	sne.s32 s26, s16;
	[sflag:s18] =	ssyncadd.s32 $0xFFFFC000  }
.Ltmp2:
0xa0: {  	s28 =	sor.u32 $0x1C03, s28;
	[bflag:$0x0] =	sbarrier.arrive $0xFFFF;
	(pc) =	sbr.rel @p0 .LBB2_1-.Ltmp2, $4  }
0xa1: {  	[hbm:s15], [sflag:s28] =	dma.local [spmem:s31], $0x2780  }
0xa2: {  	_ =	swait.ge [sflag:s18], $0x2780  }
0xa3: {  	[sflag:s18] =	ssyncset.done $0x0  }
0xa4: {  	[sflag:s18] =	ssyncadd.s32 $0xFFFFD880  }
0xa5: {  	_ =	sfence.sel $0x180000  }
0xa6: {  	[bflag:$0x0] =	sbarrier.arrive $0xFFFF  }
0xa7: {  	p0 =	sne.s32 s2, $0x0;
	_ =	strace $0x9000004A  }
0xa8: {  	s0 =	sadd.s32 @!p0 $0x100000, s0;
	[bflag:$0x2] =	sbarrier.arrive $0xFFFF  }
0xa9: {  	[sflag:s0] =	ssyncadd.tile.s32 @!p0 $0x1;
	_ =	shalt  }
.Lfunc_end2:
_tile_overlayer_lowered:
.L_overlay_start_2:
0xaa: {  	(tag) =	ssettag $0x2  }
0xab: {  	s0 =	rddreg [dreg:$0x0];
	s2 =	stileid.u32  }
0xac: {  	s1 =	rddreg [dreg:$0x1];
	p0 =	sne.s32 s2, $0x0  }
0xad: {  	s3 =	rddreg [dreg:$0x2];
	[bflag:$0x3] =	sbarrier.arrive $0xFFFF;
	s2 =	simm.s32 @!p0 $0x1C03  }
0xae: {  	[timem:s3], [sflag:s2] =	dma.local @!p0 [hbm:s0], s1  }
0xaf: {  	s0 =	simm.s32 @!p0 $0x3  }
0xb0: {  	_ =	swait.ge @!p0 [sflag:s0], s1  }
0xb1: {  	s1 =	ssub.s32 @!p0 $0x0, s1;
	[sflag:s0] =	ssyncset.done @!p0 $0x0  }
0xb2: {  	[sflag:s0] =	ssyncadd.s32 @!p0 s1  }
0xb3: {  	[bflag:$0x3] =	sbarrier.arrive $0xFFFF  }
0xb4: {  	_ =	shalt  }

// kernel: kernel.7.cloned.1.call-start
scs
__scs_entry_jumppad:
0x0: {  	(pc) =	sbr.rel $0x88, $3  }
0x1: {  	(tag) =	ssettag $0x0;
	lr =	simm.s32 $0x1  }
0x2: {  	[smem:$0x3F98] =	sst lr;
	_ =	strace $0xD0000000  }
0x3: {  	_ = 	snop  }
0x4: {  	_ = 	snop  }
0x5: {  	_ = 	snop  }
0x6: {  	_ = 	snop  }
0x7: {  	_ = 	snop  }
__scs_overlays_trampoline_lowered:
0x8: {  	[smem:$0x3FA7] =	sst s0  }
0x9: {  	[smem:$0x3FA8] =	sst s1  }
0xa: {  	[smem:$0x3FA9] =	sst s2  }
0xb: {  	[smem:$0x3FAA] =	sst s3  }
0xc: {  	[smem:$0x3FAB] =	sst s4  }
0xd: {  	[smem:$0x3FAC] =	sst s5  }
0xe: {  	[smem:$0x3FAD] =	sst s6  }
0xf: {  	[smem:$0x3FAE] =	sst s7  }
0x10: {  	[smem:$0x3FAF] =	sst s8  }
0x11: {  	[smem:$0x3FB0] =	sst s9;
	s0 =	simm.s32 @!p0 $0x0  }
0x12: {  	s1 =	sld [smem:$0x3F96];
	s0 =	simm.s32 @p0 $0x1  }
0x13: {  	[smem:$0x3FB1] =	sst s0;
	s0 =	simm.s32 @!p1 $0x0  }
0x14: {  	s2 =	sld [smem:$0x3F95];
	s0 =	simm.s32 @p1 $0x1  }
0x15: {  	[smem:$0x3FB2] =	sst s0;
	s0 =	simm.s32 @!p2 $0x0  }
0x16: {  	s3 =	sld [smem:$0x3FDB];
	s0 =	simm.s32 @p2 $0x1  }
0x17: {  	s4 =	simm.s32 $0x1BF5;
	[smem:$0x3FB4] =	sst s0  }
0x18: {  	s0 =	sld [smem:$0x3F97];
	_ =	swait.ge [sflag:s4], $0x0  }
0x19: {  	s7 =	sld [smem:$0x3F98]  }
0x1a: {  	s8 =	sadd.s32 $0xFFFFE003, lr  }
0x1b: {  	s9 =	sadd.s32 $0xFFFFFEF7, lr;
	s5 =	simm.s32 $0xFFFFFFFF;
	p2 =	slt.u32 s8, $0xFFFFF086  }
0x1c: {  	p1 =	slt.u32 s9, $0xF7A;
	s5 =	simm.s32 @!p2 $0x0  }
0x1d: {  	s5 =	simm.s32 @p1 $0x1;
	p0 =	seq.s32 s7, s2  }
0x1e: {  	s7 =	smul.u32 @!p0 $0xF7A, s2;
	p2 =	seq.s32 @!p0 s5, $0x0  }
0x1f: {  	s9 =	smul.u32 $0xF7A, s1;
	s8 =	simm.s32 @!p0 $0x1BF5;
	p2 =	por !p2, p0  }
0x20: {  	[sflag:s8] =	ssyncset.s32 @!p0 $0xFFFFF086;
	s6 =	sadd.s32 @!p0 s3, s7;
	s7 =	simm.s32 @!p0 $0x108  }
0x21: {  	s3 =	sadd.s32 s3, s9;
	s6 =	sadd.s32 @!p0 $0x88, s6;
	s7 =	simm.s32 @p2 $0x1082  }
0x22: {  	[simem:s7], [sflag:s8] =	dma.local @!p0 [hbm:s6], $0xF7A  }
0x23: {  	s9 =	sor.u32 $0xD0000000, s2;
	s6 =	simm.s32 $0x108;
	_ =	swait.ge @!p0 [sflag:s8], $0x0  }
0x24: {  	s3 =	sadd.s32 $0x88, s3;
	s6 =	simm.s32 @!p1 $0x1082;
	[sflag:s4] =	ssyncset.s32 $0xFFFFF086  }
0x25: {  	[simem:s6], [sflag:s4] =	dma.local [hbm:s3], $0xF7A  }
0x26: {  	[smem:$0x3F98] =	sst s1;
	(tag) =	ssettag s2;
	_ =	strace s9  }
0x27: {  	s1 =	sld [smem:$0x3FA8]  }
0x28: {  	s2 =	sld [smem:$0x3FA9]  }
0x29: {  	s4 =	sld [smem:$0x3FAB]  }
0x2a: {  	p0 =	seq.s32 s5, $0x0;
	s5 =	sld [smem:$0x3FAC]  }
0x2b: {  	s6 =	sld [smem:$0x3FAD]  }
0x2c: {  	s7 =	sld [smem:$0x3FAE]  }
0x2d: {  	s3 =	simm.s32 $0x108;
	s8 =	sld [smem:$0x3FAF]  }
0x2e: {  	s3 =	simm.s32 @!p0 $0x1082;
	s9 =	sld [smem:$0x3FB0]  }
0x2f: {  	lr =	sadd.s32 s0, s3;
	s0 =	sld [smem:$0x3FA7]  }
0x30: {  	s3 =	sld [smem:$0x3FAA]  }
0x31: {  	[smem:$0x3FB3] =	sst s10  }
0x32: {  	s10 =	sld [smem:$0x3FB1];
	_ =	sdelay $0x3  }
0x33: {  	p0 =	seq.s32 s10, $0x1;
	s10 =	sld [smem:$0x3FB3];
	_ =	sdelay $0x3  }
0x34: {  	[smem:$0x3FB3] =	sst s10  }
0x35: {  	s10 =	sld [smem:$0x3FB2];
	_ =	sdelay $0x3  }
0x36: {  	p1 =	seq.s32 s10, $0x1;
	s10 =	sld [smem:$0x3FB3];
	_ =	sdelay $0x3  }
0x37: {  	[smem:$0x3FB3] =	sst s10  }
0x38: {  	s10 =	sld [smem:$0x3FB4]  }
0x39: {  	_ = 	snop;
	(pc) =	sbr.ind lr, $3  }
0x3a: {  	_ = 	snop  }
0x3b: {  	_ = 	snop  }
0x3c: {  	p2 =	seq.s32 s10, $0x1;
	s10 =	sld [smem:$0x3FB3]  }
0x3d: {  	_ =	shalt  }
0x3e: {  	_ =	shalt  }
0x3f: {  	_ =	shalt  }
0x40: {  	_ =	shalt  }
0x41: {  	_ =	shalt  }
0x42: {  	_ =	shalt  }
0x43: {  	_ =	shalt  }
0x44: {  	_ =	shalt  }
0x45: {  	_ =	shalt  }
0x46: {  	_ =	shalt  }
0x47: {  	_ =	shalt  }
0x48: {  	_ =	shalt  }
0x49: {  	_ =	shalt  }
0x4a: {  	_ =	shalt  }
0x4b: {  	_ =	shalt  }
0x4c: {  	_ =	shalt  }
0x4d: {  	_ =	shalt  }
0x4e: {  	_ =	shalt  }
0x4f: {  	_ =	shalt  }
0x50: {  	_ =	shalt  }
0x51: {  	_ =	shalt  }
0x52: {  	_ =	shalt  }
0x53: {  	_ =	shalt  }
0x54: {  	_ =	shalt  }
0x55: {  	_ =	shalt  }
0x56: {  	_ =	shalt  }
0x57: {  	_ =	shalt  }
0x58: {  	_ =	shalt  }
0x59: {  	_ =	shalt  }
0x5a: {  	_ =	shalt  }
0x5b: {  	_ =	shalt  }
0x5c: {  	_ =	shalt  }
0x5d: {  	_ =	shalt  }
0x5e: {  	_ =	shalt  }
0x5f: {  	_ =	shalt  }
0x60: {  	_ =	shalt  }
0x61: {  	_ =	shalt  }
0x62: {  	_ =	shalt  }
0x63: {  	_ =	shalt  }
0x64: {  	_ =	shalt  }
0x65: {  	_ =	shalt  }
0x66: {  	_ =	shalt  }
0x67: {  	_ =	shalt  }
0x68: {  	_ =	shalt  }
0x69: {  	_ =	shalt  }
0x6a: {  	_ =	shalt  }
0x6b: {  	_ =	shalt  }
0x6c: {  	_ =	shalt  }
0x6d: {  	_ =	shalt  }
0x6e: {  	_ =	shalt  }
0x6f: {  	_ =	shalt  }
0x70: {  	_ =	shalt  }
0x71: {  	_ =	shalt  }
0x72: {  	_ =	shalt  }
0x73: {  	_ =	shalt  }
0x74: {  	_ =	shalt  }
0x75: {  	_ =	shalt  }
0x76: {  	_ =	shalt  }
0x77: {  	_ =	shalt  }
0x78: {  	_ =	shalt  }
0x79: {  	_ =	shalt  }
0x7a: {  	_ =	shalt  }
0x7b: {  	_ =	shalt  }
0x7c: {  	_ =	shalt  }
0x7d: {  	_ =	shalt  }
0x7e: {  	_ =	shalt  }
0x7f: {  	_ =	shalt  }
0x80: {  	_ =	shalt  }
0x81: {  	_ =	shalt  }
0x82: {  	_ =	shalt  }
0x83: {  	_ =	shalt  }
0x84: {  	_ =	shalt  }
0x85: {  	_ =	shalt  }
0x86: {  	_ =	shalt  }
0x87: {  	_ =	shalt  }
.Lfunc_end0:
.L_simem_size_0:
called_computation_lowered:
.L_overlay_start_0:
0x88: {  	s2 =	sld [smem:$0x3FD9]  }
0x89: {  	s3 =	sld [smem:$0x3FFE];
	_ =	sdelay $0x1  }
0x8a: {  	s1 =	srdreg.scid  }
0x8b: {  	s0 =	sand.u32 $0x1, s1  }
0x8c: {  	s17 =	sshll.u32 s0, $0xA;
	s2 =	sadd.s32 s3, s2  }
0x8d: {  	s2 =	sadd.s32 s2, s17  }
0x8e: {  	[smem:$0x3FBF] =	sst s2  }
0x8f: {  	_ = 	snop  }
0x90: {  	s2 =	sld [smem:$0x3FD0];
	(tm) =	ssettm $0x1  }
0x91: {  	s18 =	sld [smem:$0x3FFB];
	_ =	sdelay $0x3  }
0x92: {  	_ =	strace s18  }
0x93: {  	s3 =	sld [smem:$0x3FFC];
	_ =	sdelay $0x3  }
0x94: {  	_ =	strace s3  }
0x95: {  	s3 =	sld [smem:$0x3FFD];
	_ =	sdelay $0x3  }
0x96: {  	_ =	strace s3  }
0x97: {  	_ =	strace $0x8FFFFFFF  }
0x98: {  	s19 =	sld [smem:$0x3FDB];
	_ =	sdelay $0x1  }
0x99: {  	s4 =	simm.s32 $_scs_section_size  }
0x9a: {  	s5 =	simm.s32 $_size__tile_overlayer_lowered;
	s6 =	simm.s32 $_tile_overlayer_lowered  }
0x9b: {  	s22 =	simm.s32 $0x1BFF;
	s21 =	sshll.u32 s6, $0x1;
	s3 =	sadd.s32 s4, s19  }
0x9c: {  	s7 =	simm.s32 $0x0;
	s20 =	sshll.u32 s5, $0x1;
	s5 =	sadd.s32 s21, s3  }
0x9d: {  	[timem:s7], [sflag:s22] =	dma.local [hbm:s5], s20  }
0x9e: {  	_ =	swait.ge [sflag:s22], s20  }
0x9f: {  	s4 =	ssub.s32 $0x0, s20;
	[sflag:s22] =	ssyncset.done $0x0  }
0xa0: {  	[sflag:s22] =	ssyncadd.s32 s4;
	_ =	sdelay $0x1  }
0xa1: {  	s23 =	simm.s32 $0x1B8B  }
0xa2: {  	_ =	swait.ge [sflag:s23], $0x1  }
0xa3: {  	[sflag:s23] =	ssyncset.done $0x0  }
0xa4: {  	s25 =	simm.s32 $0x1B8E;
	s24 =	sld [smem:$0x3FFE];
	[sflag:s23] =	ssyncadd.s32 $0xFFFFFFFF  }
0xa5: {  	s26 =	simm.s32 $execute0_lowered;
	[smem:$0x3FD2] =	sst s25  }
0xa6: {  	s5 =	sshll.u32 s26, $0x1;
	_ =	strace $0x80000046;
	[dreg:$0x1] =	wrdreg $0xFFFFFFFF  }
0xa7: {  	s28 =	simm.s32 $_size_execute0_lowered;
	s3 =	sadd.s32 s3, s5;
	[dreg:$0x0] =	wrdreg $0x0  }
0xa8: {  	s5 =	sshll.u32 s28, $0x1;
	[dreg:$0x2] =	wrdreg s3  }
0xa9: {  	[dreg:$0x3] =	wrdreg s5  }
0xaa: {  	[dreg:$0x4] =	wrdreg $0xC0  }
0xab: {  	_ =	task [dreg:s7], $0x5FFFF  }
0xac: {  	[dreg:$0x1] =	wrdreg $0xFFFFFFFF  }
0xad: {  	[dreg:$0x0] =	wrdreg $0x60  }
0xae: {  	[dreg:$0x2] =	wrdreg s24  }
0xaf: {  	[dreg:$0x3] =	wrdreg s2  }
0xb0: {  	[dreg:$0x4] =	wrdreg $0xA8000  }
0xb1: {  	[dreg:$0x5] =	wrdreg $0x9  }
0xb2: {  	_ =	task.clear_ibuf [dreg:s7], $0x6FFFF;
	_ =	strace $0x90000046  }
0xb3: {  	s29 =	simm.s32 $0x9;
	_ =	strace $0x80000048  }
0xb4: {  	_ =	swait.ge [sflag:s29], $0x1  }
0xb5: {  	[sflag:s29] =	ssyncadd.s32 $0xFFFFFFFF  }
0xb6: {  	_ =	strace $0x90000048  }
0xb7: {  	_ =	sfence  }
0xb8: {  	s30 =	sld [smem:$0x0];
	_ =	sdelay $0x2  }
0xb9: {  	s31 =	sshll.u32 s1, $0xD;
	s1 =	sshrl.u32 s1, $0x2  }
0xba: {  	s3 =	sand.u32 $0x4000, s31;
	s1 =	sadd.s32 s1, s30  }
0xbb: {  	s0 =	sor.u32 s3, s0;
	s1 =	sshll.u32 s1, $0x11  }
0xbc: {  	s0 =	sor.u32 s1, s0  }
0xbd: {  	s0 =	sadd.s32 $0x8F2B, s0  }
0xbe: {  	[sflag:s0] =	ssyncadd.remote.s32 $0x1  }
0xbf: {  	_ =	sfence.sel $0xFFFF  }
0xc0: {  	[dreg:$0x0] =	wrdreg $0xFFFFFFFF;
	(pc) =	sbr.abs _section_cstart, $3  }
0xc1: {  	[dreg:$0x1] =	wrdreg $0xFFFFFFFF  }
0xc2: {  	_ =	task.clear_ibuf [dreg:s7], $0x2FFFF;
	_ =	strace $0x9FFFFFFF  }
0xc3: {  	(tm) =	ssettm $0x7FFFFFFF  }
tec
execute0_lowered:
.L_overlay_start_1:
0x0: {  	(tag) =	ssettag $0x1  }
0x1: {  	s7 =	rddreg [dreg:$0x0]  }
0x2: {  	s13 =	rddreg [dreg:$0x1]  }
0x3: {  	s1 =	rddreg [dreg:$0x2];
	s2 =	srdreg.scid  }
0x4: {  	s0 =	rddreg [dreg:$0x3];
	s3 =	simm.s32 $0x0;
	s18 =	simm.s32 $0x3  }
0x5: {  	s19 =	simm.s32 $0x1400;
	s20 =	simm.s32 $0x80;
	s21 =	simm.s32 $0x6800  }
0x6: {  	s22 =	simm.s32 $0x1;
	s23 =	simm.s32 $0x2;
	s24 =	simm.s32 $0x2700  }
0x7: {  	s25 =	simm.s32 $0x2780;
	s6 =	sand.u32 $0x1, s2;
	s2 =	stileid.u32  }
0x8: {  	s26 =	simm.s32 $0x0;
	[smem:$0x7FF] =	sst s3;
	s5 =	smul.u32 $0x13C000, s6  }
0x9: {  	s4 =	sadd.s32 $0x33C00, s7;
	s14 =	sadd.s32 $0x2400, s7;
	s8 =	smul.u32 $0x13C00, s2  }
0xa: {  	s9 =	smul.u32 $0x4F000, s2;
	s10 =	sshll.u32 s2, $0x1;
	s11 =	ssub.s32 $0x2, s6  }
0xb: {  	_ =	strace $0x80000047;
	s10 =	sor.u32 s6, s10;
	s31 =	sshrl.u32 s11, $0x1  }
0xc: {  	s8 =	sadd.s32 s8, s5;
	s5 =	sadd.s32 $0x45E400, s7;
	s30 =	sshrl.u32 s9, $0x2  }
0xd: {  	s10 =	smul.u32 $0x2800, s10;
	s16 =	ssub.s32 s11, s31;
	s8 =	sshrl.u32 s8, $0x3  }
0xe: {  	s6 =	sadd.s32 s30, s1;
	s16 =	smax.u32 s16, $0x1;
	s15 =	sadd.s32 s8, s7  }
0xf: {  	s7 =	sadd.s32 $0x4000, s6;
	s8 =	sadd.s32 $0x8000, s6;
	s12 =	sshrl.u32 s10, $0x3  }
0x10: {  	s9 =	sadd.s32 $0xC000, s6;
	s10 =	sadd.s32 $0x10000, s6;
	s11 =	sadd.s32 s13, s12  }
0x11: {  	s17 =	sadd.s32 $0x280, s12;
	s12 =	sadd.s32 s14, s12;
	s15 =	sadd.s32 $0x45EC00, s15  }
0x12: {  	s13 =	sadd.s32 s13, s17;
	s14 =	sadd.s32 s14, s17;
	s17 =	simm.s32 $0x2800  }
.LBB2_1:
0x13: {  	[tilespmem:s17], [sflag:$0x3] =	stream.linear.gather [hbm4b:s5+s3], $0x4000, $0x38;
	[tilespmem:$0x1E400] =	vst v63  }
0x14: {  	_ =	swait.ge [sflag:s18], $0x4000  }
0x15: {  	[sflag:s18] =	ssyncset.done $0x0  }
0x16: {  	[sflag:s18] =	ssyncadd.s32 $0xFFFFC000  }
0x17: {  	[spmem:s6] =	stream.linear.scatter [tilespmem:s17], [sflag:$0x3], $0x4000, $0x38;
	[tilespmem:$0x1E400] =	vst v63  }
0x18: {  	_ =	swait.ge [sflag:s18], $0x4000  }
0x19: {  	[sflag:s18] =	ssyncset.done $0x0  }
0x1a: {  	[sflag:s18] =	ssyncadd.s32 $0xFFFFC000  }
0x1b: {  	[spmem:s7] =	stream.linear.scatter [tilespmem:s17], [sflag:$0x3], $0x4000, $0x38;
	[tilespmem:$0x1E400] =	vst v63  }
0x1c: {  	_ =	swait.ge [sflag:s18], $0x4000  }
0x1d: {  	[sflag:s18] =	ssyncset.done $0x0  }
0x1e: {  	[sflag:s18] =	ssyncadd.s32 $0xFFFFC000  }
0x1f: {  	[spmem:s8] =	stream.linear.scatter [tilespmem:s17], [sflag:$0x3], $0x4000, $0x38;
	[tilespmem:$0x1E400] =	vst v63  }
0x20: {  	_ =	swait.ge [sflag:s18], $0x4000  }
0x21: {  	[sflag:s18] =	ssyncset.done $0x0  }
0x22: {  	[sflag:s18] =	ssyncadd.s32 $0xFFFFC000  }
0x23: {  	[spmem:s9] =	stream.linear.scatter [tilespmem:s17], [sflag:$0x3], $0x4000, $0x38;
	[tilespmem:$0x1E400] =	vst v63  }
0x24: {  	_ =	swait.ge [sflag:s18], $0x4000  }
0x25: {  	[sflag:s18] =	ssyncset.done $0x0  }
0x26: {  	[sflag:s18] =	ssyncadd.s32 $0xFFFFC000  }
0x27: {  	[spmem:s10] =	stream.linear.scatter [tilespmem:s17], [sflag:$0x3], $0x3C00, $0x38;
	[tilespmem:$0x1E400] =	vst v63  }
0x28: {  	_ =	swait.ge [sflag:s18], $0x3C00  }
0x29: {  	[sflag:s18] =	ssyncset.done $0x0  }
0x2a: {  	[sflag:s18] =	ssyncadd.s32 $0xFFFFC400  }
0x2b: {  	[bflag:$0x0] =	sbarrier.arrive $0xFFFF  }
0x2c: {  	[tilespmem:s3], [sflag:$0x3] =	stream.linear.gather [hbm4b:s11+s3], $0x1400, $0x38;
	[tilespmem:$0x1E400] =	vst v63  }
0x2d: {  	_ =	swait.ge [sflag:s18], $0x1400  }
0x2e: {  	[sflag:s18] =	ssyncset.done $0x0  }
0x2f: {  	[sflag:s18] =	ssyncadd.s32 $0xFFFFEC00  }
0x30: {  	[tilespmem:s19], [sflag:$0x3] =	stream.linear.gather [hbm4b:s12+s3], $0x1400, $0x38;
	[tilespmem:$0x1E400] =	vst v63  }
0x31: {  	_ =	swait.ge [sflag:s18], $0x1400  }
0x32: {  	[sflag:s18] =	ssyncset.done $0x0  }
0x33: {  	[sflag:s18] =	ssyncadd.s32 $0xFFFFEC00  }
0x34: {  	[tilespmem:s17], [sflag:$0x1] =	stream.indirect.gather [hbm4b:s4+s20], $0x80, s3, s20, $0xb8;
	[tilespmem:$0x1E400] =	vst v63  }
0x35: {  	_ = 	snop  }
0x36: {  	[tilespmem:s21], [sflag:$0x2] =	stream.indirect.gather [hbm4b:s4+s20], $0x80, s20, s20, $0xb8;
	[tilespmem:$0x1E400] =	vst v63  }
0x37: {  	_ =	swait.ge [sflag:s22], $0x4000  }
0x38: {  	[sflag:s22] =	ssyncset.done $0x0  }
0x39: {  	s28 =	simm.s32 $0x1400;
	[sflag:s22] =	ssyncadd.s32 $0xFFFFC000  }
0x3a: {  	[spmem:s1] =	stream.indirect.scatter.add.f32 [tilespmem:s17], [sflag:$0x3], $0x80, s28, s20, $0xb8;
	[tilespmem:$0x1E400] =	vst v63  }
0x3b: {  	_ =	swait.ge [sflag:s18], $0x4000  }
0x3c: {  	[sflag:s18] =	ssyncset.done $0x0  }
0x3d: {  	s28 =	simm.s32 $0x100;
	[sflag:s18] =	ssyncadd.s32 $0xFFFFC000  }
0x3e: {  	[tilespmem:s17], [sflag:$0x1] =	stream.indirect.gather [hbm4b:s4+s20], $0x80, s28, s20, $0xb8;
	[tilespmem:$0x1E400] =	vst v63  }
0x3f: {  	_ =	swait.ge [sflag:s23], $0x4000  }
0x40: {  	[sflag:s23] =	ssyncset.done $0x0  }
0x41: {  	s28 =	simm.s32 $0x1480;
	[sflag:s23] =	ssyncadd.s32 $0xFFFFC000  }
0x42: {  	[spmem:s1] =	stream.indirect.scatter.add.f32 [tilespmem:s21], [sflag:$0x3], $0x80, s28, s20, $0xb8;
	[tilespmem:$0x1E400] =	vst v63  }
0x43: {  	_ =	swait.ge [sflag:s18], $0x4000  }
0x44: {  	[sflag:s18] =	ssyncset.done $0x0  }
0x45: {  	s29 =	simm.s32 $0x180;
	s28 =	simm.s32 $0x400;
	[sflag:s18] =	ssyncadd.s32 $0xFFFFC000  }
.LBB2_2:
0x46: {  	[tilespmem:s21], [sflag:$0x2] =	stream.indirect.gather [hbm4b:s4+s20], $0x80, s29, s20, $0xb8;
	[tilespmem:$0x1E400] =	vst v63  }
0x47: {  	s29 =	smov.u32 s28  }
0x48: {  	p0 =	sne.s32 s28, $0x4800;
	s28 =	sadd.s32 $0x400, s28;
	_ =	swait.ge [sflag:s22], $0x4000  }
0x49: {  	s29 =	sshra.s32 s29, $0x2;
	[sflag:s22] =	ssyncset.done $0x0  }
0x4a: {  	s30 =	sadd.s32 $0x1400, s29;
	[sflag:s22] =	ssyncadd.s32 $0xFFFFC000  }
0x4b: {  	[spmem:s1] =	stream.indirect.scatter.add.f32 [tilespmem:s17], [sflag:$0x3], $0x80, s30, s20, $0xb8;
	[tilespmem:$0x1E400] =	vst v63  }
0x4c: {  	_ =	swait.ge [sflag:s18], $0x4000  }
0x4d: {  	[sflag:s18] =	ssyncset.done $0x0  }
0x4e: {  	s30 =	sadd.s32 $0x100, s29;
	[sflag:s18] =	ssyncadd.s32 $0xFFFFC000  }
0x4f: {  	[tilespmem:s17], [sflag:$0x1] =	stream.indirect.gather [hbm4b:s4+s20], $0x80, s30, s20, $0xb8;
	[tilespmem:$0x1E400] =	vst v63  }
0x50: {  	_ =	swait.ge [sflag:s23], $0x4000  }
0x51: {  	[sflag:s23] =	ssyncset.done $0x0  }
.Ltmp0:
0x52: {  	s30 =	sadd.s32 $0x1480, s29;
	[sflag:s23] =	ssyncadd.s32 $0xFFFFC000;
	(pc) =	sbr.rel @p0 .LBB2_2-.Ltmp0, $4  }
0x53: {  	[spmem:s1] =	stream.indirect.scatter.add.f32 [tilespmem:s21], [sflag:$0x3], $0x80, s30, s20, $0xb8;
	[tilespmem:$0x1E400] =	vst v63  }
0x54: {  	_ =	swait.ge [sflag:s18], $0x4000  }
0x55: {  	[sflag:s18] =	ssyncset.done $0x0  }
0x56: {  	s29 =	sadd.s32 $0x180, s29;
	[sflag:s18] =	ssyncadd.s32 $0xFFFFC000  }
0x57: {  	[tilespmem:s21], [sflag:$0x2] =	stream.indirect.gather [hbm4b:s4+s20], $0x80, s29, s20, $0xb8;
	[tilespmem:$0x1E400] =	vst v63  }
0x58: {  	_ =	swait.ge [sflag:s22], $0x4000  }
0x59: {  	[sflag:s22] =	ssyncset.done $0x0  }
0x5a: {  	[sflag:s22] =	ssyncadd.s32 $0xFFFFC000  }
0x5b: {  	[spmem:s1] =	stream.indirect.scatter.add.f32 [tilespmem:s17], [sflag:$0x3], $0x80, s24, s20, $0xb8;
	[tilespmem:$0x1E400] =	vst v63  }
0x5c: {  	_ =	swait.ge [sflag:s18], $0x4000  }
0x5d: {  	[sflag:s18] =	ssyncset.done $0x0  }
0x5e: {  	[sflag:s18] =	ssyncadd.s32 $0xFFFFC000  }
0x5f: {  	_ =	swait.ge [sflag:s23], $0x4000  }
0x60: {  	[sflag:s23] =	ssyncset.done $0x0  }
0x61: {  	[sflag:s23] =	ssyncadd.s32 $0xFFFFC000  }
0x62: {  	[spmem:s1] =	stream.indirect.scatter.add.f32 [tilespmem:s21], [sflag:$0x3], $0x80, s25, s20, $0xb8;
	[tilespmem:$0x1E400] =	vst v63  }
0x63: {  	_ =	swait.ge [sflag:s18], $0x4000  }
0x64: {  	[sflag:s18] =	ssyncset.done $0x0  }
0x65: {  	s28 =	simm.s32 $0x0;
	[sflag:s18] =	ssyncadd.s32 $0xFFFFC000  }
0x66: {  	[tilespmem:s28], [sflag:$0x3] =	stream.linear.gather [hbm4b:s13+s28], $0x1400, $0x38;
	[tilespmem:$0x1E400] =	vst v63  }
0x67: {  	_ =	swait.ge [sflag:s18], $0x1400  }
0x68: {  	[sflag:s18] =	ssyncset.done $0x0  }
0x69: {  	[sflag:s18] =	ssyncadd.s32 $0xFFFFEC00  }
0x6a: {  	[tilespmem:s19], [sflag:$0x3] =	stream.linear.gather [hbm4b:s14+s28], $0x1400, $0x38;
	[tilespmem:$0x1E400] =	vst v63  }
0x6b: {  	_ =	swait.ge [sflag:s18], $0x1400  }
0x6c: {  	[sflag:s18] =	ssyncset.done $0x0  }
0x6d: {  	[sflag:s18] =	ssyncadd.s32 $0xFFFFEC00  }
0x6e: {  	[tilespmem:s17], [sflag:$0x1] =	stream.indirect.gather [hbm4b:s4+s20], $0x80, s28, s20, $0xb8;
	[tilespmem:$0x1E400] =	vst v63  }
0x6f: {  	_ = 	snop  }
0x70: {  	[tilespmem:s21], [sflag:$0x2] =	stream.indirect.gather [hbm4b:s4+s20], $0x80, s20, s20, $0xb8;
	[tilespmem:$0x1E400] =	vst v63  }
0x71: {  	_ =	swait.ge [sflag:s22], $0x4000  }
0x72: {  	[sflag:s22] =	ssyncset.done $0x0  }
0x73: {  	s28 =	simm.s32 $0x1400;
	[sflag:s22] =	ssyncadd.s32 $0xFFFFC000  }
0x74: {  	[spmem:s1] =	stream.indirect.scatter.add.f32 [tilespmem:s17], [sflag:$0x3], $0x80, s28, s20, $0xb8;
	[tilespmem:$0x1E400] =	vst v63  }
0x75: {  	_ =	swait.ge [sflag:s18], $0x4000  }
0x76: {  	[sflag:s18] =	ssyncset.done $0x0  }
0x77: {  	s28 =	simm.s32 $0x100;
	[sflag:s18] =	ssyncadd.s32 $0xFFFFC000  }
0x78: {  	[tilespmem:s17], [sflag:$0x1] =	stream.indirect.gather [hbm4b:s4+s20], $0x80, s28, s20, $0xb8;
	[tilespmem:$0x1E400] =	vst v63  }
0x79: {  	_ =	swait.ge [sflag:s23], $0x4000  }
0x7a: {  	[sflag:s23] =	ssyncset.done $0x0  }
0x7b: {  	s28 =	simm.s32 $0x1480;
	[sflag:s23] =	ssyncadd.s32 $0xFFFFC000  }
0x7c: {  	[spmem:s1] =	stream.indirect.scatter.add.f32 [tilespmem:s21], [sflag:$0x3], $0x80, s28, s20, $0xb8;
	[tilespmem:$0x1E400] =	vst v63  }
0x7d: {  	_ =	swait.ge [sflag:s18], $0x4000  }
0x7e: {  	[sflag:s18] =	ssyncset.done $0x0  }
0x7f: {  	s29 =	simm.s32 $0x180;
	s28 =	simm.s32 $0x400;
	[sflag:s18] =	ssyncadd.s32 $0xFFFFC000  }
.LBB2_4:
0x80: {  	[tilespmem:s21], [sflag:$0x2] =	stream.indirect.gather [hbm4b:s4+s20], $0x80, s29, s20, $0xb8;
	[tilespmem:$0x1E400] =	vst v63  }
0x81: {  	s29 =	smov.u32 s28  }
0x82: {  	p0 =	sne.s32 s28, $0x4800;
	s28 =	sadd.s32 $0x400, s28;
	_ =	swait.ge [sflag:s22], $0x4000  }
0x83: {  	s29 =	sshra.s32 s29, $0x2;
	[sflag:s22] =	ssyncset.done $0x0  }
0x84: {  	s30 =	sadd.s32 $0x1400, s29;
	[sflag:s22] =	ssyncadd.s32 $0xFFFFC000  }
0x85: {  	[spmem:s1] =	stream.indirect.scatter.add.f32 [tilespmem:s17], [sflag:$0x3], $0x80, s30, s20, $0xb8;
	[tilespmem:$0x1E400] =	vst v63  }
0x86: {  	_ =	swait.ge [sflag:s18], $0x4000  }
0x87: {  	[sflag:s18] =	ssyncset.done $0x0  }
0x88: {  	s30 =	sadd.s32 $0x100, s29;
	[sflag:s18] =	ssyncadd.s32 $0xFFFFC000  }
0x89: {  	[tilespmem:s17], [sflag:$0x1] =	stream.indirect.gather [hbm4b:s4+s20], $0x80, s30, s20, $0xb8;
	[tilespmem:$0x1E400] =	vst v63  }
0x8a: {  	_ =	swait.ge [sflag:s23], $0x4000  }
0x8b: {  	[sflag:s23] =	ssyncset.done $0x0  }
.Ltmp1:
0x8c: {  	s30 =	sadd.s32 $0x1480, s29;
	[sflag:s23] =	ssyncadd.s32 $0xFFFFC000;
	(pc) =	sbr.rel @p0 .LBB2_4-.Ltmp1, $4  }
0x8d: {  	[spmem:s1] =	stream.indirect.scatter.add.f32 [tilespmem:s21], [sflag:$0x3], $0x80, s30, s20, $0xb8;
	[tilespmem:$0x1E400] =	vst v63  }
0x8e: {  	_ =	swait.ge [sflag:s18], $0x4000  }
0x8f: {  	[sflag:s18] =	ssyncset.done $0x0  }
0x90: {  	s29 =	sadd.s32 $0x180, s29;
	[sflag:s18] =	ssyncadd.s32 $0xFFFFC000  }
0x91: {  	[tilespmem:s21], [sflag:$0x2] =	stream.indirect.gather [hbm4b:s4+s20], $0x80, s29, s20, $0xb8;
	[tilespmem:$0x1E400] =	vst v63  }
0x92: {  	_ =	swait.ge [sflag:s22], $0x4000  }
0x93: {  	[sflag:s22] =	ssyncset.done $0x0  }
0x94: {  	[sflag:s22] =	ssyncadd.s32 $0xFFFFC000  }
0x95: {  	[spmem:s1] =	stream.indirect.scatter.add.f32 [tilespmem:s17], [sflag:$0x3], $0x80, s24, s20, $0xb8;
	[tilespmem:$0x1E400] =	vst v63  }
0x96: {  	_ =	swait.ge [sflag:s18], $0x4000  }
0x97: {  	[sflag:s18] =	ssyncset.done $0x0  }
0x98: {  	[sflag:s18] =	ssyncadd.s32 $0xFFFFC000  }
0x99: {  	_ =	swait.ge [sflag:s23], $0x4000  }
0x9a: {  	[sflag:s23] =	ssyncset.done $0x0  }
0x9b: {  	[sflag:s23] =	ssyncadd.s32 $0xFFFFC000  }
0x9c: {  	[spmem:s1] =	stream.indirect.scatter.add.f32 [tilespmem:s21], [sflag:$0x3], $0x80, s25, s20, $0xb8;
	[tilespmem:$0x1E400] =	vst v63  }
0x9d: {  	_ =	swait.ge [sflag:s18], $0x4000  }
0x9e: {  	s28 =	sshll.u32 s2, $0x6;
	s26 =	sadd.s32 $0x1, s26;
	[sflag:s18] =	ssyncset.done $0x0  }
0x9f: {  	s31 =	sshrl.u32 s6, $0x3;
	p0 =	sne.s32 s26, s16;
	[sflag:s18] =	ssyncadd.s32 $0xFFFFC000  }
.Ltmp2:
0xa0: {  	s28 =	sor.u32 $0x1C03, s28;
	[bflag:$0x0] =	sbarrier.arrive $0xFFFF;
	(pc) =	sbr.rel @p0 .LBB2_1-.Ltmp2, $4  }
0xa1: {  	[hbm:s15], [sflag:s28] =	dma.local [spmem:s31], $0x2780  }
0xa2: {  	_ =	swait.ge [sflag:s18], $0x2780  }
0xa3: {  	[sflag:s18] =	ssyncset.done $0x0  }
0xa4: {  	[sflag:s18] =	ssyncadd.s32 $0xFFFFD880  }
0xa5: {  	_ =	sfence.sel $0x180000  }
0xa6: {  	[bflag:$0x0] =	sbarrier.arrive $0xFFFF  }
0xa7: {  	p0 =	sne.s32 s2, $0x0;
	_ =	strace $0x90000047  }
0xa8: {  	s0 =	sadd.s32 @!p0 $0x100000, s0;
	[bflag:$0x2] =	sbarrier.arrive $0xFFFF  }
0xa9: {  	[sflag:s0] =	ssyncadd.tile.s32 @!p0 $0x1;
	_ =	shalt  }
.Lfunc_end2:
_tile_overlayer_lowered:
.L_overlay_start_2:
0xaa: {  	(tag) =	ssettag $0x2  }
0xab: {  	s0 =	rddreg [dreg:$0x0];
	s2 =	stileid.u32  }
0xac: {  	s1 =	rddreg [dreg:$0x1];
	p0 =	sne.s32 s2, $0x0  }
0xad: {  	s3 =	rddreg [dreg:$0x2];
	[bflag:$0x3] =	sbarrier.arrive $0xFFFF;
	s2 =	simm.s32 @!p0 $0x1C03  }
0xae: {  	[timem:s3], [sflag:s2] =	dma.local @!p0 [hbm:s0], s1  }
0xaf: {  	s0 =	simm.s32 @!p0 $0x3  }
0xb0: {  	_ =	swait.ge @!p0 [sflag:s0], s1  }
0xb1: {  	s1 =	ssub.s32 @!p0 $0x0, s1;
	[sflag:s0] =	ssyncset.done @!p0 $0x0  }
0xb2: {  	[sflag:s0] =	ssyncadd.s32 @!p0 s1  }
0xb3: {  	[bflag:$0x3] =	sbarrier.arrive $0xFFFF  }
0xb4: {  	_ =	shalt  }

</sc_bundles>
